<compile_context>
chip_gen: v7x
topology: tpu7x:2x2x1
jax: 0.10.2.dev20260603
libtpu: 0.0.44.dev20260713+nightly
codegen_flags: <defaults>
</compile_context>

<pallas_src>
import functools

import jax
import jax.numpy as jnp
from jax import lax
from jax.experimental import pallas as pl
from jax.experimental.pallas import tpu as pltpu
from jax.experimental.pallas import tpu_sc as plsc

N = 50000
E = 800000
D = 64

NC = 2
NS = 16
L = 16

BLK = 6272
GRID = 8
HROWS = GRID * BLK
NPAD = 51200
ROWS_PT = NPAD // NS
TRASH = NPAD - 1
SRC_PAD = HROWS - 1
CH = 128
GRP = 10
NGRP = 40
EPT = CH * GRP * NGRP
EPAD = EPT * NS
ZROWS = 320
NBUF = 6
LEAD = 3
SBUF = 3

_mesh = plsc.VectorSubcoreMesh(core_axis_name="c", subcore_axis_name="s")
_sc_params = pltpu.CompilerParams(use_tc_tiling_on_sc=False,
                                 needs_layout_passes=False)


@functools.partial(
    pl.kernel,
    out_type=jax.ShapeDtypeStruct((NC, NPAD, 16), jnp.float32),
    mesh=_mesh,
    scratch_types=[
        pltpu.VMEM_SHARED((NPAD, 16), jnp.float32),
        pltpu.VMEM((GRP, CH), jnp.int32),
        pltpu.VMEM((CH, 16), jnp.float32),
        pltpu.VMEM((ZROWS, 16), jnp.float32),
        pltpu.SemaphoreType.DMA,
    ],
    compiler_params=_sc_params,
)
def _hist_kernel(edges, degs, hist, sbuf, ones, zbuf, ssem):
    c = lax.axis_index("c")
    s = lax.axis_index("s")
    one = jnp.ones((L,), jnp.float32)
    zero = jnp.zeros((L,), jnp.float32)

    @pl.loop(0, CH)
    def _(i):
        ones[i, :] = one

    @pl.loop(0, ZROWS)
    def _(i):
        zbuf[i, :] = zero

    @pl.loop(0, ROWS_PT // ZROWS)
    def _(i):
        pltpu.sync_copy(zbuf, hist.at[pl.ds(s * ROWS_PT + i * ZROWS, ZROWS)])

    plsc.subcore_barrier()

    @pl.loop(0, NGRP)
    def _(g):
        pltpu.sync_copy(edges.at[c, s * NGRP + g], sbuf)
        descs = [
            pltpu.async_copy(ones, hist.at[sbuf.at[j]], ssem, add=True)
            for j in range(GRP)
        ]
        for d in descs:
            d.wait()

    plsc.subcore_barrier()

    @pl.loop(0, ROWS_PT // ZROWS)
    def _(i):
        r0 = s * ROWS_PT + i * ZROWS
        pltpu.sync_copy(hist.at[pl.ds(r0, ZROWS)], degs.at[c, pl.ds(r0, ZROWS)])


@functools.partial(
    pl.kernel,
    out_type=jax.ShapeDtypeStruct((NC, NPAD, 128), jnp.float32),
    mesh=_mesh,
    scratch_types=[
        pltpu.VMEM_SHARED((NPAD, 32), jnp.float32),
        pltpu.VMEM((GRP, CH), jnp.int32),
        pltpu.VMEM((GRP, CH), jnp.int32),
        pltpu.VMEM((NBUF, CH, 16), jnp.int32),
        pltpu.VMEM((SBUF, CH, 32), jnp.float32),
        pltpu.SemaphoreType.DMA((NBUF,)),
        pltpu.SemaphoreType.DMA((SBUF,)),
    ],
    compiler_params=_sc_params,
)
def _gs_kernel(hi, edges, agg_out, agg, sbuf, dbuf, gbuf, fbuf,
               gsem, ssem):
    c = lax.axis_index("c")
    s = lax.axis_index("s")
    zero = jnp.zeros((L,), jnp.float32)

    @pl.loop(0, CH)
    def _(i):
        fbuf[0, i, pl.ds(0, L)] = zero
        fbuf[0, i, pl.ds(L, L)] = zero

    @pl.loop(0, ROWS_PT // CH)
    def _(i):
        pltpu.sync_copy(fbuf.at[0],
                        agg.at[pl.ds(s * ROWS_PT + i * CH, CH)])

    plsc.subcore_barrier()

    @pl.loop(0, NGRP)
    def _(g):
        pltpu.sync_copy(edges.at[0, s * NGRP + g], sbuf)
        pltpu.sync_copy(edges.at[1, s * NGRP + g], dbuf)

        gdesc = {}
        sdesc = {}

        def start_gather(q):
            bq = q % NBUF
            gdesc[q] = pltpu.async_copy(hi.at[c].at[sbuf.at[q]], gbuf.at[bq],
                                        gsem.at[bq])

        for q in range(LEAD):
            start_gather(q)
        for j in range(GRP):
            q = j + LEAD
            if q < GRP:
                start_gather(q)
            gdesc[j].wait()
            if j - SBUF >= 0:
                sdesc[j - SBUF].wait()
            bq = j % NBUF
            sb = j % SBUF

            @pl.loop(0, CH)
            def _(r, bq=bq, sb=sb):
                w = gbuf[bq, r, :]
                fbuf[sb, r, pl.ds(0, L)] = plsc.bitcast(
                    w << 16, jnp.float32)
                fbuf[sb, r, pl.ds(L, L)] = plsc.bitcast(
                    w & jnp.int32(-65536), jnp.float32)

            sdesc[j] = pltpu.async_copy(fbuf.at[sb],
                                        agg.at[dbuf.at[j]],
                                        ssem.at[sb], add=True)
        for j in range(GRP - SBUF, GRP):
            sdesc[j].wait()

    plsc.subcore_barrier()

    @pl.loop(0, ROWS_PT // ZROWS)
    def _(i):
        r0 = s * ROWS_PT + i * ZROWS
        pltpu.sync_copy(agg.at[pl.ds(r0, ZROWS)],
                        agg_out.at[c, pl.ds(r0, ZROWS), pl.ds(0, 32)])


def _mm_body(x_ref, w_ref, o_ref):
    o_ref[...] = jnp.dot(x_ref[...], w_ref[...],
                         preferred_element_type=jnp.float32)


def _scale_body(y_ref, d_ref, o_ref):
    deg = d_ref[0, :, 0:1]
    norm = jnp.where(deg > 0, lax.rsqrt(jnp.maximum(deg, 1e-12)), 0.0)
    h = y_ref[...] * norm
    u = lax.bitcast_convert_type(h, jnp.int32)
    r = u + jnp.int32(0x7FFF) + ((u >> 16) & 1)
    bf = lax.shift_right_logical(r, 16)
    o_ref[0] = bf[:, 0:16] | (bf[:, 16:32] << 16)
    o_ref[1] = bf[:, 32:48] | (bf[:, 48:64] << 16)


def _out_body(a_ref, d_ref, b_ref, o_ref):
    agg = jnp.concatenate([a_ref[0, :, 0:32], a_ref[1, :, 0:32]], axis=-1)
    deg = d_ref[0, :, 0:1]
    norm = jnp.where(deg > 0, lax.rsqrt(jnp.maximum(deg, 1e-12)), 0.0)
    o_ref[...] = agg * norm + b_ref[...]


def kernel(node_embeddings, W, b, edge_index):
    pad_vals = jnp.array([[SRC_PAD], [TRASH]], jnp.int32)
    base = jnp.broadcast_to(pad_vals, (2, EPAD))
    edges2 = lax.dynamic_update_slice(base, edge_index, (0, 0)).reshape(
        2, NS * NGRP, GRP, CH)

    degs = _hist_kernel(edges2)

    y = pl.pallas_call(
        _mm_body,
        grid=(GRID,),
        in_specs=[
            pl.BlockSpec((BLK, D), lambda i: (i, 0)),
            pl.BlockSpec((D, D), lambda i: (0, 0)),
        ],
        out_specs=pl.BlockSpec((BLK, D), lambda i: (i, 0)),
        out_shape=jax.ShapeDtypeStruct((HROWS, D), jnp.float32),
    )(node_embeddings, W)

    hi = pl.pallas_call(
        _scale_body,
        grid=(GRID,),
        in_specs=[
            pl.BlockSpec((BLK, D), lambda i: (i, 0)),
            pl.BlockSpec((1, BLK, 16), lambda i: (0, i, 0)),
        ],
        out_specs=pl.BlockSpec((2, BLK, 16), lambda i: (0, i, 0)),
        out_shape=jax.ShapeDtypeStruct((2, HROWS, 16), jnp.int32),
    )(y, degs)

    aggi = _gs_kernel(hi, edges2)

    out = pl.pallas_call(
        _out_body,
        grid=(GRID,),
        in_specs=[
            pl.BlockSpec((2, BLK, 128), lambda i: (0, i, 0)),
            pl.BlockSpec((1, BLK, 16), lambda i: (1, i, 0)),
            pl.BlockSpec((1, D), lambda i: (0, 0)),
        ],
        out_specs=pl.BlockSpec((BLK, D), lambda i: (i, 0)),
        out_shape=jax.ShapeDtypeStruct((N, D), jnp.float32),
    )(aggi, degs, b.reshape(1, D))
    return out

# --- scband reference (transcript-rebuilt; emitter-appended) ---
"""Pipeline reference for scband-htgn-9019431321779 (READ-ONLY COPY).

The authoritative reference and input builder live on the scoring server;
editing this copy changes nothing except your own understanding.
"""

import jax, jax.numpy as jnp
import numpy as np

N = 50000
E = 800000
D = 64


def setup_inputs(seed: int = 0) -> dict:
    key = jax.random.key(seed)
    k1, k2, k3 = jax.random.split(key, 3)
    edge_index = jax.random.randint(k1, (2, E), 0, N, dtype=jnp.int32)
    node_embeddings = jax.random.normal(k2, (N, D), dtype=jnp.float32)
    W = jax.random.normal(k3, (D, D), dtype=jnp.float32) * (1.0 / np.sqrt(D))
    b = jnp.zeros((D,), dtype=jnp.float32)
    return {"node_embeddings": node_embeddings, "W": W, "b": b, "edge_index": edge_index}


def reference(node_embeddings, W, b, edge_index):
    # HTGN.forward on the first snapshot: history_embs is empty, so the output
    # is just GraphConv(graph, node_embeddings) with symmetric ('both') normalization
    # as in DGL GraphConv: h' = D_in^{-1/2} A (D_out^{-1/2} X W) + b
    src = edge_index[0]
    dst = edge_index[1]
    ones = jnp.ones((E,), dtype=jnp.float32)
    deg_out = jax.ops.segment_sum(ones, src, num_segments=N)
    deg_in = jax.ops.segment_sum(ones, dst, num_segments=N)
    norm_src = jnp.where(deg_out > 0, jax.lax.rsqrt(jnp.maximum(deg_out, 1e-12)), 0.0)
    norm_dst = jnp.where(deg_in > 0, jax.lax.rsqrt(jnp.maximum(deg_in, 1e-12)), 0.0)
    h = node_embeddings * norm_src[:, None]
    h = h @ W  # in_dim == out_dim, apply weight before aggregation (DGL mult-first path)
    msgs = jnp.take(h, src, axis=0)  # gather over edges
    agg = jax.ops.segment_sum(msgs, dst, num_segments=N)  # scatter-add over dst
    out = agg * norm_dst[:, None] + b
    return out

if __name__ == "__main__":
    import jax
    _d = setup_inputs()
    print(jax.jit(kernel)(*tuple(_d.values())))

</pallas_src>

<mosaic_0001>
#map = affine_map<(d0, d1) -> (0, 0, 0, 0)>
#map1 = affine_map<(d0, d1) -> (0, 0, 0)>
module attributes {stable_mosaic.version = 14 : i64} {
  func.func @_hist_kernel(%arg0: i32, %arg1: i32, %arg2: memref<2x640x10x128xi32, #tpu.memory_space<hbm>>, %arg3: memref<2x51200x16xf32, #tpu.memory_space<hbm>>, %arg4: memref<51200x16xf32, #tpu.memory_space<vmem_shared>>, %arg5: memref<10x128xi32, #tpu.memory_space<vmem>>, %arg6: memref<128x16xf32, #tpu.memory_space<vmem>>, %arg7: memref<320x16xf32, #tpu.memory_space<vmem>>, %arg8: memref<!tpu.dma_semaphore, #tpu.memory_space<semaphore_mem>>) attributes {dimension_semantics = [#tpu.dimension_semantics<core_parallel>, #tpu.dimension_semantics<subcore_parallel>], iteration_bounds = array<i64: 2, 16>, scalar_prefetch = 0 : i64, scratch_operands = 5 : i64, tpu.core_type = #tpu.core_type<sc_vector_subcore>, window_params = [{transform_indices = #map}, {transform_indices = #map1}]} {
    %broadcast_in_dim3A = arith.constant 1.000000e+00 : f32
    %broadcast_in_dim3A_0 = vector.broadcast %broadcast_in_dim3A : f32 to vector<16xf32>
    %broadcast_in_dim3A_1 = arith.constant 0.000000e+00 : f32
    %broadcast_in_dim3A_2 = vector.broadcast %broadcast_in_dim3A_1 : f32 to vector<16xf32>
    %scan3A = arith.constant 0 : i32
    %scan3A_3 = arith.constant 128 : i32
    %scan3A_4 = arith.addi %scan3A, %scan3A_3 : i32
    %scan3A_5 = arith.constant 1 : i32
    scf.for %scan3A_28 = %scan3A to %scan3A_4 step %scan3A_5  : i32 {
      %mul3A = arith.constant 1 : i32
      %mul3A_29 = arith.muli %scan3A_28, %mul3A : i32
      %add3A = arith.constant 0 : i32
      %add3A_30 = arith.addi %add3A, %mul3A_29 : i32
      %swap3A = arith.index_cast %add3A_30 : i32 to index
      %swap3A_31 = arith.constant 0 : index
      %swap3A_32 = tpu.vector_load %arg6[%swap3A, %swap3A_31] {strides = array<i32>} : memref<128x16xf32, #tpu.memory_space<vmem>>, vector<16xf32>,
      tpu.vector_store %arg6[%swap3A, %swap3A_31], %broadcast_in_dim3A_0 {strides = array<i32>} : memref<128x16xf32, #tpu.memory_space<vmem>>, vector<16xf32>,
    }
    %scan3A_6 = arith.constant 128 : i32
    %scan3A_7 = arith.constant 0 : i32
    %scan3A_8 = arith.constant 320 : i32
    %scan3A_9 = arith.addi %scan3A_7, %scan3A_8 : i32
    %scan3A_10 = arith.constant 1 : i32
    scf.for %scan3A_28 = %scan3A_7 to %scan3A_9 step %scan3A_10  : i32 {
      %mul3A = arith.constant 1 : i32
      %mul3A_29 = arith.muli %scan3A_28, %mul3A : i32
      %add3A = arith.constant 0 : i32
      %add3A_30 = arith.addi %add3A, %mul3A_29 : i32
      %swap3A = arith.index_cast %add3A_30 : i32 to index
      %swap3A_31 = arith.constant 0 : index
      %swap3A_32 = tpu.vector_load %arg7[%swap3A, %swap3A_31] {strides = array<i32>} : memref<320x16xf32, #tpu.memory_space<vmem>>, vector<16xf32>,
      tpu.vector_store %arg7[%swap3A, %swap3A_31], %broadcast_in_dim3A_2 {strides = array<i32>} : memref<320x16xf32, #tpu.memory_space<vmem>>, vector<16xf32>,
    }
    %scan3A_11 = arith.constant 320 : i32
    %scan3A_12 = arith.constant 0 : i32
    %scan3A_13 = arith.constant 10 : i32
    %scan3A_14 = arith.addi %scan3A_12, %scan3A_13 : i32
    %scan3A_15 = arith.constant 1 : i32
    scf.for %scan3A_28 = %scan3A_12 to %scan3A_14 step %scan3A_15  : i32 {
      %mul3A = arith.constant 1 : i32
      %mul3A_29 = arith.muli %scan3A_28, %mul3A : i32
      %add3A = arith.constant 0 : i32
      %add3A_30 = arith.addi %add3A, %mul3A_29 : i32
      %mul3A_31 = arith.constant 3200 : i32
      %mul3A_32 = arith.muli %arg1, %mul3A_31 : i32
      %mul3A_33 = arith.constant 320 : i32
      %mul3A_34 = arith.muli %add3A_30, %mul3A_33 : i32
      %add3A_35 = arith.addi %mul3A_32, %mul3A_34 : i32
      "tpu.region"() ({
        %run_scoped3A = tpu.sem_alloc : memref<!tpu.dma_semaphore, #tpu.memory_space<semaphore_mem>>
        %dma_start3A = arith.constant 0 : i32
        %dma_start3A_36 = tpu.memref_slice %arg4[%add3A_35, %dma_start3A] : memref<51200x16xf32, #tpu.memory_space<vmem_shared>> -> memref<320x16xf32, #tpu.memory_space<vmem_shared>>
        %dma_start3A_37 = arith.constant 0 : i32
        %dma_start3A_38 = tpu.memref_slice %arg4[%add3A_35, %dma_start3A_37] : memref<51200x16xf32, #tpu.memory_space<vmem_shared>> -> memref<320x16xf32, #tpu.memory_space<vmem_shared>>
        tpu.enqueue_dma source(%arg7 : memref<320x16xf32, #tpu.memory_space<vmem>>) target(%dma_start3A_38 : memref<320x16xf32, #tpu.memory_space<vmem_shared>>) target_semaphore(%run_scoped3A : memref<!tpu.dma_semaphore, #tpu.memory_space<semaphore_mem>>)
        %dma_wait3A = arith.constant 0 : i32
        %dma_wait3A_39 = tpu.memref_slice %arg4[%add3A_35, %dma_wait3A] : memref<51200x16xf32, #tpu.memory_space<vmem_shared>> -> memref<320x16xf32, #tpu.memory_space<vmem_shared>>
        %dma_wait3A_40 = arith.constant 0 : i32
        %dma_wait3A_41 = tpu.memref_slice %arg4[%add3A_35, %dma_wait3A_40] : memref<51200x16xf32, #tpu.memory_space<vmem_shared>> -> memref<320x16xf32, #tpu.memory_space<vmem_shared>>
        tpu.wait_dma2 semaphore(%run_scoped3A : memref<!tpu.dma_semaphore, #tpu.memory_space<semaphore_mem>>) src(%arg7 : memref<320x16xf32, #tpu.memory_space<vmem>>) dst(%dma_wait3A_41 : memref<320x16xf32, #tpu.memory_space<vmem_shared>>)
        tpu.yield
      }) : () -> ()
    }
    %scan3A_16 = arith.constant 10 : i32
    %barrier3A = arith.constant 0 : index
    tpu.barrier barrier_id(%barrier3A)
    %scan3A_17 = arith.constant 0 : i32
    %scan3A_18 = arith.constant 40 : i32
    %scan3A_19 = arith.addi %scan3A_17, %scan3A_18 : i32
    %scan3A_20 = arith.constant 1 : i32
    scf.for %scan3A_28 = %scan3A_17 to %scan3A_19 step %scan3A_20  : i32 {
      %mul3A = arith.constant 1 : i32
      %mul3A_29 = arith.muli %scan3A_28, %mul3A : i32
      %add3A = arith.constant 0 : i32
      %add3A_30 = arith.addi %add3A, %mul3A_29 : i32
      %mul3A_31 = arith.constant 40 : i32
      %mul3A_32 = arith.muli %arg1, %mul3A_31 : i32
      %add3A_33 = arith.addi %mul3A_32, %add3A_30 : i32
      "tpu.region"() ({
        %run_scoped3A = tpu.sem_alloc : memref<!tpu.dma_semaphore, #tpu.memory_space<semaphore_mem>>
        %dma_start3A_172 = arith.constant 0 : i32
        %dma_start3A_173 = arith.constant 0 : i32
        %dma_start3A_174 = tpu.memref_slice %arg2[%arg0, %add3A_33, %dma_start3A_172, %dma_start3A_173] : memref<2x640x10x128xi32, #tpu.memory_space<hbm>> -> memref<1x1x10x128xi32, #tpu.memory_space<hbm>>
        %dma_start3A_175 = tpu.memref_squeeze %dma_start3A_174 : memref<1x1x10x128xi32, #tpu.memory_space<hbm>> -> memref<10x128xi32, #tpu.memory_space<hbm>>
        %dma_start3A_176 = arith.constant 0 : i32
        %dma_start3A_177 = arith.constant 0 : i32
        %dma_start3A_178 = tpu.memref_slice %arg2[%arg0, %add3A_33, %dma_start3A_176, %dma_start3A_177] : memref<2x640x10x128xi32, #tpu.memory_space<hbm>> -> memref<1x1x10x128xi32, #tpu.memory_space<hbm>>
        %dma_start3A_179 = tpu.memref_squeeze %dma_start3A_178 : memref<1x1x10x128xi32, #tpu.memory_space<hbm>> -> memref<10x128xi32, #tpu.memory_space<hbm>>
        tpu.enqueue_dma source(%dma_start3A_179 : memref<10x128xi32, #tpu.memory_space<hbm>>) target(%arg5 : memref<10x128xi32, #tpu.memory_space<vmem>>) target_semaphore(%run_scoped3A : memref<!tpu.dma_semaphore, #tpu.memory_space<semaphore_mem>>)
        %dma_wait3A_180 = arith.constant 0 : i32
        %dma_wait3A_181 = arith.constant 0 : i32
        %dma_wait3A_182 = tpu.memref_slice %arg2[%arg0, %add3A_33, %dma_wait3A_180, %dma_wait3A_181] : memref<2x640x10x128xi32, #tpu.memory_space<hbm>> -> memref<1x1x10x128xi32, #tpu.memory_space<hbm>>
        %dma_wait3A_183 = tpu.memref_squeeze %dma_wait3A_182 : memref<1x1x10x128xi32, #tpu.memory_space<hbm>> -> memref<10x128xi32, #tpu.memory_space<hbm>>
        %dma_wait3A_184 = arith.constant 0 : i32
        %dma_wait3A_185 = arith.constant 0 : i32
        %dma_wait3A_186 = tpu.memref_slice %arg2[%arg0, %add3A_33, %dma_wait3A_184, %dma_wait3A_185] : memref<2x640x10x128xi32, #tpu.memory_space<hbm>> -> memref<1x1x10x128xi32, #tpu.memory_space<hbm>>
        %dma_wait3A_187 = tpu.memref_squeeze %dma_wait3A_186 : memref<1x1x10x128xi32, #tpu.memory_space<hbm>> -> memref<10x128xi32, #tpu.memory_space<hbm>>
        tpu.wait_dma2 semaphore(%run_scoped3A : memref<!tpu.dma_semaphore, #tpu.memory_space<semaphore_mem>>) src(%dma_wait3A_187 : memref<10x128xi32, #tpu.memory_space<hbm>>) dst(%arg5 : memref<10x128xi32, #tpu.memory_space<vmem>>)
        tpu.yield
      }) : () -> ()
      %dma_start3A = arith.constant 0 : i32
      %dma_start3A_34 = arith.constant 0 : i32
      %dma_start3A_35 = tpu.memref_slice %arg5[%dma_start3A, %dma_start3A_34] : memref<10x128xi32, #tpu.memory_space<vmem>> -> memref<1x128xi32, #tpu.memory_space<vmem>>
      %dma_start3A_36 = tpu.memref_squeeze %dma_start3A_35 : memref<1x128xi32, #tpu.memory_space<vmem>> -> memref<128xi32, #tpu.memory_space<vmem>>
      %dma_start3A_37 = arith.constant 0 : i32
      %dma_start3A_38 = arith.constant 0 : i32
      %dma_start3A_39 = tpu.memref_slice %arg4[%dma_start3A_37, %dma_start3A_38] : memref<51200x16xf32, #tpu.memory_space<vmem_shared>> -> memref<51200x16xf32, #tpu.memory_space<vmem_shared>>
      tpu.enqueue_indirect_dma source(%arg6 : memref<128x16xf32, #tpu.memory_space<vmem>>) target(%dma_start3A_39 : memref<51200x16xf32, #tpu.memory_space<vmem_shared>>) offsets(%dma_start3A_36 : memref<128xi32, #tpu.memory_space<vmem>>) semaphore(%arg8 : memref<!tpu.dma_semaphore, #tpu.memory_space<semaphore_mem>>) {add = true}
      %dma_start3A_40 = arith.constant 1 : i32
      %dma_start3A_41 = arith.constant 0 : i32
      %dma_start3A_42 = tpu.memref_slice %arg5[%dma_start3A_40, %dma_start3A_41] : memref<10x128xi32, #tpu.memory_space<vmem>> -> memref<1x128xi32, #tpu.memory_space<vmem>>
      %dma_start3A_43 = tpu.memref_squeeze %dma_start3A_42 : memref<1x128xi32, #tpu.memory_space<vmem>> -> memref<128xi32, #tpu.memory_space<vmem>>
      %dma_start3A_44 = arith.constant 0 : i32
      %dma_start3A_45 = arith.constant 0 : i32
      %dma_start3A_46 = tpu.memref_slice %arg4[%dma_start3A_44, %dma_start3A_45] : memref<51200x16xf32, #tpu.memory_space<vmem_shared>> -> memref<51200x16xf32, #tpu.memory_space<vmem_shared>>
      tpu.enqueue_indirect_dma source(%arg6 : memref<128x16xf32, #tpu.memory_space<vmem>>) target(%dma_start3A_46 : memref<51200x16xf32, #tpu.memory_space<vmem_shared>>) offsets(%dma_start3A_43 : memref<128xi32, #tpu.memory_space<vmem>>) semaphore(%arg8 : memref<!tpu.dma_semaphore, #tpu.memory_space<semaphore_mem>>) {add = true}
      %dma_start3A_47 = arith.constant 2 : i32
      %dma_start3A_48 = arith.constant 0 : i32
      %dma_start3A_49 = tpu.memref_slice %arg5[%dma_start3A_47, %dma_start3A_48] : memref<10x128xi32, #tpu.memory_space<vmem>> -> memref<1x128xi32, #tpu.memory_space<vmem>>
      %dma_start3A_50 = tpu.memref_squeeze %dma_start3A_49 : memref<1x128xi32, #tpu.memory_space<vmem>> -> memref<128xi32, #tpu.memory_space<vmem>>
      %dma_start3A_51 = arith.constant 0 : i32
      %dma_start3A_52 = arith.constant 0 : i32
      %dma_start3A_53 = tpu.memref_slice %arg4[%dma_start3A_51, %dma_start3A_52] : memref<51200x16xf32, #tpu.memory_space<vmem_shared>> -> memref<51200x16xf32, #tpu.memory_space<vmem_shared>>
      tpu.enqueue_indirect_dma source(%arg6 : memref<128x16xf32, #tpu.memory_space<vmem>>) target(%dma_start3A_53 : memref<51200x16xf32, #tpu.memory_space<vmem_shared>>) offsets(%dma_start3A_50 : memref<128xi32, #tpu.memory_space<vmem>>) semaphore(%arg8 : memref<!tpu.dma_semaphore, #tpu.memory_space<semaphore_mem>>) {add = true}
      %dma_start3A_54 = arith.constant 3 : i32
      %dma_start3A_55 = arith.constant 0 : i32
      %dma_start3A_56 = tpu.memref_slice %arg5[%dma_start3A_54, %dma_start3A_55] : memref<10x128xi32, #tpu.memory_space<vmem>> -> memref<1x128xi32, #tpu.memory_space<vmem>>
      %dma_start3A_57 = tpu.memref_squeeze %dma_start3A_56 : memref<1x128xi32, #tpu.memory_space<vmem>> -> memref<128xi32, #tpu.memory_space<vmem>>
      %dma_start3A_58 = arith.constant 0 : i32
      %dma_start3A_59 = arith.constant 0 : i32
      %dma_start3A_60 = tpu.memref_slice %arg4[%dma_start3A_58, %dma_start3A_59] : memref<51200x16xf32, #tpu.memory_space<vmem_shared>> -> memref<51200x16xf32, #tpu.memory_space<vmem_shared>>
      tpu.enqueue_indirect_dma source(%arg6 : memref<128x16xf32, #tpu.memory_space<vmem>>) target(%dma_start3A_60 : memref<51200x16xf32, #tpu.memory_space<vmem_shared>>) offsets(%dma_start3A_57 : memref<128xi32, #tpu.memory_space<vmem>>) semaphore(%arg8 : memref<!tpu.dma_semaphore, #tpu.memory_space<semaphore_mem>>) {add = true}
      %dma_start3A_61 = arith.constant 4 : i32
      %dma_start3A_62 = arith.constant 0 : i32
      %dma_start3A_63 = tpu.memref_slice %arg5[%dma_start3A_61, %dma_start3A_62] : memref<10x128xi32, #tpu.memory_space<vmem>> -> memref<1x128xi32, #tpu.memory_space<vmem>>
      %dma_start3A_64 = tpu.memref_squeeze %dma_start3A_63 : memref<1x128xi32, #tpu.memory_space<vmem>> -> memref<128xi32, #tpu.memory_space<vmem>>
      %dma_start3A_65 = arith.constant 0 : i32
      %dma_start3A_66 = arith.constant 0 : i32
      %dma_start3A_67 = tpu.memref_slice %arg4[%dma_start3A_65, %dma_start3A_66] : memref<51200x16xf32, #tpu.memory_space<vmem_shared>> -> memref<51200x16xf32, #tpu.memory_space<vmem_shared>>
      tpu.enqueue_indirect_dma source(%arg6 : memref<128x16xf32, #tpu.memory_space<vmem>>) target(%dma_start3A_67 : memref<51200x16xf32, #tpu.memory_space<vmem_shared>>) offsets(%dma_start3A_64 : memref<128xi32, #tpu.memory_space<vmem>>) semaphore(%arg8 : memref<!tpu.dma_semaphore, #tpu.memory_space<semaphore_mem>>) {add = true}
      %dma_start3A_68 = arith.constant 5 : i32
      %dma_start3A_69 = arith.constant 0 : i32
      %dma_start3A_70 = tpu.memref_slice %arg5[%dma_start3A_68, %dma_start3A_69] : memref<10x128xi32, #tpu.memory_space<vmem>> -> memref<1x128xi32, #tpu.memory_space<vmem>>
      %dma_start3A_71 = tpu.memref_squeeze %dma_start3A_70 : memref<1x128xi32, #tpu.memory_space<vmem>> -> memref<128xi32, #tpu.memory_space<vmem>>
      %dma_start3A_72 = arith.constant 0 : i32
      %dma_start3A_73 = arith.constant 0 : i32
      %dma_start3A_74 = tpu.memref_slice %arg4[%dma_start3A_72, %dma_start3A_73] : memref<51200x16xf32, #tpu.memory_space<vmem_shared>> -> memref<51200x16xf32, #tpu.memory_space<vmem_shared>>
      tpu.enqueue_indirect_dma source(%arg6 : memref<128x16xf32, #tpu.memory_space<vmem>>) target(%dma_start3A_74 : memref<51200x16xf32, #tpu.memory_space<vmem_shared>>) offsets(%dma_start3A_71 : memref<128xi32, #tpu.memory_space<vmem>>) semaphore(%arg8 : memref<!tpu.dma_semaphore, #tpu.memory_space<semaphore_mem>>) {add = true}
      %dma_start3A_75 = arith.constant 6 : i32
      %dma_start3A_76 = arith.constant 0 : i32
      %dma_start3A_77 = tpu.memref_slice %arg5[%dma_start3A_75, %dma_start3A_76] : memref<10x128xi32, #tpu.memory_space<vmem>> -> memref<1x128xi32, #tpu.memory_space<vmem>>
      %dma_start3A_78 = tpu.memref_squeeze %dma_start3A_77 : memref<1x128xi32, #tpu.memory_space<vmem>> -> memref<128xi32, #tpu.memory_space<vmem>>
      %dma_start3A_79 = arith.constant 0 : i32
      %dma_start3A_80 = arith.constant 0 : i32
      %dma_start3A_81 = tpu.memref_slice %arg4[%dma_start3A_79, %dma_start3A_80] : memref<51200x16xf32, #tpu.memory_space<vmem_shared>> -> memref<51200x16xf32, #tpu.memory_space<vmem_shared>>
      tpu.enqueue_indirect_dma source(%arg6 : memref<128x16xf32, #tpu.memory_space<vmem>>) target(%dma_start3A_81 : memref<51200x16xf32, #tpu.memory_space<vmem_shared>>) offsets(%dma_start3A_78 : memref<128xi32, #tpu.memory_space<vmem>>) semaphore(%arg8 : memref<!tpu.dma_semaphore, #tpu.memory_space<semaphore_mem>>) {add = true}
      %dma_start3A_82 = arith.constant 7 : i32
      %dma_start3A_83 = arith.constant 0 : i32
      %dma_start3A_84 = tpu.memref_slice %arg5[%dma_start3A_82, %dma_start3A_83] : memref<10x128xi32, #tpu.memory_space<vmem>> -> memref<1x128xi32, #tpu.memory_space<vmem>>
      %dma_start3A_85 = tpu.memref_squeeze %dma_start3A_84 : memref<1x128xi32, #tpu.memory_space<vmem>> -> memref<128xi32, #tpu.memory_space<vmem>>
      %dma_start3A_86 = arith.constant 0 : i32
      %dma_start3A_87 = arith.constant 0 : i32
      %dma_start3A_88 = tpu.memref_slice %arg4[%dma_start3A_86, %dma_start3A_87] : memref<51200x16xf32, #tpu.memory_space<vmem_shared>> -> memref<51200x16xf32, #tpu.memory_space<vmem_shared>>
      tpu.enqueue_indirect_dma source(%arg6 : memref<128x16xf32, #tpu.memory_space<vmem>>) target(%dma_start3A_88 : memref<51200x16xf32, #tpu.memory_space<vmem_shared>>) offsets(%dma_start3A_85 : memref<128xi32, #tpu.memory_space<vmem>>) semaphore(%arg8 : memref<!tpu.dma_semaphore, #tpu.memory_space<semaphore_mem>>) {add = true}
      %dma_start3A_89 = arith.constant 8 : i32
      %dma_start3A_90 = arith.constant 0 : i32
      %dma_start3A_91 = tpu.memref_slice %arg5[%dma_start3A_89, %dma_start3A_90] : memref<10x128xi32, #tpu.memory_space<vmem>> -> memref<1x128xi32, #tpu.memory_space<vmem>>
      %dma_start3A_92 = tpu.memref_squeeze %dma_start3A_91 : memref<1x128xi32, #tpu.memory_space<vmem>> -> memref<128xi32, #tpu.memory_space<vmem>>
      %dma_start3A_93 = arith.constant 0 : i32
      %dma_start3A_94 = arith.constant 0 : i32
      %dma_start3A_95 = tpu.memref_slice %arg4[%dma_start3A_93, %dma_start3A_94] : memref<51200x16xf32, #tpu.memory_space<vmem_shared>> -> memref<51200x16xf32, #tpu.memory_space<vmem_shared>>
      tpu.enqueue_indirect_dma source(%arg6 : memref<128x16xf32, #tpu.memory_space<vmem>>) target(%dma_start3A_95 : memref<51200x16xf32, #tpu.memory_space<vmem_shared>>) offsets(%dma_start3A_92 : memref<128xi32, #tpu.memory_space<vmem>>) semaphore(%arg8 : memref<!tpu.dma_semaphore, #tpu.memory_space<semaphore_mem>>) {add = true}
      %dma_start3A_96 = arith.constant 9 : i32
      %dma_start3A_97 = arith.constant 0 : i32
      %dma_start3A_98 = tpu.memref_slice %arg5[%dma_start3A_96, %dma_start3A_97] : memref<10x128xi32, #tpu.memory_space<vmem>> -> memref<1x128xi32, #tpu.memory_space<vmem>>
      %dma_start3A_99 = tpu.memref_squeeze %dma_start3A_98 : memref<1x128xi32, #tpu.memory_space<vmem>> -> memref<128xi32, #tpu.memory_space<vmem>>
      %dma_start3A_100 = arith.constant 0 : i32
      %dma_start3A_101 = arith.constant 0 : i32
      %dma_start3A_102 = tpu.memref_slice %arg4[%dma_start3A_100, %dma_start3A_101] : memref<51200x16xf32, #tpu.memory_space<vmem_shared>> -> memref<51200x16xf32, #tpu.memory_space<vmem_shared>>
      tpu.enqueue_indirect_dma source(%arg6 : memref<128x16xf32, #tpu.memory_space<vmem>>) target(%dma_start3A_102 : memref<51200x16xf32, #tpu.memory_space<vmem_shared>>) offsets(%dma_start3A_99 : memref<128xi32, #tpu.memory_space<vmem>>) semaphore(%arg8 : memref<!tpu.dma_semaphore, #tpu.memory_space<semaphore_mem>>) {add = true}
      %dma_wait3A = arith.constant 0 : i32
      %dma_wait3A_103 = arith.constant 0 : i32
      %dma_wait3A_104 = tpu.memref_slice %arg5[%dma_wait3A, %dma_wait3A_103] : memref<10x128xi32, #tpu.memory_space<vmem>> -> memref<1x128xi32, #tpu.memory_space<vmem>>
      %dma_wait3A_105 = tpu.memref_squeeze %dma_wait3A_104 : memref<1x128xi32, #tpu.memory_space<vmem>> -> memref<128xi32, #tpu.memory_space<vmem>>
      %dma_wait3A_106 = arith.constant 0 : i32
      %dma_wait3A_107 = arith.constant 0 : i32
      %dma_wait3A_108 = tpu.memref_slice %arg4[%dma_wait3A_106, %dma_wait3A_107] : memref<51200x16xf32, #tpu.memory_space<vmem_shared>> -> memref<51200x16xf32, #tpu.memory_space<vmem_shared>>
      tpu.wait_indirect_dma semaphore(%arg8 : memref<!tpu.dma_semaphore, #tpu.memory_space<semaphore_mem>>) src(%arg6 : memref<128x16xf32, #tpu.memory_space<vmem>>) dst(%dma_wait3A_108 : memref<51200x16xf32, #tpu.memory_space<vmem_shared>>)
      %dma_wait3A_109 = arith.constant 1 : i32
      %dma_wait3A_110 = arith.constant 0 : i32
      %dma_wait3A_111 = tpu.memref_slice %arg5[%dma_wait3A_109, %dma_wait3A_110] : memref<10x128xi32, #tpu.memory_space<vmem>> -> memref<1x128xi32, #tpu.memory_space<vmem>>
      %dma_wait3A_112 = tpu.memref_squeeze %dma_wait3A_111 : memref<1x128xi32, #tpu.memory_space<vmem>> -> memref<128xi32, #tpu.memory_space<vmem>>
      %dma_wait3A_113 = arith.constant 0 : i32
      %dma_wait3A_114 = arith.constant 0 : i32
      %dma_wait3A_115 = tpu.memref_slice %arg4[%dma_wait3A_113, %dma_wait3A_114] : memref<51200x16xf32, #tpu.memory_space<vmem_shared>> -> memref<51200x16xf32, #tpu.memory_space<vmem_shared>>
      tpu.wait_indirect_dma semaphore(%arg8 : memref<!tpu.dma_semaphore, #tpu.memory_space<semaphore_mem>>) src(%arg6 : memref<128x16xf32, #tpu.memory_space<vmem>>) dst(%dma_wait3A_115 : memref<51200x16xf32, #tpu.memory_space<vmem_shared>>)
      %dma_wait3A_116 = arith.constant 2 : i32
      %dma_wait3A_117 = arith.constant 0 : i32
      %dma_wait3A_118 = tpu.memref_slice %arg5[%dma_wait3A_116, %dma_wait3A_117] : memref<10x128xi32, #tpu.memory_space<vmem>> -> memref<1x128xi32, #tpu.memory_space<vmem>>
      %dma_wait3A_119 = tpu.memref_squeeze %dma_wait3A_118 : memref<1x128xi32, #tpu.memory_space<vmem>> -> memref<128xi32, #tpu.memory_space<vmem>>
      %dma_wait3A_120 = arith.constant 0 : i32
      %dma_wait3A_121 = arith.constant 0 : i32
      %dma_wait3A_122 = tpu.memref_slice %arg4[%dma_wait3A_120, %dma_wait3A_121] : memref<51200x16xf32, #tpu.memory_space<vmem_shared>> -> memref<51200x16xf32, #tpu.memory_space<vmem_shared>>
      tpu.wait_indirect_dma semaphore(%arg8 : memref<!tpu.dma_semaphore, #tpu.memory_space<semaphore_mem>>) src(%arg6 : memref<128x16xf32, #tpu.memory_space<vmem>>) dst(%dma_wait3A_122 : memref<51200x16xf32, #tpu.memory_space<vmem_shared>>)
      %dma_wait3A_123 = arith.constant 3 : i32
      %dma_wait3A_124 = arith.constant 0 : i32
      %dma_wait3A_125 = tpu.memref_slice %arg5[%dma_wait3A_123, %dma_wait3A_124] : memref<10x128xi32, #tpu.memory_space<vmem>> -> memref<1x128xi32, #tpu.memory_space<vmem>>
      %dma_wait3A_126 = tpu.memref_squeeze %dma_wait3A_125 : memref<1x128xi32, #tpu.memory_space<vmem>> -> memref<128xi32, #tpu.memory_space<vmem>>
      %dma_wait3A_127 = arith.constant 0 : i32
      %dma_wait3A_128 = arith.constant 0 : i32
      %dma_wait3A_129 = tpu.memref_slice %arg4[%dma_wait3A_127, %dma_wait3A_128] : memref<51200x16xf32, #tpu.memory_space<vmem_shared>> -> memref<51200x16xf32, #tpu.memory_space<vmem_shared>>
      tpu.wait_indirect_dma semaphore(%arg8 : memref<!tpu.dma_semaphore, #tpu.memory_space<semaphore_mem>>) src(%arg6 : memref<128x16xf32, #tpu.memory_space<vmem>>) dst(%dma_wait3A_129 : memref<51200x16xf32, #tpu.memory_space<vmem_shared>>)
      %dma_wait3A_130 = arith.constant 4 : i32
      %dma_wait3A_131 = arith.constant 0 : i32
      %dma_wait3A_132 = tpu.memref_slice %arg5[%dma_wait3A_130, %dma_wait3A_131] : memref<10x128xi32, #tpu.memory_space<vmem>> -> memref<1x128xi32, #tpu.memory_space<vmem>>
      %dma_wait3A_133 = tpu.memref_squeeze %dma_wait3A_132 : memref<1x128xi32, #tpu.memory_space<vmem>> -> memref<128xi32, #tpu.memory_space<vmem>>
      %dma_wait3A_134 = arith.constant 0 : i32
      %dma_wait3A_135 = arith.constant 0 : i32
      %dma_wait3A_136 = tpu.memref_slice %arg4[%dma_wait3A_134, %dma_wait3A_135] : memref<51200x16xf32, #tpu.memory_space<vmem_shared>> -> memref<51200x16xf32, #tpu.memory_space<vmem_shared>>
      tpu.wait_indirect_dma semaphore(%arg8 : memref<!tpu.dma_semaphore, #tpu.memory_space<semaphore_mem>>) src(%arg6 : memref<128x16xf32, #tpu.memory_space<vmem>>) dst(%dma_wait3A_136 : memref<51200x16xf32, #tpu.memory_space<vmem_shared>>)
      %dma_wait3A_137 = arith.constant 5 : i32
      %dma_wait3A_138 = arith.constant 0 : i32
      %dma_wait3A_139 = tpu.memref_slice %arg5[%dma_wait3A_137, %dma_wait3A_138] : memref<10x128xi32, #tpu.memory_space<vmem>> -> memref<1x128xi32, #tpu.memory_space<vmem>>
      %dma_wait3A_140 = tpu.memref_squeeze %dma_wait3A_139 : memref<1x128xi32, #tpu.memory_space<vmem>> -> memref<128xi32, #tpu.memory_space<vmem>>
      %dma_wait3A_141 = arith.constant 0 : i32
      %dma_wait3A_142 = arith.constant 0 : i32
      %dma_wait3A_143 = tpu.memref_slice %arg4[%dma_wait3A_141, %dma_wait3A_142] : memref<51200x16xf32, #tpu.memory_space<vmem_shared>> -> memref<51200x16xf32, #tpu.memory_space<vmem_shared>>
      tpu.wait_indirect_dma semaphore(%arg8 : memref<!tpu.dma_semaphore, #tpu.memory_space<semaphore_mem>>) src(%arg6 : memref<128x16xf32, #tpu.memory_space<vmem>>) dst(%dma_wait3A_143 : memref<51200x16xf32, #tpu.memory_space<vmem_shared>>)
      %dma_wait3A_144 = arith.constant 6 : i32
      %dma_wait3A_145 = arith.constant 0 : i32
      %dma_wait3A_146 = tpu.memref_slice %arg5[%dma_wait3A_144, %dma_wait3A_145] : memref<10x128xi32, #tpu.memory_space<vmem>> -> memref<1x128xi32, #tpu.memory_space<vmem>>
      %dma_wait3A_147 = tpu.memref_squeeze %dma_wait3A_146 : memref<1x128xi32, #tpu.memory_space<vmem>> -> memref<128xi32, #tpu.memory_space<vmem>>
      %dma_wait3A_148 = arith.constant 0 : i32
      %dma_wait3A_149 = arith.constant 0 : i32
      %dma_wait3A_150 = tpu.memref_slice %arg4[%dma_wait3A_148, %dma_wait3A_149] : memref<51200x16xf32, #tpu.memory_space<vmem_shared>> -> memref<51200x16xf32, #tpu.memory_space<vmem_shared>>
      tpu.wait_indirect_dma semaphore(%arg8 : memref<!tpu.dma_semaphore, #tpu.memory_space<semaphore_mem>>) src(%arg6 : memref<128x16xf32, #tpu.memory_space<vmem>>) dst(%dma_wait3A_150 : memref<51200x16xf32, #tpu.memory_space<vmem_shared>>)
      %dma_wait3A_151 = arith.constant 7 : i32
      %dma_wait3A_152 = arith.constant 0 : i32
      %dma_wait3A_153 = tpu.memref_slice %arg5[%dma_wait3A_151, %dma_wait3A_152] : memref<10x128xi32, #tpu.memory_space<vmem>> -> memref<1x128xi32, #tpu.memory_space<vmem>>
      %dma_wait3A_154 = tpu.memref_squeeze %dma_wait3A_153 : memref<1x128xi32, #tpu.memory_space<vmem>> -> memref<128xi32, #tpu.memory_space<vmem>>
      %dma_wait3A_155 = arith.constant 0 : i32
      %dma_wait3A_156 = arith.constant 0 : i32
      %dma_wait3A_157 = tpu.memref_slice %arg4[%dma_wait3A_155, %dma_wait3A_156] : memref<51200x16xf32, #tpu.memory_space<vmem_shared>> -> memref<51200x16xf32, #tpu.memory_space<vmem_shared>>
      tpu.wait_indirect_dma semaphore(%arg8 : memref<!tpu.dma_semaphore, #tpu.memory_space<semaphore_mem>>) src(%arg6 : memref<128x16xf32, #tpu.memory_space<vmem>>) dst(%dma_wait3A_157 : memref<51200x16xf32, #tpu.memory_space<vmem_shared>>)
      %dma_wait3A_158 = arith.constant 8 : i32
      %dma_wait3A_159 = arith.constant 0 : i32
      %dma_wait3A_160 = tpu.memref_slice %arg5[%dma_wait3A_158, %dma_wait3A_159] : memref<10x128xi32, #tpu.memory_space<vmem>> -> memref<1x128xi32, #tpu.memory_space<vmem>>
      %dma_wait3A_161 = tpu.memref_squeeze %dma_wait3A_160 : memref<1x128xi32, #tpu.memory_space<vmem>> -> memref<128xi32, #tpu.memory_space<vmem>>
      %dma_wait3A_162 = arith.constant 0 : i32
      %dma_wait3A_163 = arith.constant 0 : i32
      %dma_wait3A_164 = tpu.memref_slice %arg4[%dma_wait3A_162, %dma_wait3A_163] : memref<51200x16xf32, #tpu.memory_space<vmem_shared>> -> memref<51200x16xf32, #tpu.memory_space<vmem_shared>>
      tpu.wait_indirect_dma semaphore(%arg8 : memref<!tpu.dma_semaphore, #tpu.memory_space<semaphore_mem>>) src(%arg6 : memref<128x16xf32, #tpu.memory_space<vmem>>) dst(%dma_wait3A_164 : memref<51200x16xf32, #tpu.memory_space<vmem_shared>>)
      %dma_wait3A_165 = arith.constant 9 : i32
      %dma_wait3A_166 = arith.constant 0 : i32
      %dma_wait3A_167 = tpu.memref_slice %arg5[%dma_wait3A_165, %dma_wait3A_166] : memref<10x128xi32, #tpu.memory_space<vmem>> -> memref<1x128xi32, #tpu.memory_space<vmem>>
      %dma_wait3A_168 = tpu.memref_squeeze %dma_wait3A_167 : memref<1x128xi32, #tpu.memory_space<vmem>> -> memref<128xi32, #tpu.memory_space<vmem>>
      %dma_wait3A_169 = arith.constant 0 : i32
      %dma_wait3A_170 = arith.constant 0 : i32
      %dma_wait3A_171 = tpu.memref_slice %arg4[%dma_wait3A_169, %dma_wait3A_170] : memref<51200x16xf32, #tpu.memory_space<vmem_shared>> -> memref<51200x16xf32, #tpu.memory_space<vmem_shared>>
      tpu.wait_indirect_dma semaphore(%arg8 : memref<!tpu.dma_semaphore, #tpu.memory_space<semaphore_mem>>) src(%arg6 : memref<128x16xf32, #tpu.memory_space<vmem>>) dst(%dma_wait3A_171 : memref<51200x16xf32, #tpu.memory_space<vmem_shared>>)
    }
    %scan3A_21 = arith.constant 40 : i32
    %barrier3A_22 = arith.constant 0 : index
    tpu.barrier barrier_id(%barrier3A_22)
    %scan3A_23 = arith.constant 0 : i32
    %scan3A_24 = arith.constant 10 : i32
    %scan3A_25 = arith.addi %scan3A_23, %scan3A_24 : i32
    %scan3A_26 = arith.constant 1 : i32
    scf.for %scan3A_28 = %scan3A_23 to %scan3A_25 step %scan3A_26  : i32 {
      %mul3A = arith.constant 1 : i32
      %mul3A_29 = arith.muli %scan3A_28, %mul3A : i32
      %add3A = arith.constant 0 : i32
      %add3A_30 = arith.addi %add3A, %mul3A_29 : i32
      %mul3A_31 = arith.constant 3200 : i32
      %mul3A_32 = arith.muli %arg1, %mul3A_31 : i32
      %mul3A_33 = arith.constant 320 : i32
      %mul3A_34 = arith.muli %add3A_30, %mul3A_33 : i32
      %add3A_35 = arith.addi %mul3A_32, %mul3A_34 : i32
      "tpu.region"() ({
        %run_scoped3A = tpu.sem_alloc : memref<!tpu.dma_semaphore, #tpu.memory_space<semaphore_mem>>
        %dma_start3A = arith.constant 0 : i32
        %dma_start3A_36 = tpu.memref_slice %arg3[%arg0, %add3A_35, %dma_start3A] : memref<2x51200x16xf32, #tpu.memory_space<hbm>> -> memref<1x320x16xf32, #tpu.memory_space<hbm>>
        %dma_start3A_37 = tpu.memref_squeeze %dma_start3A_36 : memref<1x320x16xf32, #tpu.memory_space<hbm>> -> memref<320x16xf32, #tpu.memory_space<hbm>>
        %dma_start3A_38 = arith.constant 0 : i32
        %dma_start3A_39 = tpu.memref_slice %arg4[%add3A_35, %dma_start3A_38] : memref<51200x16xf32, #tpu.memory_space<vmem_shared>> -> memref<320x16xf32, #tpu.memory_space<vmem_shared>>
        tpu.enqueue_dma source(%dma_start3A_39 : memref<320x16xf32, #tpu.memory_space<vmem_shared>>) target(%dma_start3A_37 : memref<320x16xf32, #tpu.memory_space<hbm>>) target_semaphore(%run_scoped3A : memref<!tpu.dma_semaphore, #tpu.memory_space<semaphore_mem>>)
        %dma_wait3A = arith.constant 0 : i32
        %dma_wait3A_40 = tpu.memref_slice %arg3[%arg0, %add3A_35, %dma_wait3A] : memref<2x51200x16xf32, #tpu.memory_space<hbm>> -> memref<1x320x16xf32, #tpu.memory_space<hbm>>
        %dma_wait3A_41 = tpu.memref_squeeze %dma_wait3A_40 : memref<1x320x16xf32, #tpu.memory_space<hbm>> -> memref<320x16xf32, #tpu.memory_space<hbm>>
        %dma_wait3A_42 = arith.constant 0 : i32
        %dma_wait3A_43 = tpu.memref_slice %arg4[%add3A_35, %dma_wait3A_42] : memref<51200x16xf32, #tpu.memory_space<vmem_shared>> -> memref<320x16xf32, #tpu.memory_space<vmem_shared>>
        tpu.wait_dma2 semaphore(%run_scoped3A : memref<!tpu.dma_semaphore, #tpu.memory_space<semaphore_mem>>) src(%dma_wait3A_43 : memref<320x16xf32, #tpu.memory_space<vmem_shared>>) dst(%dma_wait3A_41 : memref<320x16xf32, #tpu.memory_space<hbm>>)
        tpu.yield
      }) : () -> ()
    }
    %scan3A_27 = arith.constant 10 : i32
    return
  }
}

#map = affine_map<(d0, d1) -> (0, 0, 0)>
#map1 = affine_map<(d0, d1) -> (0, 0, 0, 0)>
module attributes {stable_mosaic.version = 14 : i64} {
  func.func @_gs_kernel(%arg0: i32, %arg1: i32, %arg2: memref<2x50176x16xi32, #tpu.memory_space<hbm>>, %arg3: memref<2x640x10x128xi32, #tpu.memory_space<hbm>>, %arg4: memref<2x51200x128xf32, #tpu.memory_space<hbm>>, %arg5: memref<51200x32xf32, #tpu.memory_space<vmem_shared>>, %arg6: memref<10x128xi32, #tpu.memory_space<vmem>>, %arg7: memref<10x128xi32, #tpu.memory_space<vmem>>, %arg8: memref<6x128x16xi32, #tpu.memory_space<vmem>>, %arg9: memref<3x128x32xf32, #tpu.memory_space<vmem>>, %arg10: memref<6x!tpu.dma_semaphore, #tpu.memory_space<semaphore_mem>>, %arg11: memref<3x!tpu.dma_semaphore, #tpu.memory_space<semaphore_mem>>) attributes {dimension_semantics = [#tpu.dimension_semantics<core_parallel>, #tpu.dimension_semantics<subcore_parallel>], iteration_bounds = array<i64: 2, 16>, scalar_prefetch = 0 : i64, scratch_operands = 7 : i64, tpu.core_type = #tpu.core_type<sc_vector_subcore>, window_params = [{transform_indices = #map}, {transform_indices = #map1}, {transform_indices = #map}]} {
    %broadcast_in_dim3A = arith.constant 0.000000e+00 : f32
    %broadcast_in_dim3A_0 = vector.broadcast %broadcast_in_dim3A : f32 to vector<16xf32>
    %scan3A = arith.constant 0 : i32
    %scan3A_1 = arith.constant 128 : i32
    %scan3A_2 = arith.addi %scan3A, %scan3A_1 : i32
    %scan3A_3 = arith.constant 1 : i32
    scf.for %scan3A_21 = %scan3A to %scan3A_2 step %scan3A_3  : i32 {
      %mul3A = arith.constant 1 : i32
      %mul3A_22 = arith.muli %scan3A_21, %mul3A : i32
      %add3A = arith.constant 0 : i32
      %add3A_23 = arith.addi %add3A, %mul3A_22 : i32
      %swap3A = arith.constant 0 : i32
      %swap3A_24 = arith.index_cast %swap3A : i32 to index
      %swap3A_25 = arith.index_cast %add3A_23 : i32 to index
      %swap3A_26 = arith.constant 0 : index
      %swap3A_27 = tpu.vector_load %arg9[%swap3A_24, %swap3A_25, %swap3A_26] {strides = array<i32>} : memref<3x128x32xf32, #tpu.memory_space<vmem>>, vector<16xf32>,
      tpu.vector_store %arg9[%swap3A_24, %swap3A_25, %swap3A_26], %broadcast_in_dim3A_0 {strides = array<i32>} : memref<3x128x32xf32, #tpu.memory_space<vmem>>, vector<16xf32>,
      %swap3A_28 = arith.constant 0 : i32
      %swap3A_29 = arith.index_cast %swap3A_28 : i32 to index
      %swap3A_30 = arith.index_cast %add3A_23 : i32 to index
      %swap3A_31 = arith.constant 16 : index
      %swap3A_32 = tpu.vector_load %arg9[%swap3A_29, %swap3A_30, %swap3A_31] {strides = array<i32>} : memref<3x128x32xf32, #tpu.memory_space<vmem>>, vector<16xf32>,
      tpu.vector_store %arg9[%swap3A_29, %swap3A_30, %swap3A_31], %broadcast_in_dim3A_0 {strides = array<i32>} : memref<3x128x32xf32, #tpu.memory_space<vmem>>, vector<16xf32>,
    }
    %scan3A_4 = arith.constant 128 : i32
    %scan3A_5 = arith.constant 0 : i32
    %scan3A_6 = arith.constant 25 : i32
    %scan3A_7 = arith.addi %scan3A_5, %scan3A_6 : i32
    %scan3A_8 = arith.constant 1 : i32
    scf.for %scan3A_21 = %scan3A_5 to %scan3A_7 step %scan3A_8  : i32 {
      %mul3A = arith.constant 1 : i32
      %mul3A_22 = arith.muli %scan3A_21, %mul3A : i32
      %add3A = arith.constant 0 : i32
      %add3A_23 = arith.addi %add3A, %mul3A_22 : i32
      %mul3A_24 = arith.constant 3200 : i32
      %mul3A_25 = arith.muli %arg1, %mul3A_24 : i32
      %mul3A_26 = arith.constant 128 : i32
      %mul3A_27 = arith.muli %add3A_23, %mul3A_26 : i32
      %add3A_28 = arith.addi %mul3A_25, %mul3A_27 : i32
      %run_scoped3A = arith.constant 0 : i32
      "tpu.region"() ({
        %run_scoped3A_29 = tpu.sem_alloc : memref<!tpu.dma_semaphore, #tpu.memory_space<semaphore_mem>>
        %dma_start3A = arith.constant 0 : i32
        %dma_start3A_30 = arith.constant 0 : i32
        %dma_start3A_31 = tpu.memref_slice %arg9[%run_scoped3A, %dma_start3A, %dma_start3A_30] : memref<3x128x32xf32, #tpu.memory_space<vmem>> -> memref<1x128x32xf32, #tpu.memory_space<vmem>>
        %dma_start3A_32 = tpu.memref_squeeze %dma_start3A_31 : memref<1x128x32xf32, #tpu.memory_space<vmem>> -> memref<128x32xf32, #tpu.memory_space<vmem>>
        %dma_start3A_33 = arith.constant 0 : i32
        %dma_start3A_34 = tpu.memref_slice %arg5[%add3A_28, %dma_start3A_33] : memref<51200x32xf32, #tpu.memory_space<vmem_shared>> -> memref<128x32xf32, #tpu.memory_space<vmem_shared>>
        %dma_start3A_35 = arith.constant 0 : i32
        %dma_start3A_36 = tpu.memref_slice %arg5[%add3A_28, %dma_start3A_35] : memref<51200x32xf32, #tpu.memory_space<vmem_shared>> -> memref<128x32xf32, #tpu.memory_space<vmem_shared>>
        %dma_start3A_37 = arith.constant 0 : i32
        %dma_start3A_38 = arith.constant 0 : i32
        %dma_start3A_39 = tpu.memref_slice %arg9[%run_scoped3A, %dma_start3A_37, %dma_start3A_38] : memref<3x128x32xf32, #tpu.memory_space<vmem>> -> memref<1x128x32xf32, #tpu.memory_space<vmem>>
        %dma_start3A_40 = tpu.memref_squeeze %dma_start3A_39 : memref<1x128x32xf32, #tpu.memory_space<vmem>> -> memref<128x32xf32, #tpu.memory_space<vmem>>
        tpu.enqueue_dma source(%dma_start3A_40 : memref<128x32xf32, #tpu.memory_space<vmem>>) target(%dma_start3A_36 : memref<128x32xf32, #tpu.memory_space<vmem_shared>>) target_semaphore(%run_scoped3A_29 : memref<!tpu.dma_semaphore, #tpu.memory_space<semaphore_mem>>)
        %dma_wait3A = arith.constant 0 : i32
        %dma_wait3A_41 = arith.constant 0 : i32
        %dma_wait3A_42 = tpu.memref_slice %arg9[%run_scoped3A, %dma_wait3A, %dma_wait3A_41] : memref<3x128x32xf32, #tpu.memory_space<vmem>> -> memref<1x128x32xf32, #tpu.memory_space<vmem>>
        %dma_wait3A_43 = tpu.memref_squeeze %dma_wait3A_42 : memref<1x128x32xf32, #tpu.memory_space<vmem>> -> memref<128x32xf32, #tpu.memory_space<vmem>>
        %dma_wait3A_44 = arith.constant 0 : i32
        %dma_wait3A_45 = tpu.memref_slice %arg5[%add3A_28, %dma_wait3A_44] : memref<51200x32xf32, #tpu.memory_space<vmem_shared>> -> memref<128x32xf32, #tpu.memory_space<vmem_shared>>
        %dma_wait3A_46 = arith.constant 0 : i32
        %dma_wait3A_47 = tpu.memref_slice %arg5[%add3A_28, %dma_wait3A_46] : memref<51200x32xf32, #tpu.memory_space<vmem_shared>> -> memref<128x32xf32, #tpu.memory_space<vmem_shared>>
        %dma_wait3A_48 = arith.constant 0 : i32
        %dma_wait3A_49 = arith.constant 0 : i32
        %dma_wait3A_50 = tpu.memref_slice %arg9[%run_scoped3A, %dma_wait3A_48, %dma_wait3A_49] : memref<3x128x32xf32, #tpu.memory_space<vmem>> -> memref<1x128x32xf32, #tpu.memory_space<vmem>>
        %dma_wait3A_51 = tpu.memref_squeeze %dma_wait3A_50 : memref<1x128x32xf32, #tpu.memory_space<vmem>> -> memref<128x32xf32, #tpu.memory_space<vmem>>
        tpu.wait_dma2 semaphore(%run_scoped3A_29 : memref<!tpu.dma_semaphore, #tpu.memory_space<semaphore_mem>>) src(%dma_wait3A_51 : memref<128x32xf32, #tpu.memory_space<vmem>>) dst(%dma_wait3A_47 : memref<128x32xf32, #tpu.memory_space<vmem_shared>>)
        tpu.yield
      }) : () -> ()
    }
    %scan3A_9 = arith.constant 25 : i32
    %barrier3A = arith.constant 0 : index
    tpu.barrier barrier_id(%barrier3A)
    %scan3A_10 = arith.constant 0 : i32
    %scan3A_11 = arith.constant 40 : i32
    %scan3A_12 = arith.addi %scan3A_10, %scan3A_11 : i32
    %scan3A_13 = arith.constant 1 : i32
    scf.for %scan3A_21 = %scan3A_10 to %scan3A_12 step %scan3A_13  : i32 {
      %mul3A = arith.constant 1 : i32
      %mul3A_22 = arith.muli %scan3A_21, %mul3A : i32
      %add3A = arith.constant 0 : i32
      %add3A_23 = arith.addi %add3A, %mul3A_22 : i32
      %mul3A_24 = arith.constant 40 : i32
      %mul3A_25 = arith.muli %arg1, %mul3A_24 : i32
      %add3A_26 = arith.addi %mul3A_25, %add3A_23 : i32
      %run_scoped3A = arith.constant 0 : i32
      "tpu.region"() ({
        %run_scoped3A_759 = tpu.sem_alloc : memref<!tpu.dma_semaphore, #tpu.memory_space<semaphore_mem>>
        %dma_start3A_760 = arith.constant 0 : i32
        %dma_start3A_761 = arith.constant 0 : i32
        %dma_start3A_762 = tpu.memref_slice %arg3[%run_scoped3A, %add3A_26, %dma_start3A_760, %dma_start3A_761] : memref<2x640x10x128xi32, #tpu.memory_space<hbm>> -> memref<1x1x10x128xi32, #tpu.memory_space<hbm>>
        %dma_start3A_763 = tpu.memref_squeeze %dma_start3A_762 : memref<1x1x10x128xi32, #tpu.memory_space<hbm>> -> memref<10x128xi32, #tpu.memory_space<hbm>>
        %dma_start3A_764 = arith.constant 0 : i32
        %dma_start3A_765 = arith.constant 0 : i32
        %dma_start3A_766 = tpu.memref_slice %arg3[%run_scoped3A, %add3A_26, %dma_start3A_764, %dma_start3A_765] : memref<2x640x10x128xi32, #tpu.memory_space<hbm>> -> memref<1x1x10x128xi32, #tpu.memory_space<hbm>>
        %dma_start3A_767 = tpu.memref_squeeze %dma_start3A_766 : memref<1x1x10x128xi32, #tpu.memory_space<hbm>> -> memref<10x128xi32, #tpu.memory_space<hbm>>
        tpu.enqueue_dma source(%dma_start3A_767 : memref<10x128xi32, #tpu.memory_space<hbm>>) target(%arg6 : memref<10x128xi32, #tpu.memory_space<vmem>>) target_semaphore(%run_scoped3A_759 : memref<!tpu.dma_semaphore, #tpu.memory_space<semaphore_mem>>)
        %dma_wait3A_768 = arith.constant 0 : i32
        %dma_wait3A_769 = arith.constant 0 : i32
        %dma_wait3A_770 = tpu.memref_slice %arg3[%run_scoped3A, %add3A_26, %dma_wait3A_768, %dma_wait3A_769] : memref<2x640x10x128xi32, #tpu.memory_space<hbm>> -> memref<1x1x10x128xi32, #tpu.memory_space<hbm>>
        %dma_wait3A_771 = tpu.memref_squeeze %dma_wait3A_770 : memref<1x1x10x128xi32, #tpu.memory_space<hbm>> -> memref<10x128xi32, #tpu.memory_space<hbm>>
        %dma_wait3A_772 = arith.constant 0 : i32
        %dma_wait3A_773 = arith.constant 0 : i32
        %dma_wait3A_774 = tpu.memref_slice %arg3[%run_scoped3A, %add3A_26, %dma_wait3A_772, %dma_wait3A_773] : memref<2x640x10x128xi32, #tpu.memory_space<hbm>> -> memref<1x1x10x128xi32, #tpu.memory_space<hbm>>
        %dma_wait3A_775 = tpu.memref_squeeze %dma_wait3A_774 : memref<1x1x10x128xi32, #tpu.memory_space<hbm>> -> memref<10x128xi32, #tpu.memory_space<hbm>>
        tpu.wait_dma2 semaphore(%run_scoped3A_759 : memref<!tpu.dma_semaphore, #tpu.memory_space<semaphore_mem>>) src(%dma_wait3A_775 : memref<10x128xi32, #tpu.memory_space<hbm>>) dst(%arg6 : memref<10x128xi32, #tpu.memory_space<vmem>>)
        tpu.yield
      }) : () -> ()
      %mul3A_27 = arith.constant 40 : i32
      %mul3A_28 = arith.muli %arg1, %mul3A_27 : i32
      %add3A_29 = arith.addi %mul3A_28, %add3A_23 : i32
      %run_scoped3A_30 = arith.constant 1 : i32
      "tpu.region"() ({
        %run_scoped3A_759 = tpu.sem_alloc : memref<!tpu.dma_semaphore, #tpu.memory_space<semaphore_mem>>
        %dma_start3A_760 = arith.constant 0 : i32
        %dma_start3A_761 = arith.constant 0 : i32
        %dma_start3A_762 = tpu.memref_slice %arg3[%run_scoped3A_30, %add3A_29, %dma_start3A_760, %dma_start3A_761] : memref<2x640x10x128xi32, #tpu.memory_space<hbm>> -> memref<1x1x10x128xi32, #tpu.memory_space<hbm>>
        %dma_start3A_763 = tpu.memref_squeeze %dma_start3A_762 : memref<1x1x10x128xi32, #tpu.memory_space<hbm>> -> memref<10x128xi32, #tpu.memory_space<hbm>>
        %dma_start3A_764 = arith.constant 0 : i32
        %dma_start3A_765 = arith.constant 0 : i32
        %dma_start3A_766 = tpu.memref_slice %arg3[%run_scoped3A_30, %add3A_29, %dma_start3A_764, %dma_start3A_765] : memref<2x640x10x128xi32, #tpu.memory_space<hbm>> -> memref<1x1x10x128xi32, #tpu.memory_space<hbm>>
        %dma_start3A_767 = tpu.memref_squeeze %dma_start3A_766 : memref<1x1x10x128xi32, #tpu.memory_space<hbm>> -> memref<10x128xi32, #tpu.memory_space<hbm>>
        tpu.enqueue_dma source(%dma_start3A_767 : memref<10x128xi32, #tpu.memory_space<hbm>>) target(%arg7 : memref<10x128xi32, #tpu.memory_space<vmem>>) target_semaphore(%run_scoped3A_759 : memref<!tpu.dma_semaphore, #tpu.memory_space<semaphore_mem>>)
        %dma_wait3A_768 = arith.constant 0 : i32
        %dma_wait3A_769 = arith.constant 0 : i32
        %dma_wait3A_770 = tpu.memref_slice %arg3[%run_scoped3A_30, %add3A_29, %dma_wait3A_768, %dma_wait3A_769] : memref<2x640x10x128xi32, #tpu.memory_space<hbm>> -> memref<1x1x10x128xi32, #tpu.memory_space<hbm>>
        %dma_wait3A_771 = tpu.memref_squeeze %dma_wait3A_770 : memref<1x1x10x128xi32, #tpu.memory_space<hbm>> -> memref<10x128xi32, #tpu.memory_space<hbm>>
        %dma_wait3A_772 = arith.constant 0 : i32
        %dma_wait3A_773 = arith.constant 0 : i32
        %dma_wait3A_774 = tpu.memref_slice %arg3[%run_scoped3A_30, %add3A_29, %dma_wait3A_772, %dma_wait3A_773] : memref<2x640x10x128xi32, #tpu.memory_space<hbm>> -> memref<1x1x10x128xi32, #tpu.memory_space<hbm>>
        %dma_wait3A_775 = tpu.memref_squeeze %dma_wait3A_774 : memref<1x1x10x128xi32, #tpu.memory_space<hbm>> -> memref<10x128xi32, #tpu.memory_space<hbm>>
        tpu.wait_dma2 semaphore(%run_scoped3A_759 : memref<!tpu.dma_semaphore, #tpu.memory_space<semaphore_mem>>) src(%dma_wait3A_775 : memref<10x128xi32, #tpu.memory_space<hbm>>) dst(%arg7 : memref<10x128xi32, #tpu.memory_space<vmem>>)
        tpu.yield
      }) : () -> ()
      %dma_start3A = arith.constant 0 : i32
      %dma_start3A_31 = arith.constant 0 : i32
      %dma_start3A_32 = arith.constant 0 : i32
      %dma_start3A_33 = arith.constant 0 : i32
      %dma_start3A_34 = arith.constant 0 : i32
      %dma_start3A_35 = tpu.memref_slice %arg8[%dma_start3A_31, %dma_start3A_33, %dma_start3A_34] : memref<6x128x16xi32, #tpu.memory_space<vmem>> -> memref<1x128x16xi32, #tpu.memory_space<vmem>>
      %dma_start3A_36 = tpu.memref_squeeze %dma_start3A_35 : memref<1x128x16xi32, #tpu.memory_space<vmem>> -> memref<128x16xi32, #tpu.memory_space<vmem>>
      %dma_start3A_37 = arith.constant 0 : i32
      %dma_start3A_38 = tpu.memref_slice %arg6[%dma_start3A, %dma_start3A_37] : memref<10x128xi32, #tpu.memory_space<vmem>> -> memref<1x128xi32, #tpu.memory_space<vmem>>
      %dma_start3A_39 = tpu.memref_squeeze %dma_start3A_38 : memref<1x128xi32, #tpu.memory_space<vmem>> -> memref<128xi32, #tpu.memory_space<vmem>>
      %dma_start3A_40 = arith.constant 0 : i32
      %dma_start3A_41 = arith.constant 0 : i32
      %dma_start3A_42 = tpu.memref_slice %arg2[%arg0, %dma_start3A_40, %dma_start3A_41] : memref<2x50176x16xi32, #tpu.memory_space<hbm>> -> memref<1x50176x16xi32, #tpu.memory_space<hbm>>
      %dma_start3A_43 = tpu.memref_squeeze %dma_start3A_42 : memref<1x50176x16xi32, #tpu.memory_space<hbm>> -> memref<50176x16xi32, #tpu.memory_space<hbm>>
      %dma_start3A_44 = arith.constant 0 : i32
      %dma_start3A_45 = arith.constant 0 : i32
      %dma_start3A_46 = tpu.memref_slice %dma_start3A_43[%dma_start3A_44, %dma_start3A_45] : memref<50176x16xi32, #tpu.memory_space<hbm>> -> memref<50176x16xi32, #tpu.memory_space<hbm>>
      %dma_start3A_47 = tpu.memref_slice %arg10[%dma_start3A_32] : memref<6x!tpu.dma_semaphore, #tpu.memory_space<semaphore_mem>> -> memref<1x!tpu.dma_semaphore, #tpu.memory_space<semaphore_mem>>
      %dma_start3A_48 = tpu.memref_squeeze %dma_start3A_47 : memref<1x!tpu.dma_semaphore, #tpu.memory_space<semaphore_mem>> -> memref<!tpu.dma_semaphore, #tpu.memory_space<semaphore_mem>>
      tpu.enqueue_indirect_dma source(%dma_start3A_46 : memref<50176x16xi32, #tpu.memory_space<hbm>>) target(%dma_start3A_36 : memref<128x16xi32, #tpu.memory_space<vmem>>) offsets(%dma_start3A_39 : memref<128xi32, #tpu.memory_space<vmem>>) semaphore(%dma_start3A_48 : memref<!tpu.dma_semaphore, #tpu.memory_space<semaphore_mem>>)
      %dma_start3A_49 = arith.constant 1 : i32
      %dma_start3A_50 = arith.constant 1 : i32
      %dma_start3A_51 = arith.constant 1 : i32
      %dma_start3A_52 = arith.constant 0 : i32
      %dma_start3A_53 = arith.constant 0 : i32
      %dma_start3A_54 = tpu.memref_slice %arg8[%dma_start3A_50, %dma_start3A_52, %dma_start3A_53] : memref<6x128x16xi32, #tpu.memory_space<vmem>> -> memref<1x128x16xi32, #tpu.memory_space<vmem>>
      %dma_start3A_55 = tpu.memref_squeeze %dma_start3A_54 : memref<1x128x16xi32, #tpu.memory_space<vmem>> -> memref<128x16xi32, #tpu.memory_space<vmem>>
      %dma_start3A_56 = arith.constant 0 : i32
      %dma_start3A_57 = tpu.memref_slice %arg6[%dma_start3A_49, %dma_start3A_56] : memref<10x128xi32, #tpu.memory_space<vmem>> -> memref<1x128xi32, #tpu.memory_space<vmem>>
      %dma_start3A_58 = tpu.memref_squeeze %dma_start3A_57 : memref<1x128xi32, #tpu.memory_space<vmem>> -> memref<128xi32, #tpu.memory_space<vmem>>
      %dma_start3A_59 = arith.constant 0 : i32
      %dma_start3A_60 = arith.constant 0 : i32
      %dma_start3A_61 = tpu.memref_slice %arg2[%arg0, %dma_start3A_59, %dma_start3A_60] : memref<2x50176x16xi32, #tpu.memory_space<hbm>> -> memref<1x50176x16xi32, #tpu.memory_space<hbm>>
      %dma_start3A_62 = tpu.memref_squeeze %dma_start3A_61 : memref<1x50176x16xi32, #tpu.memory_space<hbm>> -> memref<50176x16xi32, #tpu.memory_space<hbm>>
      %dma_start3A_63 = arith.constant 0 : i32
      %dma_start3A_64 = arith.constant 0 : i32
      %dma_start3A_65 = tpu.memref_slice %dma_start3A_62[%dma_start3A_63, %dma_start3A_64] : memref<50176x16xi32, #tpu.memory_space<hbm>> -> memref<50176x16xi32, #tpu.memory_space<hbm>>
      %dma_start3A_66 = tpu.memref_slice %arg10[%dma_start3A_51] : memref<6x!tpu.dma_semaphore, #tpu.memory_space<semaphore_mem>> -> memref<1x!tpu.dma_semaphore, #tpu.memory_space<semaphore_mem>>
      %dma_start3A_67 = tpu.memref_squeeze %dma_start3A_66 : memref<1x!tpu.dma_semaphore, #tpu.memory_space<semaphore_mem>> -> memref<!tpu.dma_semaphore, #tpu.memory_space<semaphore_mem>>
      tpu.enqueue_indirect_dma source(%dma_start3A_65 : memref<50176x16xi32, #tpu.memory_space<hbm>>) target(%dma_start3A_55 : memref<128x16xi32, #tpu.memory_space<vmem>>) offsets(%dma_start3A_58 : memref<128xi32, #tpu.memory_space<vmem>>) semaphore(%dma_start3A_67 : memref<!tpu.dma_semaphore, #tpu.memory_space<semaphore_mem>>)
      %dma_start3A_68 = arith.constant 2 : i32
      %dma_start3A_69 = arith.constant 2 : i32
      %dma_start3A_70 = arith.constant 2 : i32
      %dma_start3A_71 = arith.constant 0 : i32
      %dma_start3A_72 = arith.constant 0 : i32
      %dma_start3A_73 = tpu.memref_slice %arg8[%dma_start3A_69, %dma_start3A_71, %dma_start3A_72] : memref<6x128x16xi32, #tpu.memory_space<vmem>> -> memref<1x128x16xi32, #tpu.memory_space<vmem>>
      %dma_start3A_74 = tpu.memref_squeeze %dma_start3A_73 : memref<1x128x16xi32, #tpu.memory_space<vmem>> -> memref<128x16xi32, #tpu.memory_space<vmem>>
      %dma_start3A_75 = arith.constant 0 : i32
      %dma_start3A_76 = tpu.memref_slice %arg6[%dma_start3A_68, %dma_start3A_75] : memref<10x128xi32, #tpu.memory_space<vmem>> -> memref<1x128xi32, #tpu.memory_space<vmem>>
      %dma_start3A_77 = tpu.memref_squeeze %dma_start3A_76 : memref<1x128xi32, #tpu.memory_space<vmem>> -> memref<128xi32, #tpu.memory_space<vmem>>
      %dma_start3A_78 = arith.constant 0 : i32
      %dma_start3A_79 = arith.constant 0 : i32
      %dma_start3A_80 = tpu.memref_slice %arg2[%arg0, %dma_start3A_78, %dma_start3A_79] : memref<2x50176x16xi32, #tpu.memory_space<hbm>> -> memref<1x50176x16xi32, #tpu.memory_space<hbm>>
      %dma_start3A_81 = tpu.memref_squeeze %dma_start3A_80 : memref<1x50176x16xi32, #tpu.memory_space<hbm>> -> memref<50176x16xi32, #tpu.memory_space<hbm>>
      %dma_start3A_82 = arith.constant 0 : i32
      %dma_start3A_83 = arith.constant 0 : i32
      %dma_start3A_84 = tpu.memref_slice %dma_start3A_81[%dma_start3A_82, %dma_start3A_83] : memref<50176x16xi32, #tpu.memory_space<hbm>> -> memref<50176x16xi32, #tpu.memory_space<hbm>>
      %dma_start3A_85 = tpu.memref_slice %arg10[%dma_start3A_70] : memref<6x!tpu.dma_semaphore, #tpu.memory_space<semaphore_mem>> -> memref<1x!tpu.dma_semaphore, #tpu.memory_space<semaphore_mem>>
      %dma_start3A_86 = tpu.memref_squeeze %dma_start3A_85 : memref<1x!tpu.dma_semaphore, #tpu.memory_space<semaphore_mem>> -> memref<!tpu.dma_semaphore, #tpu.memory_space<semaphore_mem>>
      tpu.enqueue_indirect_dma source(%dma_start3A_84 : memref<50176x16xi32, #tpu.memory_space<hbm>>) target(%dma_start3A_74 : memref<128x16xi32, #tpu.memory_space<vmem>>) offsets(%dma_start3A_77 : memref<128xi32, #tpu.memory_space<vmem>>) semaphore(%dma_start3A_86 : memref<!tpu.dma_semaphore, #tpu.memory_space<semaphore_mem>>)
      %dma_start3A_87 = arith.constant 3 : i32
      %dma_start3A_88 = arith.constant 3 : i32
      %dma_start3A_89 = arith.constant 3 : i32
      %dma_start3A_90 = arith.constant 0 : i32
      %dma_start3A_91 = arith.constant 0 : i32
      %dma_start3A_92 = tpu.memref_slice %arg8[%dma_start3A_88, %dma_start3A_90, %dma_start3A_91] : memref<6x128x16xi32, #tpu.memory_space<vmem>> -> memref<1x128x16xi32, #tpu.memory_space<vmem>>
      %dma_start3A_93 = tpu.memref_squeeze %dma_start3A_92 : memref<1x128x16xi32, #tpu.memory_space<vmem>> -> memref<128x16xi32, #tpu.memory_space<vmem>>
      %dma_start3A_94 = arith.constant 0 : i32
      %dma_start3A_95 = tpu.memref_slice %arg6[%dma_start3A_87, %dma_start3A_94] : memref<10x128xi32, #tpu.memory_space<vmem>> -> memref<1x128xi32, #tpu.memory_space<vmem>>
      %dma_start3A_96 = tpu.memref_squeeze %dma_start3A_95 : memref<1x128xi32, #tpu.memory_space<vmem>> -> memref<128xi32, #tpu.memory_space<vmem>>
      %dma_start3A_97 = arith.constant 0 : i32
      %dma_start3A_98 = arith.constant 0 : i32
      %dma_start3A_99 = tpu.memref_slice %arg2[%arg0, %dma_start3A_97, %dma_start3A_98] : memref<2x50176x16xi32, #tpu.memory_space<hbm>> -> memref<1x50176x16xi32, #tpu.memory_space<hbm>>
      %dma_start3A_100 = tpu.memref_squeeze %dma_start3A_99 : memref<1x50176x16xi32, #tpu.memory_space<hbm>> -> memref<50176x16xi32, #tpu.memory_space<hbm>>
      %dma_start3A_101 = arith.constant 0 : i32
      %dma_start3A_102 = arith.constant 0 : i32
      %dma_start3A_103 = tpu.memref_slice %dma_start3A_100[%dma_start3A_101, %dma_start3A_102] : memref<50176x16xi32, #tpu.memory_space<hbm>> -> memref<50176x16xi32, #tpu.memory_space<hbm>>
      %dma_start3A_104 = tpu.memref_slice %arg10[%dma_start3A_89] : memref<6x!tpu.dma_semaphore, #tpu.memory_space<semaphore_mem>> -> memref<1x!tpu.dma_semaphore, #tpu.memory_space<semaphore_mem>>
      %dma_start3A_105 = tpu.memref_squeeze %dma_start3A_104 : memref<1x!tpu.dma_semaphore, #tpu.memory_space<semaphore_mem>> -> memref<!tpu.dma_semaphore, #tpu.memory_space<semaphore_mem>>
      tpu.enqueue_indirect_dma source(%dma_start3A_103 : memref<50176x16xi32, #tpu.memory_space<hbm>>) target(%dma_start3A_93 : memref<128x16xi32, #tpu.memory_space<vmem>>) offsets(%dma_start3A_96 : memref<128xi32, #tpu.memory_space<vmem>>) semaphore(%dma_start3A_105 : memref<!tpu.dma_semaphore, #tpu.memory_space<semaphore_mem>>)
      %dma_wait3A = arith.constant 0 : i32
      %dma_wait3A_106 = arith.constant 0 : i32
      %dma_wait3A_107 = arith.constant 0 : i32
      %dma_wait3A_108 = arith.constant 0 : i32
      %dma_wait3A_109 = arith.constant 0 : i32
      %dma_wait3A_110 = tpu.memref_slice %arg8[%dma_wait3A_106, %dma_wait3A_108, %dma_wait3A_109] : memref<6x128x16xi32, #tpu.memory_space<vmem>> -> memref<1x128x16xi32, #tpu.memory_space<vmem>>
      %dma_wait3A_111 = tpu.memref_squeeze %dma_wait3A_110 : memref<1x128x16xi32, #tpu.memory_space<vmem>> -> memref<128x16xi32, #tpu.memory_space<vmem>>
      %dma_wait3A_112 = arith.constant 0 : i32
      %dma_wait3A_113 = tpu.memref_slice %arg6[%dma_wait3A, %dma_wait3A_112] : memref<10x128xi32, #tpu.memory_space<vmem>> -> memref<1x128xi32, #tpu.memory_space<vmem>>
      %dma_wait3A_114 = tpu.memref_squeeze %dma_wait3A_113 : memref<1x128xi32, #tpu.memory_space<vmem>> -> memref<128xi32, #tpu.memory_space<vmem>>
      %dma_wait3A_115 = arith.constant 0 : i32
      %dma_wait3A_116 = arith.constant 0 : i32
      %dma_wait3A_117 = tpu.memref_slice %arg2[%arg0, %dma_wait3A_115, %dma_wait3A_116] : memref<2x50176x16xi32, #tpu.memory_space<hbm>> -> memref<1x50176x16xi32, #tpu.memory_space<hbm>>
      %dma_wait3A_118 = tpu.memref_squeeze %dma_wait3A_117 : memref<1x50176x16xi32, #tpu.memory_space<hbm>> -> memref<50176x16xi32, #tpu.memory_space<hbm>>
      %dma_wait3A_119 = arith.constant 0 : i32
      %dma_wait3A_120 = arith.constant 0 : i32
      %dma_wait3A_121 = tpu.memref_slice %dma_wait3A_118[%dma_wait3A_119, %dma_wait3A_120] : memref<50176x16xi32, #tpu.memory_space<hbm>> -> memref<50176x16xi32, #tpu.memory_space<hbm>>
      %dma_wait3A_122 = tpu.memref_slice %arg10[%dma_wait3A_107] : memref<6x!tpu.dma_semaphore, #tpu.memory_space<semaphore_mem>> -> memref<1x!tpu.dma_semaphore, #tpu.memory_space<semaphore_mem>>
      %dma_wait3A_123 = tpu.memref_squeeze %dma_wait3A_122 : memref<1x!tpu.dma_semaphore, #tpu.memory_space<semaphore_mem>> -> memref<!tpu.dma_semaphore, #tpu.memory_space<semaphore_mem>>
      tpu.wait_indirect_dma semaphore(%dma_wait3A_123 : memref<!tpu.dma_semaphore, #tpu.memory_space<semaphore_mem>>) src(%dma_wait3A_121 : memref<50176x16xi32, #tpu.memory_space<hbm>>) dst(%dma_wait3A_111 : memref<128x16xi32, #tpu.memory_space<vmem>>)
      %scan3A_124 = arith.constant 0 : i32
      %scan3A_125 = arith.constant 128 : i32
      %scan3A_126 = arith.addi %scan3A_124, %scan3A_125 : i32
      %scan3A_127 = arith.constant 1 : i32
      scf.for %scan3A_759 = %scan3A_124 to %scan3A_126 step %scan3A_127  : i32 {
        %mul3A_760 = arith.constant 1 : i32
        %mul3A_761 = arith.muli %scan3A_759, %mul3A_760 : i32
        %add3A_762 = arith.constant 0 : i32
        %add3A_763 = arith.addi %add3A_762, %mul3A_761 : i32
        %get3A = arith.constant 0 : i32
        %get3A_764 = arith.index_cast %get3A : i32 to index
        %get3A_765 = arith.index_cast %add3A_763 : i32 to index
        %get3A_766 = arith.constant 0 : index
        %get3A_767 = tpu.vector_load %arg8[%get3A_764, %get3A_765, %get3A_766] {strides = array<i32>} : memref<6x128x16xi32, #tpu.memory_space<vmem>>, vector<16xi32>,
        %shift_left3A = arith.constant 16 : i32
        %shift_left3A_768 = vector.broadcast %shift_left3A : i32 to vector<16xi32>
        %shift_left3A_769 = arith.shli %get3A_767, %shift_left3A_768 : vector<16xi32>
        %bitcast3A = vector.bitcast %shift_left3A_769 : vector<16xi32> to vector<16xf32>
        %swap3A = arith.constant 0 : i32
        %swap3A_770 = arith.index_cast %swap3A : i32 to index
        %swap3A_771 = arith.index_cast %add3A_763 : i32 to index
        %swap3A_772 = arith.constant 0 : index
        %swap3A_773 = tpu.vector_load %arg9[%swap3A_770, %swap3A_771, %swap3A_772] {strides = array<i32>} : memref<3x128x32xf32, #tpu.memory_space<vmem>>, vector<16xf32>,
        tpu.vector_store %arg9[%swap3A_770, %swap3A_771, %swap3A_772], %bitcast3A {strides = array<i32>} : memref<3x128x32xf32, #tpu.memory_space<vmem>>, vector<16xf32>,
        %and3A = arith.constant -65536 : i32
        %and3A_774 = vector.broadcast %and3A : i32 to vector<16xi32>
        %and3A_775 = arith.andi %get3A_767, %and3A_774 : vector<16xi32>
        %bitcast3A_776 = vector.bitcast %and3A_775 : vector<16xi32> to vector<16xf32>
        %swap3A_777 = arith.constant 0 : i32
        %swap3A_778 = arith.index_cast %swap3A_777 : i32 to index
        %swap3A_779 = arith.index_cast %add3A_763 : i32 to index
        %swap3A_780 = arith.constant 16 : index
        %swap3A_781 = tpu.vector_load %arg9[%swap3A_778, %swap3A_779, %swap3A_780] {strides = array<i32>} : memref<3x128x32xf32, #tpu.memory_space<vmem>>, vector<16xf32>,
        tpu.vector_store %arg9[%swap3A_778, %swap3A_779, %swap3A_780], %bitcast3A_776 {strides = array<i32>} : memref<3x128x32xf32, #tpu.memory_space<vmem>>, vector<16xf32>,
      }
      %scan3A_128 = arith.constant 128 : i32
      %dma_start3A_129 = arith.constant 0 : i32
      %dma_start3A_130 = arith.constant 0 : i32
      %dma_start3A_131 = arith.constant 0 : i32
      %dma_start3A_132 = arith.constant 0 : i32
      %dma_start3A_133 = arith.constant 0 : i32
      %dma_start3A_134 = tpu.memref_slice %arg9[%dma_start3A_129, %dma_start3A_132, %dma_start3A_133] : memref<3x128x32xf32, #tpu.memory_space<vmem>> -> memref<1x128x32xf32, #tpu.memory_space<vmem>>
      %dma_start3A_135 = tpu.memref_squeeze %dma_start3A_134 : memref<1x128x32xf32, #tpu.memory_space<vmem>> -> memref<128x32xf32, #tpu.memory_space<vmem>>
      %dma_start3A_136 = arith.constant 0 : i32
      %dma_start3A_137 = tpu.memref_slice %arg7[%dma_start3A_130, %dma_start3A_136] : memref<10x128xi32, #tpu.memory_space<vmem>> -> memref<1x128xi32, #tpu.memory_space<vmem>>
      %dma_start3A_138 = tpu.memref_squeeze %dma_start3A_137 : memref<1x128xi32, #tpu.memory_space<vmem>> -> memref<128xi32, #tpu.memory_space<vmem>>
      %dma_start3A_139 = arith.constant 0 : i32
      %dma_start3A_140 = arith.constant 0 : i32
      %dma_start3A_141 = tpu.memref_slice %arg5[%dma_start3A_139, %dma_start3A_140] : memref<51200x32xf32, #tpu.memory_space<vmem_shared>> -> memref<51200x32xf32, #tpu.memory_space<vmem_shared>>
      %dma_start3A_142 = tpu.memref_slice %arg11[%dma_start3A_131] : memref<3x!tpu.dma_semaphore, #tpu.memory_space<semaphore_mem>> -> memref<1x!tpu.dma_semaphore, #tpu.memory_space<semaphore_mem>>
      %dma_start3A_143 = tpu.memref_squeeze %dma_start3A_142 : memref<1x!tpu.dma_semaphore, #tpu.memory_space<semaphore_mem>> -> memref<!tpu.dma_semaphore, #tpu.memory_space<semaphore_mem>>
      tpu.enqueue_indirect_dma source(%dma_start3A_135 : memref<128x32xf32, #tpu.memory_space<vmem>>) target(%dma_start3A_141 : memref<51200x32xf32, #tpu.memory_space<vmem_shared>>) offsets(%dma_start3A_138 : memref<128xi32, #tpu.memory_space<vmem>>) semaphore(%dma_start3A_143 : memref<!tpu.dma_semaphore, #tpu.memory_space<semaphore_mem>>) {add = true}
      %dma_start3A_144 = arith.constant 4 : i32
      %dma_start3A_145 = arith.constant 4 : i32
      %dma_start3A_146 = arith.constant 4 : i32
      %dma_start3A_147 = arith.constant 0 : i32
      %dma_start3A_148 = arith.constant 0 : i32
      %dma_start3A_149 = tpu.memref_slice %arg8[%dma_start3A_145, %dma_start3A_147, %dma_start3A_148] : memref<6x128x16xi32, #tpu.memory_space<vmem>> -> memref<1x128x16xi32, #tpu.memory_space<vmem>>
      %dma_start3A_150 = tpu.memref_squeeze %dma_start3A_149 : memref<1x128x16xi32, #tpu.memory_space<vmem>> -> memref<128x16xi32, #tpu.memory_space<vmem>>
      %dma_start3A_151 = arith.constant 0 : i32
      %dma_start3A_152 = tpu.memref_slice %arg6[%dma_start3A_144, %dma_start3A_151] : memref<10x128xi32, #tpu.memory_space<vmem>> -> memref<1x128xi32, #tpu.memory_space<vmem>>
      %dma_start3A_153 = tpu.memref_squeeze %dma_start3A_152 : memref<1x128xi32, #tpu.memory_space<vmem>> -> memref<128xi32, #tpu.memory_space<vmem>>
      %dma_start3A_154 = arith.constant 0 : i32
      %dma_start3A_155 = arith.constant 0 : i32
      %dma_start3A_156 = tpu.memref_slice %arg2[%arg0, %dma_start3A_154, %dma_start3A_155] : memref<2x50176x16xi32, #tpu.memory_space<hbm>> -> memref<1x50176x16xi32, #tpu.memory_space<hbm>>
      %dma_start3A_157 = tpu.memref_squeeze %dma_start3A_156 : memref<1x50176x16xi32, #tpu.memory_space<hbm>> -> memref<50176x16xi32, #tpu.memory_space<hbm>>
      %dma_start3A_158 = arith.constant 0 : i32
      %dma_start3A_159 = arith.constant 0 : i32
      %dma_start3A_160 = tpu.memref_slice %dma_start3A_157[%dma_start3A_158, %dma_start3A_159] : memref<50176x16xi32, #tpu.memory_space<hbm>> -> memref<50176x16xi32, #tpu.memory_space<hbm>>
      %dma_start3A_161 = tpu.memref_slice %arg10[%dma_start3A_146] : memref<6x!tpu.dma_semaphore, #tpu.memory_space<semaphore_mem>> -> memref<1x!tpu.dma_semaphore, #tpu.memory_space<semaphore_mem>>
      %dma_start3A_162 = tpu.memref_squeeze %dma_start3A_161 : memref<1x!tpu.dma_semaphore, #tpu.memory_space<semaphore_mem>> -> memref<!tpu.dma_semaphore, #tpu.memory_space<semaphore_mem>>
      tpu.enqueue_indirect_dma source(%dma_start3A_160 : memref<50176x16xi32, #tpu.memory_space<hbm>>) target(%dma_start3A_150 : memref<128x16xi32, #tpu.memory_space<vmem>>) offsets(%dma_start3A_153 : memref<128xi32, #tpu.memory_space<vmem>>) semaphore(%dma_start3A_162 : memref<!tpu.dma_semaphore, #tpu.memory_space<semaphore_mem>>)
      %dma_wait3A_163 = arith.constant 1 : i32
      %dma_wait3A_164 = arith.constant 1 : i32
      %dma_wait3A_165 = arith.constant 1 : i32
      %dma_wait3A_166 = arith.constant 0 : i32
      %dma_wait3A_167 = arith.constant 0 : i32
      %dma_wait3A_168 = tpu.memref_slice %arg8[%dma_wait3A_164, %dma_wait3A_166, %dma_wait3A_167] : memref<6x128x16xi32, #tpu.memory_space<vmem>> -> memref<1x128x16xi32, #tpu.memory_space<vmem>>
      %dma_wait3A_169 = tpu.memref_squeeze %dma_wait3A_168 : memref<1x128x16xi32, #tpu.memory_space<vmem>> -> memref<128x16xi32, #tpu.memory_space<vmem>>
      %dma_wait3A_170 = arith.constant 0 : i32
      %dma_wait3A_171 = tpu.memref_slice %arg6[%dma_wait3A_163, %dma_wait3A_170] : memref<10x128xi32, #tpu.memory_space<vmem>> -> memref<1x128xi32, #tpu.memory_space<vmem>>
      %dma_wait3A_172 = tpu.memref_squeeze %dma_wait3A_171 : memref<1x128xi32, #tpu.memory_space<vmem>> -> memref<128xi32, #tpu.memory_space<vmem>>
      %dma_wait3A_173 = arith.constant 0 : i32
      %dma_wait3A_174 = arith.constant 0 : i32
      %dma_wait3A_175 = tpu.memref_slice %arg2[%arg0, %dma_wait3A_173, %dma_wait3A_174] : memref<2x50176x16xi32, #tpu.memory_space<hbm>> -> memref<1x50176x16xi32, #tpu.memory_space<hbm>>
      %dma_wait3A_176 = tpu.memref_squeeze %dma_wait3A_175 : memref<1x50176x16xi32, #tpu.memory_space<hbm>> -> memref<50176x16xi32, #tpu.memory_space<hbm>>
      %dma_wait3A_177 = arith.constant 0 : i32
      %dma_wait3A_178 = arith.constant 0 : i32
      %dma_wait3A_179 = tpu.memref_slice %dma_wait3A_176[%dma_wait3A_177, %dma_wait3A_178] : memref<50176x16xi32, #tpu.memory_space<hbm>> -> memref<50176x16xi32, #tpu.memory_space<hbm>>
      %dma_wait3A_180 = tpu.memref_slice %arg10[%dma_wait3A_165] : memref<6x!tpu.dma_semaphore, #tpu.memory_space<semaphore_mem>> -> memref<1x!tpu.dma_semaphore, #tpu.memory_space<semaphore_mem>>
      %dma_wait3A_181 = tpu.memref_squeeze %dma_wait3A_180 : memref<1x!tpu.dma_semaphore, #tpu.memory_space<semaphore_mem>> -> memref<!tpu.dma_semaphore, #tpu.memory_space<semaphore_mem>>
      tpu.wait_indirect_dma semaphore(%dma_wait3A_181 : memref<!tpu.dma_semaphore, #tpu.memory_space<semaphore_mem>>) src(%dma_wait3A_179 : memref<50176x16xi32, #tpu.memory_space<hbm>>) dst(%dma_wait3A_169 : memref<128x16xi32, #tpu.memory_space<vmem>>)
      %scan3A_182 = arith.constant 0 : i32
      %scan3A_183 = arith.constant 128 : i32
      %scan3A_184 = arith.addi %scan3A_182, %scan3A_183 : i32
      %scan3A_185 = arith.constant 1 : i32
      scf.for %scan3A_759 = %scan3A_182 to %scan3A_184 step %scan3A_185  : i32 {
        %mul3A_760 = arith.constant 1 : i32
        %mul3A_761 = arith.muli %scan3A_759, %mul3A_760 : i32
        %add3A_762 = arith.constant 0 : i32
        %add3A_763 = arith.addi %add3A_762, %mul3A_761 : i32
        %get3A = arith.constant 1 : i32
        %get3A_764 = arith.index_cast %get3A : i32 to index
        %get3A_765 = arith.index_cast %add3A_763 : i32 to index
        %get3A_766 = arith.constant 0 : index
        %get3A_767 = tpu.vector_load %arg8[%get3A_764, %get3A_765, %get3A_766] {strides = array<i32>} : memref<6x128x16xi32, #tpu.memory_space<vmem>>, vector<16xi32>,
        %shift_left3A = arith.constant 16 : i32
        %shift_left3A_768 = vector.broadcast %shift_left3A : i32 to vector<16xi32>
        %shift_left3A_769 = arith.shli %get3A_767, %shift_left3A_768 : vector<16xi32>
        %bitcast3A = vector.bitcast %shift_left3A_769 : vector<16xi32> to vector<16xf32>
        %swap3A = arith.constant 1 : i32
        %swap3A_770 = arith.index_cast %swap3A : i32 to index
        %swap3A_771 = arith.index_cast %add3A_763 : i32 to index
        %swap3A_772 = arith.constant 0 : index
        %swap3A_773 = tpu.vector_load %arg9[%swap3A_770, %swap3A_771, %swap3A_772] {strides = array<i32>} : memref<3x128x32xf32, #tpu.memory_space<vmem>>, vector<16xf32>,
        tpu.vector_store %arg9[%swap3A_770, %swap3A_771, %swap3A_772], %bitcast3A {strides = array<i32>} : memref<3x128x32xf32, #tpu.memory_space<vmem>>, vector<16xf32>,
        %and3A = arith.constant -65536 : i32
        %and3A_774 = vector.broadcast %and3A : i32 to vector<16xi32>
        %and3A_775 = arith.andi %get3A_767, %and3A_774 : vector<16xi32>
        %bitcast3A_776 = vector.bitcast %and3A_775 : vector<16xi32> to vector<16xf32>
        %swap3A_777 = arith.constant 1 : i32
        %swap3A_778 = arith.index_cast %swap3A_777 : i32 to index
        %swap3A_779 = arith.index_cast %add3A_763 : i32 to index
        %swap3A_780 = arith.constant 16 : index
        %swap3A_781 = tpu.vector_load %arg9[%swap3A_778, %swap3A_779, %swap3A_780] {strides = array<i32>} : memref<3x128x32xf32, #tpu.memory_space<vmem>>, vector<16xf32>,
        tpu.vector_store %arg9[%swap3A_778, %swap3A_779, %swap3A_780], %bitcast3A_776 {strides = array<i32>} : memref<3x128x32xf32, #tpu.memory_space<vmem>>, vector<16xf32>,
      }
      %scan3A_186 = arith.constant 128 : i32
      %dma_start3A_187 = arith.constant 1 : i32
      %dma_start3A_188 = arith.constant 1 : i32
      %dma_start3A_189 = arith.constant 1 : i32
      %dma_start3A_190 = arith.constant 0 : i32
      %dma_start3A_191 = arith.constant 0 : i32
      %dma_start3A_192 = tpu.memref_slice %arg9[%dma_start3A_187, %dma_start3A_190, %dma_start3A_191] : memref<3x128x32xf32, #tpu.memory_space<vmem>> -> memref<1x128x32xf32, #tpu.memory_space<vmem>>
      %dma_start3A_193 = tpu.memref_squeeze %dma_start3A_192 : memref<1x128x32xf32, #tpu.memory_space<vmem>> -> memref<128x32xf32, #tpu.memory_space<vmem>>
      %dma_start3A_194 = arith.constant 0 : i32
      %dma_start3A_195 = tpu.memref_slice %arg7[%dma_start3A_188, %dma_start3A_194] : memref<10x128xi32, #tpu.memory_space<vmem>> -> memref<1x128xi32, #tpu.memory_space<vmem>>
      %dma_start3A_196 = tpu.memref_squeeze %dma_start3A_195 : memref<1x128xi32, #tpu.memory_space<vmem>> -> memref<128xi32, #tpu.memory_space<vmem>>
      %dma_start3A_197 = arith.constant 0 : i32
      %dma_start3A_198 = arith.constant 0 : i32
      %dma_start3A_199 = tpu.memref_slice %arg5[%dma_start3A_197, %dma_start3A_198] : memref<51200x32xf32, #tpu.memory_space<vmem_shared>> -> memref<51200x32xf32, #tpu.memory_space<vmem_shared>>
      %dma_start3A_200 = tpu.memref_slice %arg11[%dma_start3A_189] : memref<3x!tpu.dma_semaphore, #tpu.memory_space<semaphore_mem>> -> memref<1x!tpu.dma_semaphore, #tpu.memory_space<semaphore_mem>>
      %dma_start3A_201 = tpu.memref_squeeze %dma_start3A_200 : memref<1x!tpu.dma_semaphore, #tpu.memory_space<semaphore_mem>> -> memref<!tpu.dma_semaphore, #tpu.memory_space<semaphore_mem>>
      tpu.enqueue_indirect_dma source(%dma_start3A_193 : memref<128x32xf32, #tpu.memory_space<vmem>>) target(%dma_start3A_199 : memref<51200x32xf32, #tpu.memory_space<vmem_shared>>) offsets(%dma_start3A_196 : memref<128xi32, #tpu.memory_space<vmem>>) semaphore(%dma_start3A_201 : memref<!tpu.dma_semaphore, #tpu.memory_space<semaphore_mem>>) {add = true}
      %dma_start3A_202 = arith.constant 5 : i32
      %dma_start3A_203 = arith.constant 5 : i32
      %dma_start3A_204 = arith.constant 5 : i32
      %dma_start3A_205 = arith.constant 0 : i32
      %dma_start3A_206 = arith.constant 0 : i32
      %dma_start3A_207 = tpu.memref_slice %arg8[%dma_start3A_203, %dma_start3A_205, %dma_start3A_206] : memref<6x128x16xi32, #tpu.memory_space<vmem>> -> memref<1x128x16xi32, #tpu.memory_space<vmem>>
      %dma_start3A_208 = tpu.memref_squeeze %dma_start3A_207 : memref<1x128x16xi32, #tpu.memory_space<vmem>> -> memref<128x16xi32, #tpu.memory_space<vmem>>
      %dma_start3A_209 = arith.constant 0 : i32
      %dma_start3A_210 = tpu.memref_slice %arg6[%dma_start3A_202, %dma_start3A_209] : memref<10x128xi32, #tpu.memory_space<vmem>> -> memref<1x128xi32, #tpu.memory_space<vmem>>
      %dma_start3A_211 = tpu.memref_squeeze %dma_start3A_210 : memref<1x128xi32, #tpu.memory_space<vmem>> -> memref<128xi32, #tpu.memory_space<vmem>>
      %dma_start3A_212 = arith.constant 0 : i32
      %dma_start3A_213 = arith.constant 0 : i32
      %dma_start3A_214 = tpu.memref_slice %arg2[%arg0, %dma_start3A_212, %dma_start3A_213] : memref<2x50176x16xi32, #tpu.memory_space<hbm>> -> memref<1x50176x16xi32, #tpu.memory_space<hbm>>
      %dma_start3A_215 = tpu.memref_squeeze %dma_start3A_214 : memref<1x50176x16xi32, #tpu.memory_space<hbm>> -> memref<50176x16xi32, #tpu.memory_space<hbm>>
      %dma_start3A_216 = arith.constant 0 : i32
      %dma_start3A_217 = arith.constant 0 : i32
      %dma_start3A_218 = tpu.memref_slice %dma_start3A_215[%dma_start3A_216, %dma_start3A_217] : memref<50176x16xi32, #tpu.memory_space<hbm>> -> memref<50176x16xi32, #tpu.memory_space<hbm>>
      %dma_start3A_219 = tpu.memref_slice %arg10[%dma_start3A_204] : memref<6x!tpu.dma_semaphore, #tpu.memory_space<semaphore_mem>> -> memref<1x!tpu.dma_semaphore, #tpu.memory_space<semaphore_mem>>
      %dma_start3A_220 = tpu.memref_squeeze %dma_start3A_219 : memref<1x!tpu.dma_semaphore, #tpu.memory_space<semaphore_mem>> -> memref<!tpu.dma_semaphore, #tpu.memory_space<semaphore_mem>>
      tpu.enqueue_indirect_dma source(%dma_start3A_218 : memref<50176x16xi32, #tpu.memory_space<hbm>>) target(%dma_start3A_208 : memref<128x16xi32, #tpu.memory_space<vmem>>) offsets(%dma_start3A_211 : memref<128xi32, #tpu.memory_space<vmem>>) semaphore(%dma_start3A_220 : memref<!tpu.dma_semaphore, #tpu.memory_space<semaphore_mem>>)
      %dma_wait3A_221 = arith.constant 2 : i32
      %dma_wait3A_222 = arith.constant 2 : i32
      %dma_wait3A_223 = arith.constant 2 : i32
      %dma_wait3A_224 = arith.constant 0 : i32
      %dma_wait3A_225 = arith.constant 0 : i32
      %dma_wait3A_226 = tpu.memref_slice %arg8[%dma_wait3A_222, %dma_wait3A_224, %dma_wait3A_225] : memref<6x128x16xi32, #tpu.memory_space<vmem>> -> memref<1x128x16xi32, #tpu.memory_space<vmem>>
      %dma_wait3A_227 = tpu.memref_squeeze %dma_wait3A_226 : memref<1x128x16xi32, #tpu.memory_space<vmem>> -> memref<128x16xi32, #tpu.memory_space<vmem>>
      %dma_wait3A_228 = arith.constant 0 : i32
      %dma_wait3A_229 = tpu.memref_slice %arg6[%dma_wait3A_221, %dma_wait3A_228] : memref<10x128xi32, #tpu.memory_space<vmem>> -> memref<1x128xi32, #tpu.memory_space<vmem>>
      %dma_wait3A_230 = tpu.memref_squeeze %dma_wait3A_229 : memref<1x128xi32, #tpu.memory_space<vmem>> -> memref<128xi32, #tpu.memory_space<vmem>>
      %dma_wait3A_231 = arith.constant 0 : i32
      %dma_wait3A_232 = arith.constant 0 : i32
      %dma_wait3A_233 = tpu.memref_slice %arg2[%arg0, %dma_wait3A_231, %dma_wait3A_232] : memref<2x50176x16xi32, #tpu.memory_space<hbm>> -> memref<1x50176x16xi32, #tpu.memory_space<hbm>>
      %dma_wait3A_234 = tpu.memref_squeeze %dma_wait3A_233 : memref<1x50176x16xi32, #tpu.memory_space<hbm>> -> memref<50176x16xi32, #tpu.memory_space<hbm>>
      %dma_wait3A_235 = arith.constant 0 : i32
      %dma_wait3A_236 = arith.constant 0 : i32
      %dma_wait3A_237 = tpu.memref_slice %dma_wait3A_234[%dma_wait3A_235, %dma_wait3A_236] : memref<50176x16xi32, #tpu.memory_space<hbm>> -> memref<50176x16xi32, #tpu.memory_space<hbm>>
      %dma_wait3A_238 = tpu.memref_slice %arg10[%dma_wait3A_223] : memref<6x!tpu.dma_semaphore, #tpu.memory_space<semaphore_mem>> -> memref<1x!tpu.dma_semaphore, #tpu.memory_space<semaphore_mem>>
      %dma_wait3A_239 = tpu.memref_squeeze %dma_wait3A_238 : memref<1x!tpu.dma_semaphore, #tpu.memory_space<semaphore_mem>> -> memref<!tpu.dma_semaphore, #tpu.memory_space<semaphore_mem>>
      tpu.wait_indirect_dma semaphore(%dma_wait3A_239 : memref<!tpu.dma_semaphore, #tpu.memory_space<semaphore_mem>>) src(%dma_wait3A_237 : memref<50176x16xi32, #tpu.memory_space<hbm>>) dst(%dma_wait3A_227 : memref<128x16xi32, #tpu.memory_space<vmem>>)
      %scan3A_240 = arith.constant 0 : i32
      %scan3A_241 = arith.constant 128 : i32
      %scan3A_242 = arith.addi %scan3A_240, %scan3A_241 : i32
      %scan3A_243 = arith.constant 1 : i32
      scf.for %scan3A_759 = %scan3A_240 to %scan3A_242 step %scan3A_243  : i32 {
        %mul3A_760 = arith.constant 1 : i32
        %mul3A_761 = arith.muli %scan3A_759, %mul3A_760 : i32
        %add3A_762 = arith.constant 0 : i32
        %add3A_763 = arith.addi %add3A_762, %mul3A_761 : i32
        %get3A = arith.constant 2 : i32
        %get3A_764 = arith.index_cast %get3A : i32 to index
        %get3A_765 = arith.index_cast %add3A_763 : i32 to index
        %get3A_766 = arith.constant 0 : index
        %get3A_767 = tpu.vector_load %arg8[%get3A_764, %get3A_765, %get3A_766] {strides = array<i32>} : memref<6x128x16xi32, #tpu.memory_space<vmem>>, vector<16xi32>,
        %shift_left3A = arith.constant 16 : i32
        %shift_left3A_768 = vector.broadcast %shift_left3A : i32 to vector<16xi32>
        %shift_left3A_769 = arith.shli %get3A_767, %shift_left3A_768 : vector<16xi32>
        %bitcast3A = vector.bitcast %shift_left3A_769 : vector<16xi32> to vector<16xf32>
        %swap3A = arith.constant 2 : i32
        %swap3A_770 = arith.index_cast %swap3A : i32 to index
        %swap3A_771 = arith.index_cast %add3A_763 : i32 to index
        %swap3A_772 = arith.constant 0 : index
        %swap3A_773 = tpu.vector_load %arg9[%swap3A_770, %swap3A_771, %swap3A_772] {strides = array<i32>} : memref<3x128x32xf32, #tpu.memory_space<vmem>>, vector<16xf32>,
        tpu.vector_store %arg9[%swap3A_770, %swap3A_771, %swap3A_772], %bitcast3A {strides = array<i32>} : memref<3x128x32xf32, #tpu.memory_space<vmem>>, vector<16xf32>,
        %and3A = arith.constant -65536 : i32
        %and3A_774 = vector.broadcast %and3A : i32 to vector<16xi32>
        %and3A_775 = arith.andi %get3A_767, %and3A_774 : vector<16xi32>
        %bitcast3A_776 = vector.bitcast %and3A_775 : vector<16xi32> to vector<16xf32>
        %swap3A_777 = arith.constant 2 : i32
        %swap3A_778 = arith.index_cast %swap3A_777 : i32 to index
        %swap3A_779 = arith.index_cast %add3A_763 : i32 to index
        %swap3A_780 = arith.constant 16 : index
        %swap3A_781 = tpu.vector_load %arg9[%swap3A_778, %swap3A_779, %swap3A_780] {strides = array<i32>} : memref<3x128x32xf32, #tpu.memory_space<vmem>>, vector<16xf32>,
        tpu.vector_store %arg9[%swap3A_778, %swap3A_779, %swap3A_780], %bitcast3A_776 {strides = array<i32>} : memref<3x128x32xf32, #tpu.memory_space<vmem>>, vector<16xf32>,
      }
      %scan3A_244 = arith.constant 128 : i32
      %dma_start3A_245 = arith.constant 2 : i32
      %dma_start3A_246 = arith.constant 2 : i32
      %dma_start3A_247 = arith.constant 2 : i32
      %dma_start3A_248 = arith.constant 0 : i32
      %dma_start3A_249 = arith.constant 0 : i32
      %dma_start3A_250 = tpu.memref_slice %arg9[%dma_start3A_245, %dma_start3A_248, %dma_start3A_249] : memref<3x128x32xf32, #tpu.memory_space<vmem>> -> memref<1x128x32xf32, #tpu.memory_space<vmem>>
      %dma_start3A_251 = tpu.memref_squeeze %dma_start3A_250 : memref<1x128x32xf32, #tpu.memory_space<vmem>> -> memref<128x32xf32, #tpu.memory_space<vmem>>
      %dma_start3A_252 = arith.constant 0 : i32
      %dma_start3A_253 = tpu.memref_slice %arg7[%dma_start3A_246, %dma_start3A_252] : memref<10x128xi32, #tpu.memory_space<vmem>> -> memref<1x128xi32, #tpu.memory_space<vmem>>
      %dma_start3A_254 = tpu.memref_squeeze %dma_start3A_253 : memref<1x128xi32, #tpu.memory_space<vmem>> -> memref<128xi32, #tpu.memory_space<vmem>>
      %dma_start3A_255 = arith.constant 0 : i32
      %dma_start3A_256 = arith.constant 0 : i32
      %dma_start3A_257 = tpu.memref_slice %arg5[%dma_start3A_255, %dma_start3A_256] : memref<51200x32xf32, #tpu.memory_space<vmem_shared>> -> memref<51200x32xf32, #tpu.memory_space<vmem_shared>>
      %dma_start3A_258 = tpu.memref_slice %arg11[%dma_start3A_247] : memref<3x!tpu.dma_semaphore, #tpu.memory_space<semaphore_mem>> -> memref<1x!tpu.dma_semaphore, #tpu.memory_space<semaphore_mem>>
      %dma_start3A_259 = tpu.memref_squeeze %dma_start3A_258 : memref<1x!tpu.dma_semaphore, #tpu.memory_space<semaphore_mem>> -> memref<!tpu.dma_semaphore, #tpu.memory_space<semaphore_mem>>
      tpu.enqueue_indirect_dma source(%dma_start3A_251 : memref<128x32xf32, #tpu.memory_space<vmem>>) target(%dma_start3A_257 : memref<51200x32xf32, #tpu.memory_space<vmem_shared>>) offsets(%dma_start3A_254 : memref<128xi32, #tpu.memory_space<vmem>>) semaphore(%dma_start3A_259 : memref<!tpu.dma_semaphore, #tpu.memory_space<semaphore_mem>>) {add = true}
      %dma_start3A_260 = arith.constant 6 : i32
      %dma_start3A_261 = arith.constant 0 : i32
      %dma_start3A_262 = arith.constant 0 : i32
      %dma_start3A_263 = arith.constant 0 : i32
      %dma_start3A_264 = arith.constant 0 : i32
      %dma_start3A_265 = tpu.memref_slice %arg8[%dma_start3A_261, %dma_start3A_263, %dma_start3A_264] : memref<6x128x16xi32, #tpu.memory_space<vmem>> -> memref<1x128x16xi32, #tpu.memory_space<vmem>>
      %dma_start3A_266 = tpu.memref_squeeze %dma_start3A_265 : memref<1x128x16xi32, #tpu.memory_space<vmem>> -> memref<128x16xi32, #tpu.memory_space<vmem>>
      %dma_start3A_267 = arith.constant 0 : i32
      %dma_start3A_268 = tpu.memref_slice %arg6[%dma_start3A_260, %dma_start3A_267] : memref<10x128xi32, #tpu.memory_space<vmem>> -> memref<1x128xi32, #tpu.memory_space<vmem>>
      %dma_start3A_269 = tpu.memref_squeeze %dma_start3A_268 : memref<1x128xi32, #tpu.memory_space<vmem>> -> memref<128xi32, #tpu.memory_space<vmem>>
      %dma_start3A_270 = arith.constant 0 : i32
      %dma_start3A_271 = arith.constant 0 : i32
      %dma_start3A_272 = tpu.memref_slice %arg2[%arg0, %dma_start3A_270, %dma_start3A_271] : memref<2x50176x16xi32, #tpu.memory_space<hbm>> -> memref<1x50176x16xi32, #tpu.memory_space<hbm>>
      %dma_start3A_273 = tpu.memref_squeeze %dma_start3A_272 : memref<1x50176x16xi32, #tpu.memory_space<hbm>> -> memref<50176x16xi32, #tpu.memory_space<hbm>>
      %dma_start3A_274 = arith.constant 0 : i32
      %dma_start3A_275 = arith.constant 0 : i32
      %dma_start3A_276 = tpu.memref_slice %dma_start3A_273[%dma_start3A_274, %dma_start3A_275] : memref<50176x16xi32, #tpu.memory_space<hbm>> -> memref<50176x16xi32, #tpu.memory_space<hbm>>
      %dma_start3A_277 = tpu.memref_slice %arg10[%dma_start3A_262] : memref<6x!tpu.dma_semaphore, #tpu.memory_space<semaphore_mem>> -> memref<1x!tpu.dma_semaphore, #tpu.memory_space<semaphore_mem>>
      %dma_start3A_278 = tpu.memref_squeeze %dma_start3A_277 : memref<1x!tpu.dma_semaphore, #tpu.memory_space<semaphore_mem>> -> memref<!tpu.dma_semaphore, #tpu.memory_space<semaphore_mem>>
      tpu.enqueue_indirect_dma source(%dma_start3A_276 : memref<50176x16xi32, #tpu.memory_space<hbm>>) target(%dma_start3A_266 : memref<128x16xi32, #tpu.memory_space<vmem>>) offsets(%dma_start3A_269 : memref<128xi32, #tpu.memory_space<vmem>>) semaphore(%dma_start3A_278 : memref<!tpu.dma_semaphore, #tpu.memory_space<semaphore_mem>>)
      %dma_wait3A_279 = arith.constant 3 : i32
      %dma_wait3A_280 = arith.constant 3 : i32
      %dma_wait3A_281 = arith.constant 3 : i32
      %dma_wait3A_282 = arith.constant 0 : i32
      %dma_wait3A_283 = arith.constant 0 : i32
      %dma_wait3A_284 = tpu.memref_slice %arg8[%dma_wait3A_280, %dma_wait3A_282, %dma_wait3A_283] : memref<6x128x16xi32, #tpu.memory_space<vmem>> -> memref<1x128x16xi32, #tpu.memory_space<vmem>>
      %dma_wait3A_285 = tpu.memref_squeeze %dma_wait3A_284 : memref<1x128x16xi32, #tpu.memory_space<vmem>> -> memref<128x16xi32, #tpu.memory_space<vmem>>
      %dma_wait3A_286 = arith.constant 0 : i32
      %dma_wait3A_287 = tpu.memref_slice %arg6[%dma_wait3A_279, %dma_wait3A_286] : memref<10x128xi32, #tpu.memory_space<vmem>> -> memref<1x128xi32, #tpu.memory_space<vmem>>
      %dma_wait3A_288 = tpu.memref_squeeze %dma_wait3A_287 : memref<1x128xi32, #tpu.memory_space<vmem>> -> memref<128xi32, #tpu.memory_space<vmem>>
      %dma_wait3A_289 = arith.constant 0 : i32
      %dma_wait3A_290 = arith.constant 0 : i32
      %dma_wait3A_291 = tpu.memref_slice %arg2[%arg0, %dma_wait3A_289, %dma_wait3A_290] : memref<2x50176x16xi32, #tpu.memory_space<hbm>> -> memref<1x50176x16xi32, #tpu.memory_space<hbm>>
      %dma_wait3A_292 = tpu.memref_squeeze %dma_wait3A_291 : memref<1x50176x16xi32, #tpu.memory_space<hbm>> -> memref<50176x16xi32, #tpu.memory_space<hbm>>
      %dma_wait3A_293 = arith.constant 0 : i32
      %dma_wait3A_294 = arith.constant 0 : i32
      %dma_wait3A_295 = tpu.memref_slice %dma_wait3A_292[%dma_wait3A_293, %dma_wait3A_294] : memref<50176x16xi32, #tpu.memory_space<hbm>> -> memref<50176x16xi32, #tpu.memory_space<hbm>>
      %dma_wait3A_296 = tpu.memref_slice %arg10[%dma_wait3A_281] : memref<6x!tpu.dma_semaphore, #tpu.memory_space<semaphore_mem>> -> memref<1x!tpu.dma_semaphore, #tpu.memory_space<semaphore_mem>>
      %dma_wait3A_297 = tpu.memref_squeeze %dma_wait3A_296 : memref<1x!tpu.dma_semaphore, #tpu.memory_space<semaphore_mem>> -> memref<!tpu.dma_semaphore, #tpu.memory_space<semaphore_mem>>
      tpu.wait_indirect_dma semaphore(%dma_wait3A_297 : memref<!tpu.dma_semaphore, #tpu.memory_space<semaphore_mem>>) src(%dma_wait3A_295 : memref<50176x16xi32, #tpu.memory_space<hbm>>) dst(%dma_wait3A_285 : memref<128x16xi32, #tpu.memory_space<vmem>>)
      %dma_wait3A_298 = arith.constant 0 : i32
      %dma_wait3A_299 = arith.constant 0 : i32
      %dma_wait3A_300 = arith.constant 0 : i32
      %dma_wait3A_301 = arith.constant 0 : i32
      %dma_wait3A_302 = arith.constant 0 : i32
      %dma_wait3A_303 = tpu.memref_slice %arg9[%dma_wait3A_298, %dma_wait3A_301, %dma_wait3A_302] : memref<3x128x32xf32, #tpu.memory_space<vmem>> -> memref<1x128x32xf32, #tpu.memory_space<vmem>>
      %dma_wait3A_304 = tpu.memref_squeeze %dma_wait3A_303 : memref<1x128x32xf32, #tpu.memory_space<vmem>> -> memref<128x32xf32, #tpu.memory_space<vmem>>
      %dma_wait3A_305 = arith.constant 0 : i32
      %dma_wait3A_306 = tpu.memref_slice %arg7[%dma_wait3A_299, %dma_wait3A_305] : memref<10x128xi32, #tpu.memory_space<vmem>> -> memref<1x128xi32, #tpu.memory_space<vmem>>
      %dma_wait3A_307 = tpu.memref_squeeze %dma_wait3A_306 : memref<1x128xi32, #tpu.memory_space<vmem>> -> memref<128xi32, #tpu.memory_space<vmem>>
      %dma_wait3A_308 = arith.constant 0 : i32
      %dma_wait3A_309 = arith.constant 0 : i32
      %dma_wait3A_310 = tpu.memref_slice %arg5[%dma_wait3A_308, %dma_wait3A_309] : memref<51200x32xf32, #tpu.memory_space<vmem_shared>> -> memref<51200x32xf32, #tpu.memory_space<vmem_shared>>
      %dma_wait3A_311 = tpu.memref_slice %arg11[%dma_wait3A_300] : memref<3x!tpu.dma_semaphore, #tpu.memory_space<semaphore_mem>> -> memref<1x!tpu.dma_semaphore, #tpu.memory_space<semaphore_mem>>
      %dma_wait3A_312 = tpu.memref_squeeze %dma_wait3A_311 : memref<1x!tpu.dma_semaphore, #tpu.memory_space<semaphore_mem>> -> memref<!tpu.dma_semaphore, #tpu.memory_space<semaphore_mem>>
      tpu.wait_indirect_dma semaphore(%dma_wait3A_312 : memref<!tpu.dma_semaphore, #tpu.memory_space<semaphore_mem>>) src(%dma_wait3A_304 : memref<128x32xf32, #tpu.memory_space<vmem>>) dst(%dma_wait3A_310 : memref<51200x32xf32, #tpu.memory_space<vmem_shared>>)
      %scan3A_313 = arith.constant 0 : i32
      %scan3A_314 = arith.constant 128 : i32
      %scan3A_315 = arith.addi %scan3A_313, %scan3A_314 : i32
      %scan3A_316 = arith.constant 1 : i32
      scf.for %scan3A_759 = %scan3A_313 to %scan3A_315 step %scan3A_316  : i32 {
        %mul3A_760 = arith.constant 1 : i32
        %mul3A_761 = arith.muli %scan3A_759, %mul3A_760 : i32
        %add3A_762 = arith.constant 0 : i32
        %add3A_763 = arith.addi %add3A_762, %mul3A_761 : i32
        %get3A = arith.constant 3 : i32
        %get3A_764 = arith.index_cast %get3A : i32 to index
        %get3A_765 = arith.index_cast %add3A_763 : i32 to index
        %get3A_766 = arith.constant 0 : index
        %get3A_767 = tpu.vector_load %arg8[%get3A_764, %get3A_765, %get3A_766] {strides = array<i32>} : memref<6x128x16xi32, #tpu.memory_space<vmem>>, vector<16xi32>,
        %shift_left3A = arith.constant 16 : i32
        %shift_left3A_768 = vector.broadcast %shift_left3A : i32 to vector<16xi32>
        %shift_left3A_769 = arith.shli %get3A_767, %shift_left3A_768 : vector<16xi32>
        %bitcast3A = vector.bitcast %shift_left3A_769 : vector<16xi32> to vector<16xf32>
        %swap3A = arith.constant 0 : i32
        %swap3A_770 = arith.index_cast %swap3A : i32 to index
        %swap3A_771 = arith.index_cast %add3A_763 : i32 to index
        %swap3A_772 = arith.constant 0 : index
        %swap3A_773 = tpu.vector_load %arg9[%swap3A_770, %swap3A_771, %swap3A_772] {strides = array<i32>} : memref<3x128x32xf32, #tpu.memory_space<vmem>>, vector<16xf32>,
        tpu.vector_store %arg9[%swap3A_770, %swap3A_771, %swap3A_772], %bitcast3A {strides = array<i32>} : memref<3x128x32xf32, #tpu.memory_space<vmem>>, vector<16xf32>,
        %and3A = arith.constant -65536 : i32
        %and3A_774 = vector.broadcast %and3A : i32 to vector<16xi32>
        %and3A_775 = arith.andi %get3A_767, %and3A_774 : vector<16xi32>
        %bitcast3A_776 = vector.bitcast %and3A_775 : vector<16xi32> to vector<16xf32>
        %swap3A_777 = arith.constant 0 : i32
        %swap3A_778 = arith.index_cast %swap3A_777 : i32 to index
        %swap3A_779 = arith.index_cast %add3A_763 : i32 to index
        %swap3A_780 = arith.constant 16 : index
        %swap3A_781 = tpu.vector_load %arg9[%swap3A_778, %swap3A_779, %swap3A_780] {strides = array<i32>} : memref<3x128x32xf32, #tpu.memory_space<vmem>>, vector<16xf32>,
        tpu.vector_store %arg9[%swap3A_778, %swap3A_779, %swap3A_780], %bitcast3A_776 {strides = array<i32>} : memref<3x128x32xf32, #tpu.memory_space<vmem>>, vector<16xf32>,
      }
      %scan3A_317 = arith.constant 128 : i32
      %dma_start3A_318 = arith.constant 0 : i32
      %dma_start3A_319 = arith.constant 3 : i32
      %dma_start3A_320 = arith.constant 0 : i32
      %dma_start3A_321 = arith.constant 0 : i32
      %dma_start3A_322 = arith.constant 0 : i32
      %dma_start3A_323 = tpu.memref_slice %arg9[%dma_start3A_318, %dma_start3A_321, %dma_start3A_322] : memref<3x128x32xf32, #tpu.memory_space<vmem>> -> memref<1x128x32xf32, #tpu.memory_space<vmem>>
      %dma_start3A_324 = tpu.memref_squeeze %dma_start3A_323 : memref<1x128x32xf32, #tpu.memory_space<vmem>> -> memref<128x32xf32, #tpu.memory_space<vmem>>
      %dma_start3A_325 = arith.constant 0 : i32
      %dma_start3A_326 = tpu.memref_slice %arg7[%dma_start3A_319, %dma_start3A_325] : memref<10x128xi32, #tpu.memory_space<vmem>> -> memref<1x128xi32, #tpu.memory_space<vmem>>
      %dma_start3A_327 = tpu.memref_squeeze %dma_start3A_326 : memref<1x128xi32, #tpu.memory_space<vmem>> -> memref<128xi32, #tpu.memory_space<vmem>>
      %dma_start3A_328 = arith.constant 0 : i32
      %dma_start3A_329 = arith.constant 0 : i32
      %dma_start3A_330 = tpu.memref_slice %arg5[%dma_start3A_328, %dma_start3A_329] : memref<51200x32xf32, #tpu.memory_space<vmem_shared>> -> memref<51200x32xf32, #tpu.memory_space<vmem_shared>>
      %dma_start3A_331 = tpu.memref_slice %arg11[%dma_start3A_320] : memref<3x!tpu.dma_semaphore, #tpu.memory_space<semaphore_mem>> -> memref<1x!tpu.dma_semaphore, #tpu.memory_space<semaphore_mem>>
      %dma_start3A_332 = tpu.memref_squeeze %dma_start3A_331 : memref<1x!tpu.dma_semaphore, #tpu.memory_space<semaphore_mem>> -> memref<!tpu.dma_semaphore, #tpu.memory_space<semaphore_mem>>
      tpu.enqueue_indirect_dma source(%dma_start3A_324 : memref<128x32xf32, #tpu.memory_space<vmem>>) target(%dma_start3A_330 : memref<51200x32xf32, #tpu.memory_space<vmem_shared>>) offsets(%dma_start3A_327 : memref<128xi32, #tpu.memory_space<vmem>>) semaphore(%dma_start3A_332 : memref<!tpu.dma_semaphore, #tpu.memory_space<semaphore_mem>>) {add = true}
      %dma_start3A_333 = arith.constant 7 : i32
      %dma_start3A_334 = arith.constant 1 : i32
      %dma_start3A_335 = arith.constant 1 : i32
      %dma_start3A_336 = arith.constant 0 : i32
      %dma_start3A_337 = arith.constant 0 : i32
      %dma_start3A_338 = tpu.memref_slice %arg8[%dma_start3A_334, %dma_start3A_336, %dma_start3A_337] : memref<6x128x16xi32, #tpu.memory_space<vmem>> -> memref<1x128x16xi32, #tpu.memory_space<vmem>>
      %dma_start3A_339 = tpu.memref_squeeze %dma_start3A_338 : memref<1x128x16xi32, #tpu.memory_space<vmem>> -> memref<128x16xi32, #tpu.memory_space<vmem>>
      %dma_start3A_340 = arith.constant 0 : i32
      %dma_start3A_341 = tpu.memref_slice %arg6[%dma_start3A_333, %dma_start3A_340] : memref<10x128xi32, #tpu.memory_space<vmem>> -> memref<1x128xi32, #tpu.memory_space<vmem>>
      %dma_start3A_342 = tpu.memref_squeeze %dma_start3A_341 : memref<1x128xi32, #tpu.memory_space<vmem>> -> memref<128xi32, #tpu.memory_space<vmem>>
      %dma_start3A_343 = arith.constant 0 : i32
      %dma_start3A_344 = arith.constant 0 : i32
      %dma_start3A_345 = tpu.memref_slice %arg2[%arg0, %dma_start3A_343, %dma_start3A_344] : memref<2x50176x16xi32, #tpu.memory_space<hbm>> -> memref<1x50176x16xi32, #tpu.memory_space<hbm>>
      %dma_start3A_346 = tpu.memref_squeeze %dma_start3A_345 : memref<1x50176x16xi32, #tpu.memory_space<hbm>> -> memref<50176x16xi32, #tpu.memory_space<hbm>>
      %dma_start3A_347 = arith.constant 0 : i32
      %dma_start3A_348 = arith.constant 0 : i32
      %dma_start3A_349 = tpu.memref_slice %dma_start3A_346[%dma_start3A_347, %dma_start3A_348] : memref<50176x16xi32, #tpu.memory_space<hbm>> -> memref<50176x16xi32, #tpu.memory_space<hbm>>
      %dma_start3A_350 = tpu.memref_slice %arg10[%dma_start3A_335] : memref<6x!tpu.dma_semaphore, #tpu.memory_space<semaphore_mem>> -> memref<1x!tpu.dma_semaphore, #tpu.memory_space<semaphore_mem>>
      %dma_start3A_351 = tpu.memref_squeeze %dma_start3A_350 : memref<1x!tpu.dma_semaphore, #tpu.memory_space<semaphore_mem>> -> memref<!tpu.dma_semaphore, #tpu.memory_space<semaphore_mem>>
      tpu.enqueue_indirect_dma source(%dma_start3A_349 : memref<50176x16xi32, #tpu.memory_space<hbm>>) target(%dma_start3A_339 : memref<128x16xi32, #tpu.memory_space<vmem>>) offsets(%dma_start3A_342 : memref<128xi32, #tpu.memory_space<vmem>>) semaphore(%dma_start3A_351 : memref<!tpu.dma_semaphore, #tpu.memory_space<semaphore_mem>>)
      %dma_wait3A_352 = arith.constant 4 : i32
      %dma_wait3A_353 = arith.constant 4 : i32
      %dma_wait3A_354 = arith.constant 4 : i32
      %dma_wait3A_355 = arith.constant 0 : i32
      %dma_wait3A_356 = arith.constant 0 : i32
      %dma_wait3A_357 = tpu.memref_slice %arg8[%dma_wait3A_353, %dma_wait3A_355, %dma_wait3A_356] : memref<6x128x16xi32, #tpu.memory_space<vmem>> -> memref<1x128x16xi32, #tpu.memory_space<vmem>>
      %dma_wait3A_358 = tpu.memref_squeeze %dma_wait3A_357 : memref<1x128x16xi32, #tpu.memory_space<vmem>> -> memref<128x16xi32, #tpu.memory_space<vmem>>
      %dma_wait3A_359 = arith.constant 0 : i32
      %dma_wait3A_360 = tpu.memref_slice %arg6[%dma_wait3A_352, %dma_wait3A_359] : memref<10x128xi32, #tpu.memory_space<vmem>> -> memref<1x128xi32, #tpu.memory_space<vmem>>
      %dma_wait3A_361 = tpu.memref_squeeze %dma_wait3A_360 : memref<1x128xi32, #tpu.memory_space<vmem>> -> memref<128xi32, #tpu.memory_space<vmem>>
      %dma_wait3A_362 = arith.constant 0 : i32
      %dma_wait3A_363 = arith.constant 0 : i32
      %dma_wait3A_364 = tpu.memref_slice %arg2[%arg0, %dma_wait3A_362, %dma_wait3A_363] : memref<2x50176x16xi32, #tpu.memory_space<hbm>> -> memref<1x50176x16xi32, #tpu.memory_space<hbm>>
      %dma_wait3A_365 = tpu.memref_squeeze %dma_wait3A_364 : memref<1x50176x16xi32, #tpu.memory_space<hbm>> -> memref<50176x16xi32, #tpu.memory_space<hbm>>
      %dma_wait3A_366 = arith.constant 0 : i32
      %dma_wait3A_367 = arith.constant 0 : i32
      %dma_wait3A_368 = tpu.memref_slice %dma_wait3A_365[%dma_wait3A_366, %dma_wait3A_367] : memref<50176x16xi32, #tpu.memory_space<hbm>> -> memref<50176x16xi32, #tpu.memory_space<hbm>>
      %dma_wait3A_369 = tpu.memref_slice %arg10[%dma_wait3A_354] : memref<6x!tpu.dma_semaphore, #tpu.memory_space<semaphore_mem>> -> memref<1x!tpu.dma_semaphore, #tpu.memory_space<semaphore_mem>>
      %dma_wait3A_370 = tpu.memref_squeeze %dma_wait3A_369 : memref<1x!tpu.dma_semaphore, #tpu.memory_space<semaphore_mem>> -> memref<!tpu.dma_semaphore, #tpu.memory_space<semaphore_mem>>
      tpu.wait_indirect_dma semaphore(%dma_wait3A_370 : memref<!tpu.dma_semaphore, #tpu.memory_space<semaphore_mem>>) src(%dma_wait3A_368 : memref<50176x16xi32, #tpu.memory_space<hbm>>) dst(%dma_wait3A_358 : memref<128x16xi32, #tpu.memory_space<vmem>>)
      %dma_wait3A_371 = arith.constant 1 : i32
      %dma_wait3A_372 = arith.constant 1 : i32
      %dma_wait3A_373 = arith.constant 1 : i32
      %dma_wait3A_374 = arith.constant 0 : i32
      %dma_wait3A_375 = arith.constant 0 : i32
      %dma_wait3A_376 = tpu.memref_slice %arg9[%dma_wait3A_371, %dma_wait3A_374, %dma_wait3A_375] : memref<3x128x32xf32, #tpu.memory_space<vmem>> -> memref<1x128x32xf32, #tpu.memory_space<vmem>>
      %dma_wait3A_377 = tpu.memref_squeeze %dma_wait3A_376 : memref<1x128x32xf32, #tpu.memory_space<vmem>> -> memref<128x32xf32, #tpu.memory_space<vmem>>
      %dma_wait3A_378 = arith.constant 0 : i32
      %dma_wait3A_379 = tpu.memref_slice %arg7[%dma_wait3A_372, %dma_wait3A_378] : memref<10x128xi32, #tpu.memory_space<vmem>> -> memref<1x128xi32, #tpu.memory_space<vmem>>
      %dma_wait3A_380 = tpu.memref_squeeze %dma_wait3A_379 : memref<1x128xi32, #tpu.memory_space<vmem>> -> memref<128xi32, #tpu.memory_space<vmem>>
      %dma_wait3A_381 = arith.constant 0 : i32
      %dma_wait3A_382 = arith.constant 0 : i32
      %dma_wait3A_383 = tpu.memref_slice %arg5[%dma_wait3A_381, %dma_wait3A_382] : memref<51200x32xf32, #tpu.memory_space<vmem_shared>> -> memref<51200x32xf32, #tpu.memory_space<vmem_shared>>
      %dma_wait3A_384 = tpu.memref_slice %arg11[%dma_wait3A_373] : memref<3x!tpu.dma_semaphore, #tpu.memory_space<semaphore_mem>> -> memref<1x!tpu.dma_semaphore, #tpu.memory_space<semaphore_mem>>
      %dma_wait3A_385 = tpu.memref_squeeze %dma_wait3A_384 : memref<1x!tpu.dma_semaphore, #tpu.memory_space<semaphore_mem>> -> memref<!tpu.dma_semaphore, #tpu.memory_space<semaphore_mem>>
      tpu.wait_indirect_dma semaphore(%dma_wait3A_385 : memref<!tpu.dma_semaphore, #tpu.memory_space<semaphore_mem>>) src(%dma_wait3A_377 : memref<128x32xf32, #tpu.memory_space<vmem>>) dst(%dma_wait3A_383 : memref<51200x32xf32, #tpu.memory_space<vmem_shared>>)
      %scan3A_386 = arith.constant 0 : i32
      %scan3A_387 = arith.constant 128 : i32
      %scan3A_388 = arith.addi %scan3A_386, %scan3A_387 : i32
      %scan3A_389 = arith.constant 1 : i32
      scf.for %scan3A_759 = %scan3A_386 to %scan3A_388 step %scan3A_389  : i32 {
        %mul3A_760 = arith.constant 1 : i32
        %mul3A_761 = arith.muli %scan3A_759, %mul3A_760 : i32
        %add3A_762 = arith.constant 0 : i32
        %add3A_763 = arith.addi %add3A_762, %mul3A_761 : i32
        %get3A = arith.constant 4 : i32
        %get3A_764 = arith.index_cast %get3A : i32 to index
        %get3A_765 = arith.index_cast %add3A_763 : i32 to index
        %get3A_766 = arith.constant 0 : index
        %get3A_767 = tpu.vector_load %arg8[%get3A_764, %get3A_765, %get3A_766] {strides = array<i32>} : memref<6x128x16xi32, #tpu.memory_space<vmem>>, vector<16xi32>,
        %shift_left3A = arith.constant 16 : i32
        %shift_left3A_768 = vector.broadcast %shift_left3A : i32 to vector<16xi32>
        %shift_left3A_769 = arith.shli %get3A_767, %shift_left3A_768 : vector<16xi32>
        %bitcast3A = vector.bitcast %shift_left3A_769 : vector<16xi32> to vector<16xf32>
        %swap3A = arith.constant 1 : i32
        %swap3A_770 = arith.index_cast %swap3A : i32 to index
        %swap3A_771 = arith.index_cast %add3A_763 : i32 to index
        %swap3A_772 = arith.constant 0 : index
        %swap3A_773 = tpu.vector_load %arg9[%swap3A_770, %swap3A_771, %swap3A_772] {strides = array<i32>} : memref<3x128x32xf32, #tpu.memory_space<vmem>>, vector<16xf32>,
        tpu.vector_store %arg9[%swap3A_770, %swap3A_771, %swap3A_772], %bitcast3A {strides = array<i32>} : memref<3x128x32xf32, #tpu.memory_space<vmem>>, vector<16xf32>,
        %and3A = arith.constant -65536 : i32
        %and3A_774 = vector.broadcast %and3A : i32 to vector<16xi32>
        %and3A_775 = arith.andi %get3A_767, %and3A_774 : vector<16xi32>
        %bitcast3A_776 = vector.bitcast %and3A_775 : vector<16xi32> to vector<16xf32>
        %swap3A_777 = arith.constant 1 : i32
        %swap3A_778 = arith.index_cast %swap3A_777 : i32 to index
        %swap3A_779 = arith.index_cast %add3A_763 : i32 to index
        %swap3A_780 = arith.constant 16 : index
        %swap3A_781 = tpu.vector_load %arg9[%swap3A_778, %swap3A_779, %swap3A_780] {strides = array<i32>} : memref<3x128x32xf32, #tpu.memory_space<vmem>>, vector<16xf32>,
        tpu.vector_store %arg9[%swap3A_778, %swap3A_779, %swap3A_780], %bitcast3A_776 {strides = array<i32>} : memref<3x128x32xf32, #tpu.memory_space<vmem>>, vector<16xf32>,
      }
      %scan3A_390 = arith.constant 128 : i32
      %dma_start3A_391 = arith.constant 1 : i32
      %dma_start3A_392 = arith.constant 4 : i32
      %dma_start3A_393 = arith.constant 1 : i32
      %dma_start3A_394 = arith.constant 0 : i32
      %dma_start3A_395 = arith.constant 0 : i32
      %dma_start3A_396 = tpu.memref_slice %arg9[%dma_start3A_391, %dma_start3A_394, %dma_start3A_395] : memref<3x128x32xf32, #tpu.memory_space<vmem>> -> memref<1x128x32xf32, #tpu.memory_space<vmem>>
      %dma_start3A_397 = tpu.memref_squeeze %dma_start3A_396 : memref<1x128x32xf32, #tpu.memory_space<vmem>> -> memref<128x32xf32, #tpu.memory_space<vmem>>
      %dma_start3A_398 = arith.constant 0 : i32
      %dma_start3A_399 = tpu.memref_slice %arg7[%dma_start3A_392, %dma_start3A_398] : memref<10x128xi32, #tpu.memory_space<vmem>> -> memref<1x128xi32, #tpu.memory_space<vmem>>
      %dma_start3A_400 = tpu.memref_squeeze %dma_start3A_399 : memref<1x128xi32, #tpu.memory_space<vmem>> -> memref<128xi32, #tpu.memory_space<vmem>>
      %dma_start3A_401 = arith.constant 0 : i32
      %dma_start3A_402 = arith.constant 0 : i32
      %dma_start3A_403 = tpu.memref_slice %arg5[%dma_start3A_401, %dma_start3A_402] : memref<51200x32xf32, #tpu.memory_space<vmem_shared>> -> memref<51200x32xf32, #tpu.memory_space<vmem_shared>>
      %dma_start3A_404 = tpu.memref_slice %arg11[%dma_start3A_393] : memref<3x!tpu.dma_semaphore, #tpu.memory_space<semaphore_mem>> -> memref<1x!tpu.dma_semaphore, #tpu.memory_space<semaphore_mem>>
      %dma_start3A_405 = tpu.memref_squeeze %dma_start3A_404 : memref<1x!tpu.dma_semaphore, #tpu.memory_space<semaphore_mem>> -> memref<!tpu.dma_semaphore, #tpu.memory_space<semaphore_mem>>
      tpu.enqueue_indirect_dma source(%dma_start3A_397 : memref<128x32xf32, #tpu.memory_space<vmem>>) target(%dma_start3A_403 : memref<51200x32xf32, #tpu.memory_space<vmem_shared>>) offsets(%dma_start3A_400 : memref<128xi32, #tpu.memory_space<vmem>>) semaphore(%dma_start3A_405 : memref<!tpu.dma_semaphore, #tpu.memory_space<semaphore_mem>>) {add = true}
      %dma_start3A_406 = arith.constant 8 : i32
      %dma_start3A_407 = arith.constant 2 : i32
      %dma_start3A_408 = arith.constant 2 : i32
      %dma_start3A_409 = arith.constant 0 : i32
      %dma_start3A_410 = arith.constant 0 : i32
      %dma_start3A_411 = tpu.memref_slice %arg8[%dma_start3A_407, %dma_start3A_409, %dma_start3A_410] : memref<6x128x16xi32, #tpu.memory_space<vmem>> -> memref<1x128x16xi32, #tpu.memory_space<vmem>>
      %dma_start3A_412 = tpu.memref_squeeze %dma_start3A_411 : memref<1x128x16xi32, #tpu.memory_space<vmem>> -> memref<128x16xi32, #tpu.memory_space<vmem>>
      %dma_start3A_413 = arith.constant 0 : i32
      %dma_start3A_414 = tpu.memref_slice %arg6[%dma_start3A_406, %dma_start3A_413] : memref<10x128xi32, #tpu.memory_space<vmem>> -> memref<1x128xi32, #tpu.memory_space<vmem>>
      %dma_start3A_415 = tpu.memref_squeeze %dma_start3A_414 : memref<1x128xi32, #tpu.memory_space<vmem>> -> memref<128xi32, #tpu.memory_space<vmem>>
      %dma_start3A_416 = arith.constant 0 : i32
      %dma_start3A_417 = arith.constant 0 : i32
      %dma_start3A_418 = tpu.memref_slice %arg2[%arg0, %dma_start3A_416, %dma_start3A_417] : memref<2x50176x16xi32, #tpu.memory_space<hbm>> -> memref<1x50176x16xi32, #tpu.memory_space<hbm>>
      %dma_start3A_419 = tpu.memref_squeeze %dma_start3A_418 : memref<1x50176x16xi32, #tpu.memory_space<hbm>> -> memref<50176x16xi32, #tpu.memory_space<hbm>>
      %dma_start3A_420 = arith.constant 0 : i32
      %dma_start3A_421 = arith.constant 0 : i32
      %dma_start3A_422 = tpu.memref_slice %dma_start3A_419[%dma_start3A_420, %dma_start3A_421] : memref<50176x16xi32, #tpu.memory_space<hbm>> -> memref<50176x16xi32, #tpu.memory_space<hbm>>
      %dma_start3A_423 = tpu.memref_slice %arg10[%dma_start3A_408] : memref<6x!tpu.dma_semaphore, #tpu.memory_space<semaphore_mem>> -> memref<1x!tpu.dma_semaphore, #tpu.memory_space<semaphore_mem>>
      %dma_start3A_424 = tpu.memref_squeeze %dma_start3A_423 : memref<1x!tpu.dma_semaphore, #tpu.memory_space<semaphore_mem>> -> memref<!tpu.dma_semaphore, #tpu.memory_space<semaphore_mem>>
      tpu.enqueue_indirect_dma source(%dma_start3A_422 : memref<50176x16xi32, #tpu.memory_space<hbm>>) target(%dma_start3A_412 : memref<128x16xi32, #tpu.memory_space<vmem>>) offsets(%dma_start3A_415 : memref<128xi32, #tpu.memory_space<vmem>>) semaphore(%dma_start3A_424 : memref<!tpu.dma_semaphore, #tpu.memory_space<semaphore_mem>>)
      %dma_wait3A_425 = arith.constant 5 : i32
      %dma_wait3A_426 = arith.constant 5 : i32
      %dma_wait3A_427 = arith.constant 5 : i32
      %dma_wait3A_428 = arith.constant 0 : i32
      %dma_wait3A_429 = arith.constant 0 : i32
      %dma_wait3A_430 = tpu.memref_slice %arg8[%dma_wait3A_426, %dma_wait3A_428, %dma_wait3A_429] : memref<6x128x16xi32, #tpu.memory_space<vmem>> -> memref<1x128x16xi32, #tpu.memory_space<vmem>>
      %dma_wait3A_431 = tpu.memref_squeeze %dma_wait3A_430 : memref<1x128x16xi32, #tpu.memory_space<vmem>> -> memref<128x16xi32, #tpu.memory_space<vmem>>
      %dma_wait3A_432 = arith.constant 0 : i32
      %dma_wait3A_433 = tpu.memref_slice %arg6[%dma_wait3A_425, %dma_wait3A_432] : memref<10x128xi32, #tpu.memory_space<vmem>> -> memref<1x128xi32, #tpu.memory_space<vmem>>
      %dma_wait3A_434 = tpu.memref_squeeze %dma_wait3A_433 : memref<1x128xi32, #tpu.memory_space<vmem>> -> memref<128xi32, #tpu.memory_space<vmem>>
      %dma_wait3A_435 = arith.constant 0 : i32
      %dma_wait3A_436 = arith.constant 0 : i32
      %dma_wait3A_437 = tpu.memref_slice %arg2[%arg0, %dma_wait3A_435, %dma_wait3A_436] : memref<2x50176x16xi32, #tpu.memory_space<hbm>> -> memref<1x50176x16xi32, #tpu.memory_space<hbm>>
      %dma_wait3A_438 = tpu.memref_squeeze %dma_wait3A_437 : memref<1x50176x16xi32, #tpu.memory_space<hbm>> -> memref<50176x16xi32, #tpu.memory_space<hbm>>
      %dma_wait3A_439 = arith.constant 0 : i32
      %dma_wait3A_440 = arith.constant 0 : i32
      %dma_wait3A_441 = tpu.memref_slice %dma_wait3A_438[%dma_wait3A_439, %dma_wait3A_440] : memref<50176x16xi32, #tpu.memory_space<hbm>> -> memref<50176x16xi32, #tpu.memory_space<hbm>>
      %dma_wait3A_442 = tpu.memref_slice %arg10[%dma_wait3A_427] : memref<6x!tpu.dma_semaphore, #tpu.memory_space<semaphore_mem>> -> memref<1x!tpu.dma_semaphore, #tpu.memory_space<semaphore_mem>>
      %dma_wait3A_443 = tpu.memref_squeeze %dma_wait3A_442 : memref<1x!tpu.dma_semaphore, #tpu.memory_space<semaphore_mem>> -> memref<!tpu.dma_semaphore, #tpu.memory_space<semaphore_mem>>
      tpu.wait_indirect_dma semaphore(%dma_wait3A_443 : memref<!tpu.dma_semaphore, #tpu.memory_space<semaphore_mem>>) src(%dma_wait3A_441 : memref<50176x16xi32, #tpu.memory_space<hbm>>) dst(%dma_wait3A_431 : memref<128x16xi32, #tpu.memory_space<vmem>>)
      %dma_wait3A_444 = arith.constant 2 : i32
      %dma_wait3A_445 = arith.constant 2 : i32
      %dma_wait3A_446 = arith.constant 2 : i32
      %dma_wait3A_447 = arith.constant 0 : i32
      %dma_wait3A_448 = arith.constant 0 : i32
      %dma_wait3A_449 = tpu.memref_slice %arg9[%dma_wait3A_444, %dma_wait3A_447, %dma_wait3A_448] : memref<3x128x32xf32, #tpu.memory_space<vmem>> -> memref<1x128x32xf32, #tpu.memory_space<vmem>>
      %dma_wait3A_450 = tpu.memref_squeeze %dma_wait3A_449 : memref<1x128x32xf32, #tpu.memory_space<vmem>> -> memref<128x32xf32, #tpu.memory_space<vmem>>
      %dma_wait3A_451 = arith.constant 0 : i32
      %dma_wait3A_452 = tpu.memref_slice %arg7[%dma_wait3A_445, %dma_wait3A_451] : memref<10x128xi32, #tpu.memory_space<vmem>> -> memref<1x128xi32, #tpu.memory_space<vmem>>
      %dma_wait3A_453 = tpu.memref_squeeze %dma_wait3A_452 : memref<1x128xi32, #tpu.memory_space<vmem>> -> memref<128xi32, #tpu.memory_space<vmem>>
      %dma_wait3A_454 = arith.constant 0 : i32
      %dma_wait3A_455 = arith.constant 0 : i32
      %dma_wait3A_456 = tpu.memref_slice %arg5[%dma_wait3A_454, %dma_wait3A_455] : memref<51200x32xf32, #tpu.memory_space<vmem_shared>> -> memref<51200x32xf32, #tpu.memory_space<vmem_shared>>
      %dma_wait3A_457 = tpu.memref_slice %arg11[%dma_wait3A_446] : memref<3x!tpu.dma_semaphore, #tpu.memory_space<semaphore_mem>> -> memref<1x!tpu.dma_semaphore, #tpu.memory_space<semaphore_mem>>
      %dma_wait3A_458 = tpu.memref_squeeze %dma_wait3A_457 : memref<1x!tpu.dma_semaphore, #tpu.memory_space<semaphore_mem>> -> memref<!tpu.dma_semaphore, #tpu.memory_space<semaphore_mem>>
      tpu.wait_indirect_dma semaphore(%dma_wait3A_458 : memref<!tpu.dma_semaphore, #tpu.memory_space<semaphore_mem>>) src(%dma_wait3A_450 : memref<128x32xf32, #tpu.memory_space<vmem>>) dst(%dma_wait3A_456 : memref<51200x32xf32, #tpu.memory_space<vmem_shared>>)
      %scan3A_459 = arith.constant 0 : i32
      %scan3A_460 = arith.constant 128 : i32
      %scan3A_461 = arith.addi %scan3A_459, %scan3A_460 : i32
      %scan3A_462 = arith.constant 1 : i32
      scf.for %scan3A_759 = %scan3A_459 to %scan3A_461 step %scan3A_462  : i32 {
        %mul3A_760 = arith.constant 1 : i32
        %mul3A_761 = arith.muli %scan3A_759, %mul3A_760 : i32
        %add3A_762 = arith.constant 0 : i32
        %add3A_763 = arith.addi %add3A_762, %mul3A_761 : i32
        %get3A = arith.constant 5 : i32
        %get3A_764 = arith.index_cast %get3A : i32 to index
        %get3A_765 = arith.index_cast %add3A_763 : i32 to index
        %get3A_766 = arith.constant 0 : index
        %get3A_767 = tpu.vector_load %arg8[%get3A_764, %get3A_765, %get3A_766] {strides = array<i32>} : memref<6x128x16xi32, #tpu.memory_space<vmem>>, vector<16xi32>,
        %shift_left3A = arith.constant 16 : i32
        %shift_left3A_768 = vector.broadcast %shift_left3A : i32 to vector<16xi32>
        %shift_left3A_769 = arith.shli %get3A_767, %shift_left3A_768 : vector<16xi32>
        %bitcast3A = vector.bitcast %shift_left3A_769 : vector<16xi32> to vector<16xf32>
        %swap3A = arith.constant 2 : i32
        %swap3A_770 = arith.index_cast %swap3A : i32 to index
        %swap3A_771 = arith.index_cast %add3A_763 : i32 to index
        %swap3A_772 = arith.constant 0 : index
        %swap3A_773 = tpu.vector_load %arg9[%swap3A_770, %swap3A_771, %swap3A_772] {strides = array<i32>} : memref<3x128x32xf32, #tpu.memory_space<vmem>>, vector<16xf32>,
        tpu.vector_store %arg9[%swap3A_770, %swap3A_771, %swap3A_772], %bitcast3A {strides = array<i32>} : memref<3x128x32xf32, #tpu.memory_space<vmem>>, vector<16xf32>,
        %and3A = arith.constant -65536 : i32
        %and3A_774 = vector.broadcast %and3A : i32 to vector<16xi32>
        %and3A_775 = arith.andi %get3A_767, %and3A_774 : vector<16xi32>
        %bitcast3A_776 = vector.bitcast %and3A_775 : vector<16xi32> to vector<16xf32>
        %swap3A_777 = arith.constant 2 : i32
        %swap3A_778 = arith.index_cast %swap3A_777 : i32 to index
        %swap3A_779 = arith.index_cast %add3A_763 : i32 to index
        %swap3A_780 = arith.constant 16 : index
        %swap3A_781 = tpu.vector_load %arg9[%swap3A_778, %swap3A_779, %swap3A_780] {strides = array<i32>} : memref<3x128x32xf32, #tpu.memory_space<vmem>>, vector<16xf32>,
        tpu.vector_store %arg9[%swap3A_778, %swap3A_779, %swap3A_780], %bitcast3A_776 {strides = array<i32>} : memref<3x128x32xf32, #tpu.memory_space<vmem>>, vector<16xf32>,
      }
      %scan3A_463 = arith.constant 128 : i32
      %dma_start3A_464 = arith.constant 2 : i32
      %dma_start3A_465 = arith.constant 5 : i32
      %dma_start3A_466 = arith.constant 2 : i32
      %dma_start3A_467 = arith.constant 0 : i32
      %dma_start3A_468 = arith.constant 0 : i32
      %dma_start3A_469 = tpu.memref_slice %arg9[%dma_start3A_464, %dma_start3A_467, %dma_start3A_468] : memref<3x128x32xf32, #tpu.memory_space<vmem>> -> memref<1x128x32xf32, #tpu.memory_space<vmem>>
      %dma_start3A_470 = tpu.memref_squeeze %dma_start3A_469 : memref<1x128x32xf32, #tpu.memory_space<vmem>> -> memref<128x32xf32, #tpu.memory_space<vmem>>
      %dma_start3A_471 = arith.constant 0 : i32
      %dma_start3A_472 = tpu.memref_slice %arg7[%dma_start3A_465, %dma_start3A_471] : memref<10x128xi32, #tpu.memory_space<vmem>> -> memref<1x128xi32, #tpu.memory_space<vmem>>
      %dma_start3A_473 = tpu.memref_squeeze %dma_start3A_472 : memref<1x128xi32, #tpu.memory_space<vmem>> -> memref<128xi32, #tpu.memory_space<vmem>>
      %dma_start3A_474 = arith.constant 0 : i32
      %dma_start3A_475 = arith.constant 0 : i32
      %dma_start3A_476 = tpu.memref_slice %arg5[%dma_start3A_474, %dma_start3A_475] : memref<51200x32xf32, #tpu.memory_space<vmem_shared>> -> memref<51200x32xf32, #tpu.memory_space<vmem_shared>>
      %dma_start3A_477 = tpu.memref_slice %arg11[%dma_start3A_466] : memref<3x!tpu.dma_semaphore, #tpu.memory_space<semaphore_mem>> -> memref<1x!tpu.dma_semaphore, #tpu.memory_space<semaphore_mem>>
      %dma_start3A_478 = tpu.memref_squeeze %dma_start3A_477 : memref<1x!tpu.dma_semaphore, #tpu.memory_space<semaphore_mem>> -> memref<!tpu.dma_semaphore, #tpu.memory_space<semaphore_mem>>
      tpu.enqueue_indirect_dma source(%dma_start3A_470 : memref<128x32xf32, #tpu.memory_space<vmem>>) target(%dma_start3A_476 : memref<51200x32xf32, #tpu.memory_space<vmem_shared>>) offsets(%dma_start3A_473 : memref<128xi32, #tpu.memory_space<vmem>>) semaphore(%dma_start3A_478 : memref<!tpu.dma_semaphore, #tpu.memory_space<semaphore_mem>>) {add = true}
      %dma_start3A_479 = arith.constant 9 : i32
      %dma_start3A_480 = arith.constant 3 : i32
      %dma_start3A_481 = arith.constant 3 : i32
      %dma_start3A_482 = arith.constant 0 : i32
      %dma_start3A_483 = arith.constant 0 : i32
      %dma_start3A_484 = tpu.memref_slice %arg8[%dma_start3A_480, %dma_start3A_482, %dma_start3A_483] : memref<6x128x16xi32, #tpu.memory_space<vmem>> -> memref<1x128x16xi32, #tpu.memory_space<vmem>>
      %dma_start3A_485 = tpu.memref_squeeze %dma_start3A_484 : memref<1x128x16xi32, #tpu.memory_space<vmem>> -> memref<128x16xi32, #tpu.memory_space<vmem>>
      %dma_start3A_486 = arith.constant 0 : i32
      %dma_start3A_487 = tpu.memref_slice %arg6[%dma_start3A_479, %dma_start3A_486] : memref<10x128xi32, #tpu.memory_space<vmem>> -> memref<1x128xi32, #tpu.memory_space<vmem>>
      %dma_start3A_488 = tpu.memref_squeeze %dma_start3A_487 : memref<1x128xi32, #tpu.memory_space<vmem>> -> memref<128xi32, #tpu.memory_space<vmem>>
      %dma_start3A_489 = arith.constant 0 : i32
      %dma_start3A_490 = arith.constant 0 : i32
      %dma_start3A_491 = tpu.memref_slice %arg2[%arg0, %dma_start3A_489, %dma_start3A_490] : memref<2x50176x16xi32, #tpu.memory_space<hbm>> -> memref<1x50176x16xi32, #tpu.memory_space<hbm>>
      %dma_start3A_492 = tpu.memref_squeeze %dma_start3A_491 : memref<1x50176x16xi32, #tpu.memory_space<hbm>> -> memref<50176x16xi32, #tpu.memory_space<hbm>>
      %dma_start3A_493 = arith.constant 0 : i32
      %dma_start3A_494 = arith.constant 0 : i32
      %dma_start3A_495 = tpu.memref_slice %dma_start3A_492[%dma_start3A_493, %dma_start3A_494] : memref<50176x16xi32, #tpu.memory_space<hbm>> -> memref<50176x16xi32, #tpu.memory_space<hbm>>
      %dma_start3A_496 = tpu.memref_slice %arg10[%dma_start3A_481] : memref<6x!tpu.dma_semaphore, #tpu.memory_space<semaphore_mem>> -> memref<1x!tpu.dma_semaphore, #tpu.memory_space<semaphore_mem>>
      %dma_start3A_497 = tpu.memref_squeeze %dma_start3A_496 : memref<1x!tpu.dma_semaphore, #tpu.memory_space<semaphore_mem>> -> memref<!tpu.dma_semaphore, #tpu.memory_space<semaphore_mem>>
      tpu.enqueue_indirect_dma source(%dma_start3A_495 : memref<50176x16xi32, #tpu.memory_space<hbm>>) target(%dma_start3A_485 : memref<128x16xi32, #tpu.memory_space<vmem>>) offsets(%dma_start3A_488 : memref<128xi32, #tpu.memory_space<vmem>>) semaphore(%dma_start3A_497 : memref<!tpu.dma_semaphore, #tpu.memory_space<semaphore_mem>>)
      %dma_wait3A_498 = arith.constant 6 : i32
      %dma_wait3A_499 = arith.constant 0 : i32
      %dma_wait3A_500 = arith.constant 0 : i32
      %dma_wait3A_501 = arith.constant 0 : i32
      %dma_wait3A_502 = arith.constant 0 : i32
      %dma_wait3A_503 = tpu.memref_slice %arg8[%dma_wait3A_499, %dma_wait3A_501, %dma_wait3A_502] : memref<6x128x16xi32, #tpu.memory_space<vmem>> -> memref<1x128x16xi32, #tpu.memory_space<vmem>>
      %dma_wait3A_504 = tpu.memref_squeeze %dma_wait3A_503 : memref<1x128x16xi32, #tpu.memory_space<vmem>> -> memref<128x16xi32, #tpu.memory_space<vmem>>
      %dma_wait3A_505 = arith.constant 0 : i32
      %dma_wait3A_506 = tpu.memref_slice %arg6[%dma_wait3A_498, %dma_wait3A_505] : memref<10x128xi32, #tpu.memory_space<vmem>> -> memref<1x128xi32, #tpu.memory_space<vmem>>
      %dma_wait3A_507 = tpu.memref_squeeze %dma_wait3A_506 : memref<1x128xi32, #tpu.memory_space<vmem>> -> memref<128xi32, #tpu.memory_space<vmem>>
      %dma_wait3A_508 = arith.constant 0 : i32
      %dma_wait3A_509 = arith.constant 0 : i32
      %dma_wait3A_510 = tpu.memref_slice %arg2[%arg0, %dma_wait3A_508, %dma_wait3A_509] : memref<2x50176x16xi32, #tpu.memory_space<hbm>> -> memref<1x50176x16xi32, #tpu.memory_space<hbm>>
      %dma_wait3A_511 = tpu.memref_squeeze %dma_wait3A_510 : memref<1x50176x16xi32, #tpu.memory_space<hbm>> -> memref<50176x16xi32, #tpu.memory_space<hbm>>
      %dma_wait3A_512 = arith.constant 0 : i32
      %dma_wait3A_513 = arith.constant 0 : i32
      %dma_wait3A_514 = tpu.memref_slice %dma_wait3A_511[%dma_wait3A_512, %dma_wait3A_513] : memref<50176x16xi32, #tpu.memory_space<hbm>> -> memref<50176x16xi32, #tpu.memory_space<hbm>>
      %dma_wait3A_515 = tpu.memref_slice %arg10[%dma_wait3A_500] : memref<6x!tpu.dma_semaphore, #tpu.memory_space<semaphore_mem>> -> memref<1x!tpu.dma_semaphore, #tpu.memory_space<semaphore_mem>>
      %dma_wait3A_516 = tpu.memref_squeeze %dma_wait3A_515 : memref<1x!tpu.dma_semaphore, #tpu.memory_space<semaphore_mem>> -> memref<!tpu.dma_semaphore, #tpu.memory_space<semaphore_mem>>
      tpu.wait_indirect_dma semaphore(%dma_wait3A_516 : memref<!tpu.dma_semaphore, #tpu.memory_space<semaphore_mem>>) src(%dma_wait3A_514 : memref<50176x16xi32, #tpu.memory_space<hbm>>) dst(%dma_wait3A_504 : memref<128x16xi32, #tpu.memory_space<vmem>>)
      %dma_wait3A_517 = arith.constant 0 : i32
      %dma_wait3A_518 = arith.constant 3 : i32
      %dma_wait3A_519 = arith.constant 0 : i32
      %dma_wait3A_520 = arith.constant 0 : i32
      %dma_wait3A_521 = arith.constant 0 : i32
      %dma_wait3A_522 = tpu.memref_slice %arg9[%dma_wait3A_517, %dma_wait3A_520, %dma_wait3A_521] : memref<3x128x32xf32, #tpu.memory_space<vmem>> -> memref<1x128x32xf32, #tpu.memory_space<vmem>>
      %dma_wait3A_523 = tpu.memref_squeeze %dma_wait3A_522 : memref<1x128x32xf32, #tpu.memory_space<vmem>> -> memref<128x32xf32, #tpu.memory_space<vmem>>
      %dma_wait3A_524 = arith.constant 0 : i32
      %dma_wait3A_525 = tpu.memref_slice %arg7[%dma_wait3A_518, %dma_wait3A_524] : memref<10x128xi32, #tpu.memory_space<vmem>> -> memref<1x128xi32, #tpu.memory_space<vmem>>
      %dma_wait3A_526 = tpu.memref_squeeze %dma_wait3A_525 : memref<1x128xi32, #tpu.memory_space<vmem>> -> memref<128xi32, #tpu.memory_space<vmem>>
      %dma_wait3A_527 = arith.constant 0 : i32
      %dma_wait3A_528 = arith.constant 0 : i32
      %dma_wait3A_529 = tpu.memref_slice %arg5[%dma_wait3A_527, %dma_wait3A_528] : memref<51200x32xf32, #tpu.memory_space<vmem_shared>> -> memref<51200x32xf32, #tpu.memory_space<vmem_shared>>
      %dma_wait3A_530 = tpu.memref_slice %arg11[%dma_wait3A_519] : memref<3x!tpu.dma_semaphore, #tpu.memory_space<semaphore_mem>> -> memref<1x!tpu.dma_semaphore, #tpu.memory_space<semaphore_mem>>
      %dma_wait3A_531 = tpu.memref_squeeze %dma_wait3A_530 : memref<1x!tpu.dma_semaphore, #tpu.memory_space<semaphore_mem>> -> memref<!tpu.dma_semaphore, #tpu.memory_space<semaphore_mem>>
      tpu.wait_indirect_dma semaphore(%dma_wait3A_531 : memref<!tpu.dma_semaphore, #tpu.memory_space<semaphore_mem>>) src(%dma_wait3A_523 : memref<128x32xf32, #tpu.memory_space<vmem>>) dst(%dma_wait3A_529 : memref<51200x32xf32, #tpu.memory_space<vmem_shared>>)
      %scan3A_532 = arith.constant 0 : i32
      %scan3A_533 = arith.constant 128 : i32
      %scan3A_534 = arith.addi %scan3A_532, %scan3A_533 : i32
      %scan3A_535 = arith.constant 1 : i32
      scf.for %scan3A_759 = %scan3A_532 to %scan3A_534 step %scan3A_535  : i32 {
        %mul3A_760 = arith.constant 1 : i32
        %mul3A_761 = arith.muli %scan3A_759, %mul3A_760 : i32
        %add3A_762 = arith.constant 0 : i32
        %add3A_763 = arith.addi %add3A_762, %mul3A_761 : i32
        %get3A = arith.constant 0 : i32
        %get3A_764 = arith.index_cast %get3A : i32 to index
        %get3A_765 = arith.index_cast %add3A_763 : i32 to index
        %get3A_766 = arith.constant 0 : index
        %get3A_767 = tpu.vector_load %arg8[%get3A_764, %get3A_765, %get3A_766] {strides = array<i32>} : memref<6x128x16xi32, #tpu.memory_space<vmem>>, vector<16xi32>,
        %shift_left3A = arith.constant 16 : i32
        %shift_left3A_768 = vector.broadcast %shift_left3A : i32 to vector<16xi32>
        %shift_left3A_769 = arith.shli %get3A_767, %shift_left3A_768 : vector<16xi32>
        %bitcast3A = vector.bitcast %shift_left3A_769 : vector<16xi32> to vector<16xf32>
        %swap3A = arith.constant 0 : i32
        %swap3A_770 = arith.index_cast %swap3A : i32 to index
        %swap3A_771 = arith.index_cast %add3A_763 : i32 to index
        %swap3A_772 = arith.constant 0 : index
        %swap3A_773 = tpu.vector_load %arg9[%swap3A_770, %swap3A_771, %swap3A_772] {strides = array<i32>} : memref<3x128x32xf32, #tpu.memory_space<vmem>>, vector<16xf32>,
        tpu.vector_store %arg9[%swap3A_770, %swap3A_771, %swap3A_772], %bitcast3A {strides = array<i32>} : memref<3x128x32xf32, #tpu.memory_space<vmem>>, vector<16xf32>,
        %and3A = arith.constant -65536 : i32
        %and3A_774 = vector.broadcast %and3A : i32 to vector<16xi32>
        %and3A_775 = arith.andi %get3A_767, %and3A_774 : vector<16xi32>
        %bitcast3A_776 = vector.bitcast %and3A_775 : vector<16xi32> to vector<16xf32>
        %swap3A_777 = arith.constant 0 : i32
        %swap3A_778 = arith.index_cast %swap3A_777 : i32 to index
        %swap3A_779 = arith.index_cast %add3A_763 : i32 to index
        %swap3A_780 = arith.constant 16 : index
        %swap3A_781 = tpu.vector_load %arg9[%swap3A_778, %swap3A_779, %swap3A_780] {strides = array<i32>} : memref<3x128x32xf32, #tpu.memory_space<vmem>>, vector<16xf32>,
        tpu.vector_store %arg9[%swap3A_778, %swap3A_779, %swap3A_780], %bitcast3A_776 {strides = array<i32>} : memref<3x128x32xf32, #tpu.memory_space<vmem>>, vector<16xf32>,
      }
      %scan3A_536 = arith.constant 128 : i32
      %dma_start3A_537 = arith.constant 0 : i32
      %dma_start3A_538 = arith.constant 6 : i32
      %dma_start3A_539 = arith.constant 0 : i32
      %dma_start3A_540 = arith.constant 0 : i32
      %dma_start3A_541 = arith.constant 0 : i32
      %dma_start3A_542 = tpu.memref_slice %arg9[%dma_start3A_537, %dma_start3A_540, %dma_start3A_541] : memref<3x128x32xf32, #tpu.memory_space<vmem>> -> memref<1x128x32xf32, #tpu.memory_space<vmem>>
      %dma_start3A_543 = tpu.memref_squeeze %dma_start3A_542 : memref<1x128x32xf32, #tpu.memory_space<vmem>> -> memref<128x32xf32, #tpu.memory_space<vmem>>
      %dma_start3A_544 = arith.constant 0 : i32
      %dma_start3A_545 = tpu.memref_slice %arg7[%dma_start3A_538, %dma_start3A_544] : memref<10x128xi32, #tpu.memory_space<vmem>> -> memref<1x128xi32, #tpu.memory_space<vmem>>
      %dma_start3A_546 = tpu.memref_squeeze %dma_start3A_545 : memref<1x128xi32, #tpu.memory_space<vmem>> -> memref<128xi32, #tpu.memory_space<vmem>>
      %dma_start3A_547 = arith.constant 0 : i32
      %dma_start3A_548 = arith.constant 0 : i32
      %dma_start3A_549 = tpu.memref_slice %arg5[%dma_start3A_547, %dma_start3A_548] : memref<51200x32xf32, #tpu.memory_space<vmem_shared>> -> memref<51200x32xf32, #tpu.memory_space<vmem_shared>>
      %dma_start3A_550 = tpu.memref_slice %arg11[%dma_start3A_539] : memref<3x!tpu.dma_semaphore, #tpu.memory_space<semaphore_mem>> -> memref<1x!tpu.dma_semaphore, #tpu.memory_space<semaphore_mem>>
      %dma_start3A_551 = tpu.memref_squeeze %dma_start3A_550 : memref<1x!tpu.dma_semaphore, #tpu.memory_space<semaphore_mem>> -> memref<!tpu.dma_semaphore, #tpu.memory_space<semaphore_mem>>
      tpu.enqueue_indirect_dma source(%dma_start3A_543 : memref<128x32xf32, #tpu.memory_space<vmem>>) target(%dma_start3A_549 : memref<51200x32xf32, #tpu.memory_space<vmem_shared>>) offsets(%dma_start3A_546 : memref<128xi32, #tpu.memory_space<vmem>>) semaphore(%dma_start3A_551 : memref<!tpu.dma_semaphore, #tpu.memory_space<semaphore_mem>>) {add = true}
      %dma_wait3A_552 = arith.constant 7 : i32
      %dma_wait3A_553 = arith.constant 1 : i32
      %dma_wait3A_554 = arith.constant 1 : i32
      %dma_wait3A_555 = arith.constant 0 : i32
      %dma_wait3A_556 = arith.constant 0 : i32
      %dma_wait3A_557 = tpu.memref_slice %arg8[%dma_wait3A_553, %dma_wait3A_555, %dma_wait3A_556] : memref<6x128x16xi32, #tpu.memory_space<vmem>> -> memref<1x128x16xi32, #tpu.memory_space<vmem>>
      %dma_wait3A_558 = tpu.memref_squeeze %dma_wait3A_557 : memref<1x128x16xi32, #tpu.memory_space<vmem>> -> memref<128x16xi32, #tpu.memory_space<vmem>>
      %dma_wait3A_559 = arith.constant 0 : i32
      %dma_wait3A_560 = tpu.memref_slice %arg6[%dma_wait3A_552, %dma_wait3A_559] : memref<10x128xi32, #tpu.memory_space<vmem>> -> memref<1x128xi32, #tpu.memory_space<vmem>>
      %dma_wait3A_561 = tpu.memref_squeeze %dma_wait3A_560 : memref<1x128xi32, #tpu.memory_space<vmem>> -> memref<128xi32, #tpu.memory_space<vmem>>
      %dma_wait3A_562 = arith.constant 0 : i32
      %dma_wait3A_563 = arith.constant 0 : i32
      %dma_wait3A_564 = tpu.memref_slice %arg2[%arg0, %dma_wait3A_562, %dma_wait3A_563] : memref<2x50176x16xi32, #tpu.memory_space<hbm>> -> memref<1x50176x16xi32, #tpu.memory_space<hbm>>
      %dma_wait3A_565 = tpu.memref_squeeze %dma_wait3A_564 : memref<1x50176x16xi32, #tpu.memory_space<hbm>> -> memref<50176x16xi32, #tpu.memory_space<hbm>>
      %dma_wait3A_566 = arith.constant 0 : i32
      %dma_wait3A_567 = arith.constant 0 : i32
      %dma_wait3A_568 = tpu.memref_slice %dma_wait3A_565[%dma_wait3A_566, %dma_wait3A_567] : memref<50176x16xi32, #tpu.memory_space<hbm>> -> memref<50176x16xi32, #tpu.memory_space<hbm>>
      %dma_wait3A_569 = tpu.memref_slice %arg10[%dma_wait3A_554] : memref<6x!tpu.dma_semaphore, #tpu.memory_space<semaphore_mem>> -> memref<1x!tpu.dma_semaphore, #tpu.memory_space<semaphore_mem>>
      %dma_wait3A_570 = tpu.memref_squeeze %dma_wait3A_569 : memref<1x!tpu.dma_semaphore, #tpu.memory_space<semaphore_mem>> -> memref<!tpu.dma_semaphore, #tpu.memory_space<semaphore_mem>>
      tpu.wait_indirect_dma semaphore(%dma_wait3A_570 : memref<!tpu.dma_semaphore, #tpu.memory_space<semaphore_mem>>) src(%dma_wait3A_568 : memref<50176x16xi32, #tpu.memory_space<hbm>>) dst(%dma_wait3A_558 : memref<128x16xi32, #tpu.memory_space<vmem>>)
      %dma_wait3A_571 = arith.constant 1 : i32
      %dma_wait3A_572 = arith.constant 4 : i32
      %dma_wait3A_573 = arith.constant 1 : i32
      %dma_wait3A_574 = arith.constant 0 : i32
      %dma_wait3A_575 = arith.constant 0 : i32
      %dma_wait3A_576 = tpu.memref_slice %arg9[%dma_wait3A_571, %dma_wait3A_574, %dma_wait3A_575] : memref<3x128x32xf32, #tpu.memory_space<vmem>> -> memref<1x128x32xf32, #tpu.memory_space<vmem>>
      %dma_wait3A_577 = tpu.memref_squeeze %dma_wait3A_576 : memref<1x128x32xf32, #tpu.memory_space<vmem>> -> memref<128x32xf32, #tpu.memory_space<vmem>>
      %dma_wait3A_578 = arith.constant 0 : i32
      %dma_wait3A_579 = tpu.memref_slice %arg7[%dma_wait3A_572, %dma_wait3A_578] : memref<10x128xi32, #tpu.memory_space<vmem>> -> memref<1x128xi32, #tpu.memory_space<vmem>>
      %dma_wait3A_580 = tpu.memref_squeeze %dma_wait3A_579 : memref<1x128xi32, #tpu.memory_space<vmem>> -> memref<128xi32, #tpu.memory_space<vmem>>
      %dma_wait3A_581 = arith.constant 0 : i32
      %dma_wait3A_582 = arith.constant 0 : i32
      %dma_wait3A_583 = tpu.memref_slice %arg5[%dma_wait3A_581, %dma_wait3A_582] : memref<51200x32xf32, #tpu.memory_space<vmem_shared>> -> memref<51200x32xf32, #tpu.memory_space<vmem_shared>>
      %dma_wait3A_584 = tpu.memref_slice %arg11[%dma_wait3A_573] : memref<3x!tpu.dma_semaphore, #tpu.memory_space<semaphore_mem>> -> memref<1x!tpu.dma_semaphore, #tpu.memory_space<semaphore_mem>>
      %dma_wait3A_585 = tpu.memref_squeeze %dma_wait3A_584 : memref<1x!tpu.dma_semaphore, #tpu.memory_space<semaphore_mem>> -> memref<!tpu.dma_semaphore, #tpu.memory_space<semaphore_mem>>
      tpu.wait_indirect_dma semaphore(%dma_wait3A_585 : memref<!tpu.dma_semaphore, #tpu.memory_space<semaphore_mem>>) src(%dma_wait3A_577 : memref<128x32xf32, #tpu.memory_space<vmem>>) dst(%dma_wait3A_583 : memref<51200x32xf32, #tpu.memory_space<vmem_shared>>)
      %scan3A_586 = arith.constant 0 : i32
      %scan3A_587 = arith.constant 128 : i32
      %scan3A_588 = arith.addi %scan3A_586, %scan3A_587 : i32
      %scan3A_589 = arith.constant 1 : i32
      scf.for %scan3A_759 = %scan3A_586 to %scan3A_588 step %scan3A_589  : i32 {
        %mul3A_760 = arith.constant 1 : i32
        %mul3A_761 = arith.muli %scan3A_759, %mul3A_760 : i32
        %add3A_762 = arith.constant 0 : i32
        %add3A_763 = arith.addi %add3A_762, %mul3A_761 : i32
        %get3A = arith.constant 1 : i32
        %get3A_764 = arith.index_cast %get3A : i32 to index
        %get3A_765 = arith.index_cast %add3A_763 : i32 to index
        %get3A_766 = arith.constant 0 : index
        %get3A_767 = tpu.vector_load %arg8[%get3A_764, %get3A_765, %get3A_766] {strides = array<i32>} : memref<6x128x16xi32, #tpu.memory_space<vmem>>, vector<16xi32>,
        %shift_left3A = arith.constant 16 : i32
        %shift_left3A_768 = vector.broadcast %shift_left3A : i32 to vector<16xi32>
        %shift_left3A_769 = arith.shli %get3A_767, %shift_left3A_768 : vector<16xi32>
        %bitcast3A = vector.bitcast %shift_left3A_769 : vector<16xi32> to vector<16xf32>
        %swap3A = arith.constant 1 : i32
        %swap3A_770 = arith.index_cast %swap3A : i32 to index
        %swap3A_771 = arith.index_cast %add3A_763 : i32 to index
        %swap3A_772 = arith.constant 0 : index
        %swap3A_773 = tpu.vector_load %arg9[%swap3A_770, %swap3A_771, %swap3A_772] {strides = array<i32>} : memref<3x128x32xf32, #tpu.memory_space<vmem>>, vector<16xf32>,
        tpu.vector_store %arg9[%swap3A_770, %swap3A_771, %swap3A_772], %bitcast3A {strides = array<i32>} : memref<3x128x32xf32, #tpu.memory_space<vmem>>, vector<16xf32>,
        %and3A = arith.constant -65536 : i32
        %and3A_774 = vector.broadcast %and3A : i32 to vector<16xi32>
        %and3A_775 = arith.andi %get3A_767, %and3A_774 : vector<16xi32>
        %bitcast3A_776 = vector.bitcast %and3A_775 : vector<16xi32> to vector<16xf32>
        %swap3A_777 = arith.constant 1 : i32
        %swap3A_778 = arith.index_cast %swap3A_777 : i32 to index
        %swap3A_779 = arith.index_cast %add3A_763 : i32 to index
        %swap3A_780 = arith.constant 16 : index
        %swap3A_781 = tpu.vector_load %arg9[%swap3A_778, %swap3A_779, %swap3A_780] {strides = array<i32>} : memref<3x128x32xf32, #tpu.memory_space<vmem>>, vector<16xf32>,
        tpu.vector_store %arg9[%swap3A_778, %swap3A_779, %swap3A_780], %bitcast3A_776 {strides = array<i32>} : memref<3x128x32xf32, #tpu.memory_space<vmem>>, vector<16xf32>,
      }
      %scan3A_590 = arith.constant 128 : i32
      %dma_start3A_591 = arith.constant 1 : i32
      %dma_start3A_592 = arith.constant 7 : i32
      %dma_start3A_593 = arith.constant 1 : i32
      %dma_start3A_594 = arith.constant 0 : i32
      %dma_start3A_595 = arith.constant 0 : i32
      %dma_start3A_596 = tpu.memref_slice %arg9[%dma_start3A_591, %dma_start3A_594, %dma_start3A_595] : memref<3x128x32xf32, #tpu.memory_space<vmem>> -> memref<1x128x32xf32, #tpu.memory_space<vmem>>
      %dma_start3A_597 = tpu.memref_squeeze %dma_start3A_596 : memref<1x128x32xf32, #tpu.memory_space<vmem>> -> memref<128x32xf32, #tpu.memory_space<vmem>>
      %dma_start3A_598 = arith.constant 0 : i32
      %dma_start3A_599 = tpu.memref_slice %arg7[%dma_start3A_592, %dma_start3A_598] : memref<10x128xi32, #tpu.memory_space<vmem>> -> memref<1x128xi32, #tpu.memory_space<vmem>>
      %dma_start3A_600 = tpu.memref_squeeze %dma_start3A_599 : memref<1x128xi32, #tpu.memory_space<vmem>> -> memref<128xi32, #tpu.memory_space<vmem>>
      %dma_start3A_601 = arith.constant 0 : i32
      %dma_start3A_602 = arith.constant 0 : i32
      %dma_start3A_603 = tpu.memref_slice %arg5[%dma_start3A_601, %dma_start3A_602] : memref<51200x32xf32, #tpu.memory_space<vmem_shared>> -> memref<51200x32xf32, #tpu.memory_space<vmem_shared>>
      %dma_start3A_604 = tpu.memref_slice %arg11[%dma_start3A_593] : memref<3x!tpu.dma_semaphore, #tpu.memory_space<semaphore_mem>> -> memref<1x!tpu.dma_semaphore, #tpu.memory_space<semaphore_mem>>
      %dma_start3A_605 = tpu.memref_squeeze %dma_start3A_604 : memref<1x!tpu.dma_semaphore, #tpu.memory_space<semaphore_mem>> -> memref<!tpu.dma_semaphore, #tpu.memory_space<semaphore_mem>>
      tpu.enqueue_indirect_dma source(%dma_start3A_597 : memref<128x32xf32, #tpu.memory_space<vmem>>) target(%dma_start3A_603 : memref<51200x32xf32, #tpu.memory_space<vmem_shared>>) offsets(%dma_start3A_600 : memref<128xi32, #tpu.memory_space<vmem>>) semaphore(%dma_start3A_605 : memref<!tpu.dma_semaphore, #tpu.memory_space<semaphore_mem>>) {add = true}
      %dma_wait3A_606 = arith.constant 8 : i32
      %dma_wait3A_607 = arith.constant 2 : i32
      %dma_wait3A_608 = arith.constant 2 : i32
      %dma_wait3A_609 = arith.constant 0 : i32
      %dma_wait3A_610 = arith.constant 0 : i32
      %dma_wait3A_611 = tpu.memref_slice %arg8[%dma_wait3A_607, %dma_wait3A_609, %dma_wait3A_610] : memref<6x128x16xi32, #tpu.memory_space<vmem>> -> memref<1x128x16xi32, #tpu.memory_space<vmem>>
      %dma_wait3A_612 = tpu.memref_squeeze %dma_wait3A_611 : memref<1x128x16xi32, #tpu.memory_space<vmem>> -> memref<128x16xi32, #tpu.memory_space<vmem>>
      %dma_wait3A_613 = arith.constant 0 : i32
      %dma_wait3A_614 = tpu.memref_slice %arg6[%dma_wait3A_606, %dma_wait3A_613] : memref<10x128xi32, #tpu.memory_space<vmem>> -> memref<1x128xi32, #tpu.memory_space<vmem>>
      %dma_wait3A_615 = tpu.memref_squeeze %dma_wait3A_614 : memref<1x128xi32, #tpu.memory_space<vmem>> -> memref<128xi32, #tpu.memory_space<vmem>>
      %dma_wait3A_616 = arith.constant 0 : i32
      %dma_wait3A_617 = arith.constant 0 : i32
      %dma_wait3A_618 = tpu.memref_slice %arg2[%arg0, %dma_wait3A_616, %dma_wait3A_617] : memref<2x50176x16xi32, #tpu.memory_space<hbm>> -> memref<1x50176x16xi32, #tpu.memory_space<hbm>>
      %dma_wait3A_619 = tpu.memref_squeeze %dma_wait3A_618 : memref<1x50176x16xi32, #tpu.memory_space<hbm>> -> memref<50176x16xi32, #tpu.memory_space<hbm>>
      %dma_wait3A_620 = arith.constant 0 : i32
      %dma_wait3A_621 = arith.constant 0 : i32
      %dma_wait3A_622 = tpu.memref_slice %dma_wait3A_619[%dma_wait3A_620, %dma_wait3A_621] : memref<50176x16xi32, #tpu.memory_space<hbm>> -> memref<50176x16xi32, #tpu.memory_space<hbm>>
      %dma_wait3A_623 = tpu.memref_slice %arg10[%dma_wait3A_608] : memref<6x!tpu.dma_semaphore, #tpu.memory_space<semaphore_mem>> -> memref<1x!tpu.dma_semaphore, #tpu.memory_space<semaphore_mem>>
      %dma_wait3A_624 = tpu.memref_squeeze %dma_wait3A_623 : memref<1x!tpu.dma_semaphore, #tpu.memory_space<semaphore_mem>> -> memref<!tpu.dma_semaphore, #tpu.memory_space<semaphore_mem>>
      tpu.wait_indirect_dma semaphore(%dma_wait3A_624 : memref<!tpu.dma_semaphore, #tpu.memory_space<semaphore_mem>>) src(%dma_wait3A_622 : memref<50176x16xi32, #tpu.memory_space<hbm>>) dst(%dma_wait3A_612 : memref<128x16xi32, #tpu.memory_space<vmem>>)
      %dma_wait3A_625 = arith.constant 2 : i32
      %dma_wait3A_626 = arith.constant 5 : i32
      %dma_wait3A_627 = arith.constant 2 : i32
      %dma_wait3A_628 = arith.constant 0 : i32
      %dma_wait3A_629 = arith.constant 0 : i32
      %dma_wait3A_630 = tpu.memref_slice %arg9[%dma_wait3A_625, %dma_wait3A_628, %dma_wait3A_629] : memref<3x128x32xf32, #tpu.memory_space<vmem>> -> memref<1x128x32xf32, #tpu.memory_space<vmem>>
      %dma_wait3A_631 = tpu.memref_squeeze %dma_wait3A_630 : memref<1x128x32xf32, #tpu.memory_space<vmem>> -> memref<128x32xf32, #tpu.memory_space<vmem>>
      %dma_wait3A_632 = arith.constant 0 : i32
      %dma_wait3A_633 = tpu.memref_slice %arg7[%dma_wait3A_626, %dma_wait3A_632] : memref<10x128xi32, #tpu.memory_space<vmem>> -> memref<1x128xi32, #tpu.memory_space<vmem>>
      %dma_wait3A_634 = tpu.memref_squeeze %dma_wait3A_633 : memref<1x128xi32, #tpu.memory_space<vmem>> -> memref<128xi32, #tpu.memory_space<vmem>>
      %dma_wait3A_635 = arith.constant 0 : i32
      %dma_wait3A_636 = arith.constant 0 : i32
      %dma_wait3A_637 = tpu.memref_slice %arg5[%dma_wait3A_635, %dma_wait3A_636] : memref<51200x32xf32, #tpu.memory_space<vmem_shared>> -> memref<51200x32xf32, #tpu.memory_space<vmem_shared>>
      %dma_wait3A_638 = tpu.memref_slice %arg11[%dma_wait3A_627] : memref<3x!tpu.dma_semaphore, #tpu.memory_space<semaphore_mem>> -> memref<1x!tpu.dma_semaphore, #tpu.memory_space<semaphore_mem>>
      %dma_wait3A_639 = tpu.memref_squeeze %dma_wait3A_638 : memref<1x!tpu.dma_semaphore, #tpu.memory_space<semaphore_mem>> -> memref<!tpu.dma_semaphore, #tpu.memory_space<semaphore_mem>>
      tpu.wait_indirect_dma semaphore(%dma_wait3A_639 : memref<!tpu.dma_semaphore, #tpu.memory_space<semaphore_mem>>) src(%dma_wait3A_631 : memref<128x32xf32, #tpu.memory_space<vmem>>) dst(%dma_wait3A_637 : memref<51200x32xf32, #tpu.memory_space<vmem_shared>>)
      %scan3A_640 = arith.constant 0 : i32
      %scan3A_641 = arith.constant 128 : i32
      %scan3A_642 = arith.addi %scan3A_640, %scan3A_641 : i32
      %scan3A_643 = arith.constant 1 : i32
      scf.for %scan3A_759 = %scan3A_640 to %scan3A_642 step %scan3A_643  : i32 {
        %mul3A_760 = arith.constant 1 : i32
        %mul3A_761 = arith.muli %scan3A_759, %mul3A_760 : i32
        %add3A_762 = arith.constant 0 : i32
        %add3A_763 = arith.addi %add3A_762, %mul3A_761 : i32
        %get3A = arith.constant 2 : i32
        %get3A_764 = arith.index_cast %get3A : i32 to index
        %get3A_765 = arith.index_cast %add3A_763 : i32 to index
        %get3A_766 = arith.constant 0 : index
        %get3A_767 = tpu.vector_load %arg8[%get3A_764, %get3A_765, %get3A_766] {strides = array<i32>} : memref<6x128x16xi32, #tpu.memory_space<vmem>>, vector<16xi32>,
        %shift_left3A = arith.constant 16 : i32
        %shift_left3A_768 = vector.broadcast %shift_left3A : i32 to vector<16xi32>
        %shift_left3A_769 = arith.shli %get3A_767, %shift_left3A_768 : vector<16xi32>
        %bitcast3A = vector.bitcast %shift_left3A_769 : vector<16xi32> to vector<16xf32>
        %swap3A = arith.constant 2 : i32
        %swap3A_770 = arith.index_cast %swap3A : i32 to index
        %swap3A_771 = arith.index_cast %add3A_763 : i32 to index
        %swap3A_772 = arith.constant 0 : index
        %swap3A_773 = tpu.vector_load %arg9[%swap3A_770, %swap3A_771, %swap3A_772] {strides = array<i32>} : memref<3x128x32xf32, #tpu.memory_space<vmem>>, vector<16xf32>,
        tpu.vector_store %arg9[%swap3A_770, %swap3A_771, %swap3A_772], %bitcast3A {strides = array<i32>} : memref<3x128x32xf32, #tpu.memory_space<vmem>>, vector<16xf32>,
        %and3A = arith.constant -65536 : i32
        %and3A_774 = vector.broadcast %and3A : i32 to vector<16xi32>
        %and3A_775 = arith.andi %get3A_767, %and3A_774 : vector<16xi32>
        %bitcast3A_776 = vector.bitcast %and3A_775 : vector<16xi32> to vector<16xf32>
        %swap3A_777 = arith.constant 2 : i32
        %swap3A_778 = arith.index_cast %swap3A_777 : i32 to index
        %swap3A_779 = arith.index_cast %add3A_763 : i32 to index
        %swap3A_780 = arith.constant 16 : index
        %swap3A_781 = tpu.vector_load %arg9[%swap3A_778, %swap3A_779, %swap3A_780] {strides = array<i32>} : memref<3x128x32xf32, #tpu.memory_space<vmem>>, vector<16xf32>,
        tpu.vector_store %arg9[%swap3A_778, %swap3A_779, %swap3A_780], %bitcast3A_776 {strides = array<i32>} : memref<3x128x32xf32, #tpu.memory_space<vmem>>, vector<16xf32>,
      }
      %scan3A_644 = arith.constant 128 : i32
      %dma_start3A_645 = arith.constant 2 : i32
      %dma_start3A_646 = arith.constant 8 : i32
      %dma_start3A_647 = arith.constant 2 : i32
      %dma_start3A_648 = arith.constant 0 : i32
      %dma_start3A_649 = arith.constant 0 : i32
      %dma_start3A_650 = tpu.memref_slice %arg9[%dma_start3A_645, %dma_start3A_648, %dma_start3A_649] : memref<3x128x32xf32, #tpu.memory_space<vmem>> -> memref<1x128x32xf32, #tpu.memory_space<vmem>>
      %dma_start3A_651 = tpu.memref_squeeze %dma_start3A_650 : memref<1x128x32xf32, #tpu.memory_space<vmem>> -> memref<128x32xf32, #tpu.memory_space<vmem>>
      %dma_start3A_652 = arith.constant 0 : i32
      %dma_start3A_653 = tpu.memref_slice %arg7[%dma_start3A_646, %dma_start3A_652] : memref<10x128xi32, #tpu.memory_space<vmem>> -> memref<1x128xi32, #tpu.memory_space<vmem>>
      %dma_start3A_654 = tpu.memref_squeeze %dma_start3A_653 : memref<1x128xi32, #tpu.memory_space<vmem>> -> memref<128xi32, #tpu.memory_space<vmem>>
      %dma_start3A_655 = arith.constant 0 : i32
      %dma_start3A_656 = arith.constant 0 : i32
      %dma_start3A_657 = tpu.memref_slice %arg5[%dma_start3A_655, %dma_start3A_656] : memref<51200x32xf32, #tpu.memory_space<vmem_shared>> -> memref<51200x32xf32, #tpu.memory_space<vmem_shared>>
      %dma_start3A_658 = tpu.memref_slice %arg11[%dma_start3A_647] : memref<3x!tpu.dma_semaphore, #tpu.memory_space<semaphore_mem>> -> memref<1x!tpu.dma_semaphore, #tpu.memory_space<semaphore_mem>>
      %dma_start3A_659 = tpu.memref_squeeze %dma_start3A_658 : memref<1x!tpu.dma_semaphore, #tpu.memory_space<semaphore_mem>> -> memref<!tpu.dma_semaphore, #tpu.memory_space<semaphore_mem>>
      tpu.enqueue_indirect_dma source(%dma_start3A_651 : memref<128x32xf32, #tpu.memory_space<vmem>>) target(%dma_start3A_657 : memref<51200x32xf32, #tpu.memory_space<vmem_shared>>) offsets(%dma_start3A_654 : memref<128xi32, #tpu.memory_space<vmem>>) semaphore(%dma_start3A_659 : memref<!tpu.dma_semaphore, #tpu.memory_space<semaphore_mem>>) {add = true}
      %dma_wait3A_660 = arith.constant 9 : i32
      %dma_wait3A_661 = arith.constant 3 : i32
      %dma_wait3A_662 = arith.constant 3 : i32
      %dma_wait3A_663 = arith.constant 0 : i32
      %dma_wait3A_664 = arith.constant 0 : i32
      %dma_wait3A_665 = tpu.memref_slice %arg8[%dma_wait3A_661, %dma_wait3A_663, %dma_wait3A_664] : memref<6x128x16xi32, #tpu.memory_space<vmem>> -> memref<1x128x16xi32, #tpu.memory_space<vmem>>
      %dma_wait3A_666 = tpu.memref_squeeze %dma_wait3A_665 : memref<1x128x16xi32, #tpu.memory_space<vmem>> -> memref<128x16xi32, #tpu.memory_space<vmem>>
      %dma_wait3A_667 = arith.constant 0 : i32
      %dma_wait3A_668 = tpu.memref_slice %arg6[%dma_wait3A_660, %dma_wait3A_667] : memref<10x128xi32, #tpu.memory_space<vmem>> -> memref<1x128xi32, #tpu.memory_space<vmem>>
      %dma_wait3A_669 = tpu.memref_squeeze %dma_wait3A_668 : memref<1x128xi32, #tpu.memory_space<vmem>> -> memref<128xi32, #tpu.memory_space<vmem>>
      %dma_wait3A_670 = arith.constant 0 : i32
      %dma_wait3A_671 = arith.constant 0 : i32
      %dma_wait3A_672 = tpu.memref_slice %arg2[%arg0, %dma_wait3A_670, %dma_wait3A_671] : memref<2x50176x16xi32, #tpu.memory_space<hbm>> -> memref<1x50176x16xi32, #tpu.memory_space<hbm>>
      %dma_wait3A_673 = tpu.memref_squeeze %dma_wait3A_672 : memref<1x50176x16xi32, #tpu.memory_space<hbm>> -> memref<50176x16xi32, #tpu.memory_space<hbm>>
      %dma_wait3A_674 = arith.constant 0 : i32
      %dma_wait3A_675 = arith.constant 0 : i32
      %dma_wait3A_676 = tpu.memref_slice %dma_wait3A_673[%dma_wait3A_674, %dma_wait3A_675] : memref<50176x16xi32, #tpu.memory_space<hbm>> -> memref<50176x16xi32, #tpu.memory_space<hbm>>
      %dma_wait3A_677 = tpu.memref_slice %arg10[%dma_wait3A_662] : memref<6x!tpu.dma_semaphore, #tpu.memory_space<semaphore_mem>> -> memref<1x!tpu.dma_semaphore, #tpu.memory_space<semaphore_mem>>
      %dma_wait3A_678 = tpu.memref_squeeze %dma_wait3A_677 : memref<1x!tpu.dma_semaphore, #tpu.memory_space<semaphore_mem>> -> memref<!tpu.dma_semaphore, #tpu.memory_space<semaphore_mem>>
      tpu.wait_indirect_dma semaphore(%dma_wait3A_678 : memref<!tpu.dma_semaphore, #tpu.memory_space<semaphore_mem>>) src(%dma_wait3A_676 : memref<50176x16xi32, #tpu.memory_space<hbm>>) dst(%dma_wait3A_666 : memref<128x16xi32, #tpu.memory_space<vmem>>)
      %dma_wait3A_679 = arith.constant 0 : i32
      %dma_wait3A_680 = arith.constant 6 : i32
      %dma_wait3A_681 = arith.constant 0 : i32
      %dma_wait3A_682 = arith.constant 0 : i32
      %dma_wait3A_683 = arith.constant 0 : i32
      %dma_wait3A_684 = tpu.memref_slice %arg9[%dma_wait3A_679, %dma_wait3A_682, %dma_wait3A_683] : memref<3x128x32xf32, #tpu.memory_space<vmem>> -> memref<1x128x32xf32, #tpu.memory_space<vmem>>
      %dma_wait3A_685 = tpu.memref_squeeze %dma_wait3A_684 : memref<1x128x32xf32, #tpu.memory_space<vmem>> -> memref<128x32xf32, #tpu.memory_space<vmem>>
      %dma_wait3A_686 = arith.constant 0 : i32
      %dma_wait3A_687 = tpu.memref_slice %arg7[%dma_wait3A_680, %dma_wait3A_686] : memref<10x128xi32, #tpu.memory_space<vmem>> -> memref<1x128xi32, #tpu.memory_space<vmem>>
      %dma_wait3A_688 = tpu.memref_squeeze %dma_wait3A_687 : memref<1x128xi32, #tpu.memory_space<vmem>> -> memref<128xi32, #tpu.memory_space<vmem>>
      %dma_wait3A_689 = arith.constant 0 : i32
      %dma_wait3A_690 = arith.constant 0 : i32
      %dma_wait3A_691 = tpu.memref_slice %arg5[%dma_wait3A_689, %dma_wait3A_690] : memref<51200x32xf32, #tpu.memory_space<vmem_shared>> -> memref<51200x32xf32, #tpu.memory_space<vmem_shared>>
      %dma_wait3A_692 = tpu.memref_slice %arg11[%dma_wait3A_681] : memref<3x!tpu.dma_semaphore, #tpu.memory_space<semaphore_mem>> -> memref<1x!tpu.dma_semaphore, #tpu.memory_space<semaphore_mem>>
      %dma_wait3A_693 = tpu.memref_squeeze %dma_wait3A_692 : memref<1x!tpu.dma_semaphore, #tpu.memory_space<semaphore_mem>> -> memref<!tpu.dma_semaphore, #tpu.memory_space<semaphore_mem>>
      tpu.wait_indirect_dma semaphore(%dma_wait3A_693 : memref<!tpu.dma_semaphore, #tpu.memory_space<semaphore_mem>>) src(%dma_wait3A_685 : memref<128x32xf32, #tpu.memory_space<vmem>>) dst(%dma_wait3A_691 : memref<51200x32xf32, #tpu.memory_space<vmem_shared>>)
      %scan3A_694 = arith.constant 0 : i32
      %scan3A_695 = arith.constant 128 : i32
      %scan3A_696 = arith.addi %scan3A_694, %scan3A_695 : i32
      %scan3A_697 = arith.constant 1 : i32
      scf.for %scan3A_759 = %scan3A_694 to %scan3A_696 step %scan3A_697  : i32 {
        %mul3A_760 = arith.constant 1 : i32
        %mul3A_761 = arith.muli %scan3A_759, %mul3A_760 : i32
        %add3A_762 = arith.constant 0 : i32
        %add3A_763 = arith.addi %add3A_762, %mul3A_761 : i32
        %get3A = arith.constant 3 : i32
        %get3A_764 = arith.index_cast %get3A : i32 to index
        %get3A_765 = arith.index_cast %add3A_763 : i32 to index
        %get3A_766 = arith.constant 0 : index
        %get3A_767 = tpu.vector_load %arg8[%get3A_764, %get3A_765, %get3A_766] {strides = array<i32>} : memref<6x128x16xi32, #tpu.memory_space<vmem>>, vector<16xi32>,
        %shift_left3A = arith.constant 16 : i32
        %shift_left3A_768 = vector.broadcast %shift_left3A : i32 to vector<16xi32>
        %shift_left3A_769 = arith.shli %get3A_767, %shift_left3A_768 : vector<16xi32>
        %bitcast3A = vector.bitcast %shift_left3A_769 : vector<16xi32> to vector<16xf32>
        %swap3A = arith.constant 0 : i32
        %swap3A_770 = arith.index_cast %swap3A : i32 to index
        %swap3A_771 = arith.index_cast %add3A_763 : i32 to index
        %swap3A_772 = arith.constant 0 : index
        %swap3A_773 = tpu.vector_load %arg9[%swap3A_770, %swap3A_771, %swap3A_772] {strides = array<i32>} : memref<3x128x32xf32, #tpu.memory_space<vmem>>, vector<16xf32>,
        tpu.vector_store %arg9[%swap3A_770, %swap3A_771, %swap3A_772], %bitcast3A {strides = array<i32>} : memref<3x128x32xf32, #tpu.memory_space<vmem>>, vector<16xf32>,
        %and3A = arith.constant -65536 : i32
        %and3A_774 = vector.broadcast %and3A : i32 to vector<16xi32>
        %and3A_775 = arith.andi %get3A_767, %and3A_774 : vector<16xi32>
        %bitcast3A_776 = vector.bitcast %and3A_775 : vector<16xi32> to vector<16xf32>
        %swap3A_777 = arith.constant 0 : i32
        %swap3A_778 = arith.index_cast %swap3A_777 : i32 to index
        %swap3A_779 = arith.index_cast %add3A_763 : i32 to index
        %swap3A_780 = arith.constant 16 : index
        %swap3A_781 = tpu.vector_load %arg9[%swap3A_778, %swap3A_779, %swap3A_780] {strides = array<i32>} : memref<3x128x32xf32, #tpu.memory_space<vmem>>, vector<16xf32>,
        tpu.vector_store %arg9[%swap3A_778, %swap3A_779, %swap3A_780], %bitcast3A_776 {strides = array<i32>} : memref<3x128x32xf32, #tpu.memory_space<vmem>>, vector<16xf32>,
      }
      %scan3A_698 = arith.constant 128 : i32
      %dma_start3A_699 = arith.constant 0 : i32
      %dma_start3A_700 = arith.constant 9 : i32
      %dma_start3A_701 = arith.constant 0 : i32
      %dma_start3A_702 = arith.constant 0 : i32
      %dma_start3A_703 = arith.constant 0 : i32
      %dma_start3A_704 = tpu.memref_slice %arg9[%dma_start3A_699, %dma_start3A_702, %dma_start3A_703] : memref<3x128x32xf32, #tpu.memory_space<vmem>> -> memref<1x128x32xf32, #tpu.memory_space<vmem>>
      %dma_start3A_705 = tpu.memref_squeeze %dma_start3A_704 : memref<1x128x32xf32, #tpu.memory_space<vmem>> -> memref<128x32xf32, #tpu.memory_space<vmem>>
      %dma_start3A_706 = arith.constant 0 : i32
      %dma_start3A_707 = tpu.memref_slice %arg7[%dma_start3A_700, %dma_start3A_706] : memref<10x128xi32, #tpu.memory_space<vmem>> -> memref<1x128xi32, #tpu.memory_space<vmem>>
      %dma_start3A_708 = tpu.memref_squeeze %dma_start3A_707 : memref<1x128xi32, #tpu.memory_space<vmem>> -> memref<128xi32, #tpu.memory_space<vmem>>
      %dma_start3A_709 = arith.constant 0 : i32
      %dma_start3A_710 = arith.constant 0 : i32
      %dma_start3A_711 = tpu.memref_slice %arg5[%dma_start3A_709, %dma_start3A_710] : memref<51200x32xf32, #tpu.memory_space<vmem_shared>> -> memref<51200x32xf32, #tpu.memory_space<vmem_shared>>
      %dma_start3A_712 = tpu.memref_slice %arg11[%dma_start3A_701] : memref<3x!tpu.dma_semaphore, #tpu.memory_space<semaphore_mem>> -> memref<1x!tpu.dma_semaphore, #tpu.memory_space<semaphore_mem>>
      %dma_start3A_713 = tpu.memref_squeeze %dma_start3A_712 : memref<1x!tpu.dma_semaphore, #tpu.memory_space<semaphore_mem>> -> memref<!tpu.dma_semaphore, #tpu.memory_space<semaphore_mem>>
      tpu.enqueue_indirect_dma source(%dma_start3A_705 : memref<128x32xf32, #tpu.memory_space<vmem>>) target(%dma_start3A_711 : memref<51200x32xf32, #tpu.memory_space<vmem_shared>>) offsets(%dma_start3A_708 : memref<128xi32, #tpu.memory_space<vmem>>) semaphore(%dma_start3A_713 : memref<!tpu.dma_semaphore, #tpu.memory_space<semaphore_mem>>) {add = true}
      %dma_wait3A_714 = arith.constant 1 : i32
      %dma_wait3A_715 = arith.constant 7 : i32
      %dma_wait3A_716 = arith.constant 1 : i32
      %dma_wait3A_717 = arith.constant 0 : i32
      %dma_wait3A_718 = arith.constant 0 : i32
      %dma_wait3A_719 = tpu.memref_slice %arg9[%dma_wait3A_714, %dma_wait3A_717, %dma_wait3A_718] : memref<3x128x32xf32, #tpu.memory_space<vmem>> -> memref<1x128x32xf32, #tpu.memory_space<vmem>>
      %dma_wait3A_720 = tpu.memref_squeeze %dma_wait3A_719 : memref<1x128x32xf32, #tpu.memory_space<vmem>> -> memref<128x32xf32, #tpu.memory_space<vmem>>
      %dma_wait3A_721 = arith.constant 0 : i32
      %dma_wait3A_722 = tpu.memref_slice %arg7[%dma_wait3A_715, %dma_wait3A_721] : memref<10x128xi32, #tpu.memory_space<vmem>> -> memref<1x128xi32, #tpu.memory_space<vmem>>
      %dma_wait3A_723 = tpu.memref_squeeze %dma_wait3A_722 : memref<1x128xi32, #tpu.memory_space<vmem>> -> memref<128xi32, #tpu.memory_space<vmem>>
      %dma_wait3A_724 = arith.constant 0 : i32
      %dma_wait3A_725 = arith.constant 0 : i32
      %dma_wait3A_726 = tpu.memref_slice %arg5[%dma_wait3A_724, %dma_wait3A_725] : memref<51200x32xf32, #tpu.memory_space<vmem_shared>> -> memref<51200x32xf32, #tpu.memory_space<vmem_shared>>
      %dma_wait3A_727 = tpu.memref_slice %arg11[%dma_wait3A_716] : memref<3x!tpu.dma_semaphore, #tpu.memory_space<semaphore_mem>> -> memref<1x!tpu.dma_semaphore, #tpu.memory_space<semaphore_mem>>
      %dma_wait3A_728 = tpu.memref_squeeze %dma_wait3A_727 : memref<1x!tpu.dma_semaphore, #tpu.memory_space<semaphore_mem>> -> memref<!tpu.dma_semaphore, #tpu.memory_space<semaphore_mem>>
      tpu.wait_indirect_dma semaphore(%dma_wait3A_728 : memref<!tpu.dma_semaphore, #tpu.memory_space<semaphore_mem>>) src(%dma_wait3A_720 : memref<128x32xf32, #tpu.memory_space<vmem>>) dst(%dma_wait3A_726 : memref<51200x32xf32, #tpu.memory_space<vmem_shared>>)
      %dma_wait3A_729 = arith.constant 2 : i32
      %dma_wait3A_730 = arith.constant 8 : i32
      %dma_wait3A_731 = arith.constant 2 : i32
      %dma_wait3A_732 = arith.constant 0 : i32
      %dma_wait3A_733 = arith.constant 0 : i32
      %dma_wait3A_734 = tpu.memref_slice %arg9[%dma_wait3A_729, %dma_wait3A_732, %dma_wait3A_733] : memref<3x128x32xf32, #tpu.memory_space<vmem>> -> memref<1x128x32xf32, #tpu.memory_space<vmem>>
      %dma_wait3A_735 = tpu.memref_squeeze %dma_wait3A_734 : memref<1x128x32xf32, #tpu.memory_space<vmem>> -> memref<128x32xf32, #tpu.memory_space<vmem>>
      %dma_wait3A_736 = arith.constant 0 : i32
      %dma_wait3A_737 = tpu.memref_slice %arg7[%dma_wait3A_730, %dma_wait3A_736] : memref<10x128xi32, #tpu.memory_space<vmem>> -> memref<1x128xi32, #tpu.memory_space<vmem>>
      %dma_wait3A_738 = tpu.memref_squeeze %dma_wait3A_737 : memref<1x128xi32, #tpu.memory_space<vmem>> -> memref<128xi32, #tpu.memory_space<vmem>>
      %dma_wait3A_739 = arith.constant 0 : i32
      %dma_wait3A_740 = arith.constant 0 : i32
      %dma_wait3A_741 = tpu.memref_slice %arg5[%dma_wait3A_739, %dma_wait3A_740] : memref<51200x32xf32, #tpu.memory_space<vmem_shared>> -> memref<51200x32xf32, #tpu.memory_space<vmem_shared>>
      %dma_wait3A_742 = tpu.memref_slice %arg11[%dma_wait3A_731] : memref<3x!tpu.dma_semaphore, #tpu.memory_space<semaphore_mem>> -> memref<1x!tpu.dma_semaphore, #tpu.memory_space<semaphore_mem>>
      %dma_wait3A_743 = tpu.memref_squeeze %dma_wait3A_742 : memref<1x!tpu.dma_semaphore, #tpu.memory_space<semaphore_mem>> -> memref<!tpu.dma_semaphore, #tpu.memory_space<semaphore_mem>>
      tpu.wait_indirect_dma semaphore(%dma_wait3A_743 : memref<!tpu.dma_semaphore, #tpu.memory_space<semaphore_mem>>) src(%dma_wait3A_735 : memref<128x32xf32, #tpu.memory_space<vmem>>) dst(%dma_wait3A_741 : memref<51200x32xf32, #tpu.memory_space<vmem_shared>>)
      %dma_wait3A_744 = arith.constant 0 : i32
      %dma_wait3A_745 = arith.constant 9 : i32
      %dma_wait3A_746 = arith.constant 0 : i32
      %dma_wait3A_747 = arith.constant 0 : i32
      %dma_wait3A_748 = arith.constant 0 : i32
      %dma_wait3A_749 = tpu.memref_slice %arg9[%dma_wait3A_744, %dma_wait3A_747, %dma_wait3A_748] : memref<3x128x32xf32, #tpu.memory_space<vmem>> -> memref<1x128x32xf32, #tpu.memory_space<vmem>>
      %dma_wait3A_750 = tpu.memref_squeeze %dma_wait3A_749 : memref<1x128x32xf32, #tpu.memory_space<vmem>> -> memref<128x32xf32, #tpu.memory_space<vmem>>
      %dma_wait3A_751 = arith.constant 0 : i32
      %dma_wait3A_752 = tpu.memref_slice %arg7[%dma_wait3A_745, %dma_wait3A_751] : memref<10x128xi32, #tpu.memory_space<vmem>> -> memref<1x128xi32, #tpu.memory_space<vmem>>
      %dma_wait3A_753 = tpu.memref_squeeze %dma_wait3A_752 : memref<1x128xi32, #tpu.memory_space<vmem>> -> memref<128xi32, #tpu.memory_space<vmem>>
      %dma_wait3A_754 = arith.constant 0 : i32
      %dma_wait3A_755 = arith.constant 0 : i32
      %dma_wait3A_756 = tpu.memref_slice %arg5[%dma_wait3A_754, %dma_wait3A_755] : memref<51200x32xf32, #tpu.memory_space<vmem_shared>> -> memref<51200x32xf32, #tpu.memory_space<vmem_shared>>
      %dma_wait3A_757 = tpu.memref_slice %arg11[%dma_wait3A_746] : memref<3x!tpu.dma_semaphore, #tpu.memory_space<semaphore_mem>> -> memref<1x!tpu.dma_semaphore, #tpu.memory_space<semaphore_mem>>
      %dma_wait3A_758 = tpu.memref_squeeze %dma_wait3A_757 : memref<1x!tpu.dma_semaphore, #tpu.memory_space<semaphore_mem>> -> memref<!tpu.dma_semaphore, #tpu.memory_space<semaphore_mem>>
      tpu.wait_indirect_dma semaphore(%dma_wait3A_758 : memref<!tpu.dma_semaphore, #tpu.memory_space<semaphore_mem>>) src(%dma_wait3A_750 : memref<128x32xf32, #tpu.memory_space<vmem>>) dst(%dma_wait3A_756 : memref<51200x32xf32, #tpu.memory_space<vmem_shared>>)
    }
    %scan3A_14 = arith.constant 40 : i32
    %barrier3A_15 = arith.constant 0 : index
    tpu.barrier barrier_id(%barrier3A_15)
    %scan3A_16 = arith.constant 0 : i32
    %scan3A_17 = arith.constant 10 : i32
    %scan3A_18 = arith.addi %scan3A_16, %scan3A_17 : i32
    %scan3A_19 = arith.constant 1 : i32
    scf.for %scan3A_21 = %scan3A_16 to %scan3A_18 step %scan3A_19  : i32 {
      %mul3A = arith.constant 1 : i32
      %mul3A_22 = arith.muli %scan3A_21, %mul3A : i32
      %add3A = arith.constant 0 : i32
      %add3A_23 = arith.addi %add3A, %mul3A_22 : i32
      %mul3A_24 = arith.constant 3200 : i32
      %mul3A_25 = arith.muli %arg1, %mul3A_24 : i32
      %mul3A_26 = arith.constant 320 : i32
      %mul3A_27 = arith.muli %add3A_23, %mul3A_26 : i32
      %add3A_28 = arith.addi %mul3A_25, %mul3A_27 : i32
      "tpu.region"() ({
        %run_scoped3A = tpu.sem_alloc : memref<!tpu.dma_semaphore, #tpu.memory_space<semaphore_mem>>
        %dma_start3A = arith.constant 0 : i32
        %dma_start3A_29 = tpu.memref_slice %arg4[%arg0, %add3A_28, %dma_start3A] : memref<2x51200x128xf32, #tpu.memory_space<hbm>> -> memref<1x320x32xf32, #tpu.memory_space<hbm>>
        %dma_start3A_30 = tpu.memref_squeeze %dma_start3A_29 : memref<1x320x32xf32, #tpu.memory_space<hbm>> -> memref<320x32xf32, #tpu.memory_space<hbm>>
        %dma_start3A_31 = arith.constant 0 : i32
        %dma_start3A_32 = tpu.memref_slice %arg5[%add3A_28, %dma_start3A_31] : memref<51200x32xf32, #tpu.memory_space<vmem_shared>> -> memref<320x32xf32, #tpu.memory_space<vmem_shared>>
        tpu.enqueue_dma source(%dma_start3A_32 : memref<320x32xf32, #tpu.memory_space<vmem_shared>>) target(%dma_start3A_30 : memref<320x32xf32, #tpu.memory_space<hbm>>) target_semaphore(%run_scoped3A : memref<!tpu.dma_semaphore, #tpu.memory_space<semaphore_mem>>)
        %dma_wait3A = arith.constant 0 : i32
        %dma_wait3A_33 = tpu.memref_slice %arg4[%arg0, %add3A_28, %dma_wait3A] : memref<2x51200x128xf32, #tpu.memory_space<hbm>> -> memref<1x320x32xf32, #tpu.memory_space<hbm>>
        %dma_wait3A_34 = tpu.memref_squeeze %dma_wait3A_33 : memref<1x320x32xf32, #tpu.memory_space<hbm>> -> memref<320x32xf32, #tpu.memory_space<hbm>>
        %dma_wait3A_35 = arith.constant 0 : i32
        %dma_wait3A_36 = tpu.memref_slice %arg5[%add3A_28, %dma_wait3A_35] : memref<51200x32xf32, #tpu.memory_space<vmem_shared>> -> memref<320x32xf32, #tpu.memory_space<vmem_shared>>
        tpu.wait_dma2 semaphore(%run_scoped3A : memref<!tpu.dma_semaphore, #tpu.memory_space<semaphore_mem>>) src(%dma_wait3A_36 : memref<320x32xf32, #tpu.memory_space<vmem_shared>>) dst(%dma_wait3A_34 : memref<320x32xf32, #tpu.memory_space<hbm>>)
        tpu.yield
      }) : () -> ()
    }
    %scan3A_20 = arith.constant 10 : i32
    return
  }
}

module attributes {stable_mosaic.version = 14 : i64} {
  func.func @_mm_body(%arg0: i32, %arg1: memref<6272x64xf32, #tpu.memory_space<vmem>>, %arg2: memref<64x64xf32, #tpu.memory_space<vmem>>, %arg3: memref<6272x64xf32, #tpu.memory_space<vmem>>) attributes {dimension_semantics = [#tpu.dimension_semantics<arbitrary>], iteration_bounds = array<i64: 8>, scalar_prefetch = 0 : i64, scratch_operands = 0 : i64, tpu.core_type = #tpu.core_type<tc>, window_params = [{transform_indices = @transform_0, window_bounds = array<i64: 6272, 64>}, {pipeline_mode = #tpu.pipeline_mode<synchronous>, transform_indices = @transform_1, window_bounds = array<i64: 64, 64>}, {transform_indices = @transform_2, window_bounds = array<i64: 6272, 64>}]} {
    %get3A = arith.constant 0 : index
    %get3A_0 = arith.constant 0 : index
    %get3A_1 = vector.load %arg1[%get3A, %get3A_0] : memref<6272x64xf32, #tpu.memory_space<vmem>>, vector<6272x64xf32>
    %get3A_2 = arith.constant 0 : index
    %get3A_3 = arith.constant 0 : index
    %get3A_4 = vector.load %arg2[%get3A_2, %get3A_3] : memref<64x64xf32, #tpu.memory_space<vmem>>, vector<64x64xf32>
    %dot_general3A = arith.constant dense<0.000000e+00> : vector<6272x64xf32>
    %dot_general3A_5 = tpu.matmul %get3A_1, %get3A_4, %dot_general3A {dimension_numbers = #tpu.dot_dimension_numbers<[1], [0], [0], [1], [0, 0, 1, 1], [], []>, transpose_lhs_hint = false} : vector<6272x64xf32>, vector<64x64xf32>, vector<6272x64xf32> -> vector<6272x64xf32>
    %swap3A = arith.constant 0 : index
    %swap3A_6 = arith.constant 0 : index
    %swap3A_7 = vector.load %arg3[%swap3A, %swap3A_6] : memref<6272x64xf32, #tpu.memory_space<vmem>>, vector<6272x64xf32>
    tpu.vector_store %arg3[%swap3A, %swap3A_6], %dot_general3A_5 {strides = array<i32>} : memref<6272x64xf32, #tpu.memory_space<vmem>>, vector<6272x64xf32>,
    return
  }
  func.func @transform_0(%arg0: i32) -> (i32, i32) {
    %c0_i32 = arith.constant 0 : i32
    %c0_i32_0 = arith.constant 0 : i32
    return %arg0, %c0_i32 : i32, i32
  }
  func.func @transform_1(%arg0: i32) -> (i32, i32) {
    %c0_i32 = arith.constant 0 : i32
    %c0_i32_0 = arith.constant 0 : i32
    %c0_i32_1 = arith.constant 0 : i32
    return %c0_i32, %c0_i32_0 : i32, i32
  }
  func.func @transform_2(%arg0: i32) -> (i32, i32) {
    %c0_i32 = arith.constant 0 : i32
    %c0_i32_0 = arith.constant 0 : i32
    return %arg0, %c0_i32 : i32, i32
  }
}

module attributes {stable_mosaic.version = 14 : i64} {
  func.func @_scale_body(%arg0: i32, %arg1: memref<6272x64xf32, #tpu.memory_space<vmem>>, %arg2: memref<1x6272x16xf32, #tpu.memory_space<vmem>>, %arg3: memref<2x6272x16xi32, #tpu.memory_space<vmem>>) attributes {dimension_semantics = [#tpu.dimension_semantics<arbitrary>], iteration_bounds = array<i64: 8>, scalar_prefetch = 0 : i64, scratch_operands = 0 : i64, tpu.core_type = #tpu.core_type<tc>, window_params = [{transform_indices = @transform_0, window_bounds = array<i64: 6272, 64>}, {transform_indices = @transform_1, window_bounds = array<i64: 1, 6272, 16>}, {transform_indices = @transform_2, window_bounds = array<i64: 2, 6272, 16>}]} {
    %get3A = arith.constant 0 : index
    %get3A_0 = arith.constant 0 : index
    %get3A_1 = arith.constant 0 : index
    %get3A_2 = vector.load %arg2[%get3A, %get3A_0, %get3A_1] : memref<1x6272x16xf32, #tpu.memory_space<vmem>>, vector<1x6272x1xf32>
    %get3A_3 = vector.shape_cast %get3A_2 : vector<1x6272x1xf32> to vector<6272x1xf32>
    %gt3A = arith.constant 0.000000e+00 : f32
    %gt3A_4 = vector.broadcast %gt3A : f32 to vector<6272x1xf32>
    %gt3A_5 = arith.cmpf ogt, %get3A_3, %gt3A_4 : vector<6272x1xf32>
    %max3A = arith.constant 9.99999996E-13 : f32
    %max3A_6 = vector.broadcast %max3A : f32 to vector<6272x1xf32>
    %max3A_7 = arith.maximumf %get3A_3, %max3A_6 : vector<6272x1xf32>
    %rsqrt3A = math.rsqrt %max3A_7 : vector<6272x1xf32>
    %jit3A = arith.constant 0.000000e+00 : f32
    %broadcast_in_dim3A = vector.broadcast %jit3A : f32 to vector<6272x1xf32>
    %select_n3A = arith.select %gt3A_5, %rsqrt3A, %broadcast_in_dim3A : vector<6272x1xi1>, vector<6272x1xf32>
    %get3A_8 = arith.constant 0 : index
    %get3A_9 = arith.constant 0 : index
    %get3A_10 = vector.load %arg1[%get3A_8, %get3A_9] : memref<6272x64xf32, #tpu.memory_space<vmem>>, vector<6272x64xf32>
    %mul3A = vector.broadcast %select_n3A : vector<6272x1xf32> to vector<6272x64xf32>
    %mul3A_11 = arith.mulf %get3A_10, %mul3A : vector<6272x64xf32>
    %bitcast_convert_type3A = tpu.bitcast %mul3A_11 : vector<6272x64xf32> -> vector<6272x64xi32>
    %add3A = arith.constant 32767 : i32
    %add3A_12 = vector.broadcast %add3A : i32 to vector<6272x64xi32>
    %add3A_13 = arith.addi %bitcast_convert_type3A, %add3A_12 : vector<6272x64xi32>
    %shift_right_arithmetic3A = arith.constant 16 : i32
    %shift_right_arithmetic3A_14 = vector.broadcast %shift_right_arithmetic3A : i32 to vector<6272x64xi32>
    %shift_right_arithmetic3A_15 = arith.shrsi %bitcast_convert_type3A, %shift_right_arithmetic3A_14 : vector<6272x64xi32>
    %and3A = arith.constant 1 : i32
    %and3A_16 = vector.broadcast %and3A : i32 to vector<6272x64xi32>
    %and3A_17 = arith.andi %shift_right_arithmetic3A_15, %and3A_16 : vector<6272x64xi32>
    %add3A_18 = arith.addi %add3A_13, %and3A_17 : vector<6272x64xi32>
    %shift_right_logical3A = arith.constant 16 : i32
    %shift_right_logical3A_19 = vector.broadcast %shift_right_logical3A : i32 to vector<6272x64xi32>
    %shift_right_logical3A_20 = arith.shrui %add3A_18, %shift_right_logical3A_19 : vector<6272x64xi32>
    %slice3A = vector.extract_strided_slice %shift_right_logical3A_20 {offsets = [0, 0], sizes = [6272, 16], strides = [1, 1]} : vector<6272x64xi32> to vector<6272x16xi32>
    %slice3A_21 = vector.extract_strided_slice %shift_right_logical3A_20 {offsets = [0, 16], sizes = [6272, 16], strides = [1, 1]} : vector<6272x64xi32> to vector<6272x16xi32>
    %shift_left3A = arith.constant 16 : i32
    %shift_left3A_22 = vector.broadcast %shift_left3A : i32 to vector<6272x16xi32>
    %shift_left3A_23 = arith.shli %slice3A_21, %shift_left3A_22 : vector<6272x16xi32>
    %or3A = arith.ori %slice3A, %shift_left3A_23 : vector<6272x16xi32>
    %swap3A = arith.constant 0 : index
    %swap3A_24 = arith.constant 0 : index
    %swap3A_25 = arith.constant 0 : index
    %swap3A_26 = vector.load %arg3[%swap3A, %swap3A_24, %swap3A_25] : memref<2x6272x16xi32, #tpu.memory_space<vmem>>, vector<1x6272x16xi32>
    %swap3A_27 = vector.shape_cast %swap3A_26 : vector<1x6272x16xi32> to vector<6272x16xi32>
    %swap3A_28 = vector.shape_cast %or3A : vector<6272x16xi32> to vector<1x6272x16xi32>
    tpu.vector_store %arg3[%swap3A, %swap3A_24, %swap3A_25], %swap3A_28 {strides = array<i32>} : memref<2x6272x16xi32, #tpu.memory_space<vmem>>, vector<1x6272x16xi32>,
    %slice3A_29 = vector.extract_strided_slice %shift_right_logical3A_20 {offsets = [0, 32], sizes = [6272, 16], strides = [1, 1]} : vector<6272x64xi32> to vector<6272x16xi32>
    %slice3A_30 = vector.extract_strided_slice %shift_right_logical3A_20 {offsets = [0, 48], sizes = [6272, 16], strides = [1, 1]} : vector<6272x64xi32> to vector<6272x16xi32>
    %shift_left3A_31 = arith.constant 16 : i32
    %shift_left3A_32 = vector.broadcast %shift_left3A_31 : i32 to vector<6272x16xi32>
    %shift_left3A_33 = arith.shli %slice3A_30, %shift_left3A_32 : vector<6272x16xi32>
    %or3A_34 = arith.ori %slice3A_29, %shift_left3A_33 : vector<6272x16xi32>
    %swap3A_35 = arith.constant 1 : index
    %swap3A_36 = arith.constant 0 : index
    %swap3A_37 = arith.constant 0 : index
    %swap3A_38 = vector.load %arg3[%swap3A_35, %swap3A_36, %swap3A_37] : memref<2x6272x16xi32, #tpu.memory_space<vmem>>, vector<1x6272x16xi32>
    %swap3A_39 = vector.shape_cast %swap3A_38 : vector<1x6272x16xi32> to vector<6272x16xi32>
    %swap3A_40 = vector.shape_cast %or3A_34 : vector<6272x16xi32> to vector<1x6272x16xi32>
    tpu.vector_store %arg3[%swap3A_35, %swap3A_36, %swap3A_37], %swap3A_40 {strides = array<i32>} : memref<2x6272x16xi32, #tpu.memory_space<vmem>>, vector<1x6272x16xi32>,
    return
  }
  func.func @transform_0(%arg0: i32) -> (i32, i32) {
    %c0_i32 = arith.constant 0 : i32
    %c0_i32_0 = arith.constant 0 : i32
    return %arg0, %c0_i32 : i32, i32
  }
  func.func @transform_1(%arg0: i32) -> (i32, i32, i32) {
    %c0_i32 = arith.constant 0 : i32
    %c0_i32_0 = arith.constant 0 : i32
    %c0_i32_1 = arith.constant 0 : i32
    return %c0_i32, %arg0, %c0_i32_0 : i32, i32, i32
  }
  func.func @transform_2(%arg0: i32) -> (i32, i32, i32) {
    %c0_i32 = arith.constant 0 : i32
    %c0_i32_0 = arith.constant 0 : i32
    %c0_i32_1 = arith.constant 0 : i32
    return %c0_i32, %arg0, %c0_i32_0 : i32, i32, i32
  }
}

module attributes {stable_mosaic.version = 14 : i64} {
  func.func @_out_body(%arg0: i32, %arg1: memref<2x6272x128xf32, #tpu.memory_space<vmem>>, %arg2: memref<1x6272x16xf32, #tpu.memory_space<vmem>>, %arg3: memref<1x64xf32, #tpu.memory_space<vmem>>, %arg4: memref<6272x64xf32, #tpu.memory_space<vmem>>) attributes {dimension_semantics = [#tpu.dimension_semantics<arbitrary>], iteration_bounds = array<i64: 8>, scalar_prefetch = 0 : i64, scratch_operands = 0 : i64, tpu.core_type = #tpu.core_type<tc>, window_params = [{transform_indices = @transform_0, window_bounds = array<i64: 2, 6272, 128>}, {transform_indices = @transform_1, window_bounds = array<i64: 1, 6272, 16>}, {pipeline_mode = #tpu.pipeline_mode<synchronous>, transform_indices = @transform_2, window_bounds = array<i64: 1, 64>}, {transform_indices = @transform_3, window_bounds = array<i64: 6272, 64>}]} {
    %get3A = arith.constant 0 : index
    %get3A_0 = arith.constant 0 : index
    %get3A_1 = arith.constant 0 : index
    %get3A_2 = vector.load %arg1[%get3A, %get3A_0, %get3A_1] : memref<2x6272x128xf32, #tpu.memory_space<vmem>>, vector<1x6272x32xf32>
    %get3A_3 = vector.shape_cast %get3A_2 : vector<1x6272x32xf32> to vector<6272x32xf32>
    %get3A_4 = arith.constant 1 : index
    %get3A_5 = arith.constant 0 : index
    %get3A_6 = arith.constant 0 : index
    %get3A_7 = vector.load %arg1[%get3A_4, %get3A_5, %get3A_6] : memref<2x6272x128xf32, #tpu.memory_space<vmem>>, vector<1x6272x32xf32>
    %get3A_8 = vector.shape_cast %get3A_7 : vector<1x6272x32xf32> to vector<6272x32xf32>
    %concatenate3A = tpu.concatenate %get3A_3, %get3A_8 in 1 : vector<6272x32xf32>, vector<6272x32xf32> -> vector<6272x64xf32>
    %get3A_9 = arith.constant 0 : index
    %get3A_10 = arith.constant 0 : index
    %get3A_11 = arith.constant 0 : index
    %get3A_12 = vector.load %arg2[%get3A_9, %get3A_10, %get3A_11] : memref<1x6272x16xf32, #tpu.memory_space<vmem>>, vector<1x6272x1xf32>
    %get3A_13 = vector.shape_cast %get3A_12 : vector<1x6272x1xf32> to vector<6272x1xf32>
    %gt3A = arith.constant 0.000000e+00 : f32
    %gt3A_14 = vector.broadcast %gt3A : f32 to vector<6272x1xf32>
    %gt3A_15 = arith.cmpf ogt, %get3A_13, %gt3A_14 : vector<6272x1xf32>
    %max3A = arith.constant 9.99999996E-13 : f32
    %max3A_16 = vector.broadcast %max3A : f32 to vector<6272x1xf32>
    %max3A_17 = arith.maximumf %get3A_13, %max3A_16 : vector<6272x1xf32>
    %rsqrt3A = math.rsqrt %max3A_17 : vector<6272x1xf32>
    %jit3A = arith.constant 0.000000e+00 : f32
    %broadcast_in_dim3A = vector.broadcast %jit3A : f32 to vector<6272x1xf32>
    %select_n3A = arith.select %gt3A_15, %rsqrt3A, %broadcast_in_dim3A : vector<6272x1xi1>, vector<6272x1xf32>
    %mul3A = vector.broadcast %select_n3A : vector<6272x1xf32> to vector<6272x64xf32>
    %mul3A_18 = arith.mulf %concatenate3A, %mul3A : vector<6272x64xf32>
    %get3A_19 = arith.constant 0 : index
    %get3A_20 = arith.constant 0 : index
    %get3A_21 = vector.load %arg3[%get3A_19, %get3A_20] : memref<1x64xf32, #tpu.memory_space<vmem>>, vector<1x64xf32>
    %add3A = vector.broadcast %get3A_21 : vector<1x64xf32> to vector<6272x64xf32>
    %add3A_22 = arith.addf %mul3A_18, %add3A : vector<6272x64xf32>
    %swap3A = arith.constant 0 : index
    %swap3A_23 = arith.constant 0 : index
    %swap3A_24 = vector.load %arg4[%swap3A, %swap3A_23] : memref<6272x64xf32, #tpu.memory_space<vmem>>, vector<6272x64xf32>
    tpu.vector_store %arg4[%swap3A, %swap3A_23], %add3A_22 {strides = array<i32>} : memref<6272x64xf32, #tpu.memory_space<vmem>>, vector<6272x64xf32>,
    return
  }
  func.func @transform_0(%arg0: i32) -> (i32, i32, i32) {
    %c0_i32 = arith.constant 0 : i32
    %c0_i32_0 = arith.constant 0 : i32
    %c0_i32_1 = arith.constant 0 : i32
    return %c0_i32, %arg0, %c0_i32_0 : i32, i32, i32
  }
  func.func @transform_1(%arg0: i32) -> (i32, i32, i32) {
    %c1_i32 = arith.constant 1 : i32
    %c0_i32 = arith.constant 0 : i32
    %c0_i32_0 = arith.constant 0 : i32
    return %c1_i32, %arg0, %c0_i32 : i32, i32, i32
  }
  func.func @transform_2(%arg0: i32) -> (i32, i32) {
    %c0_i32 = arith.constant 0 : i32
    %c0_i32_0 = arith.constant 0 : i32
    %c0_i32_1 = arith.constant 0 : i32
    return %c0_i32, %c0_i32_0 : i32, i32
  }
  func.func @transform_3(%arg0: i32) -> (i32, i32) {
    %c0_i32 = arith.constant 0 : i32
    %c0_i32_0 = arith.constant 0 : i32
    return %arg0, %c0_i32 : i32, i32
  }
}

</mosaic_0001>

<sc_bundles>
// kernel: kernel.10.cloned.1.call-start
scs
__scs_entry_jumppad:
0x0: {  	(pc) =	sbr.rel $0x88, $3  }
0x1: {  	(tag) =	ssettag $0x0;
	lr =	simm.s32 $0x1  }
0x2: {  	[smem:$0x3F9D] =	sst lr;
	_ =	strace $0xD0000000  }
0x3: {  	_ = 	snop  }
0x4: {  	_ = 	snop  }
0x5: {  	_ = 	snop  }
0x6: {  	_ = 	snop  }
0x7: {  	_ = 	snop  }
__scs_overlays_trampoline_lowered:
0x8: {  	[smem:$0x3FAC] =	sst s0  }
0x9: {  	[smem:$0x3FAD] =	sst s1  }
0xa: {  	[smem:$0x3FAE] =	sst s2  }
0xb: {  	[smem:$0x3FAF] =	sst s3  }
0xc: {  	[smem:$0x3FB0] =	sst s4  }
0xd: {  	[smem:$0x3FB1] =	sst s5  }
0xe: {  	[smem:$0x3FB2] =	sst s6  }
0xf: {  	[smem:$0x3FB3] =	sst s7  }
0x10: {  	[smem:$0x3FB4] =	sst s8  }
0x11: {  	[smem:$0x3FB5] =	sst s9;
	s0 =	simm.s32 @!p0 $0x0  }
0x12: {  	s1 =	sld [smem:$0x3F9B];
	s0 =	simm.s32 @p0 $0x1  }
0x13: {  	[smem:$0x3FB6] =	sst s0;
	s0 =	simm.s32 @!p1 $0x0  }
0x14: {  	s2 =	sld [smem:$0x3F9A];
	s0 =	simm.s32 @p1 $0x1  }
0x15: {  	[smem:$0x3FB7] =	sst s0;
	s0 =	simm.s32 @!p2 $0x0  }
0x16: {  	s3 =	sld [smem:$0x3FDB];
	s0 =	simm.s32 @p2 $0x1  }
0x17: {  	s4 =	simm.s32 $0x1BF5;
	[smem:$0x3FB9] =	sst s0  }
0x18: {  	s0 =	sld [smem:$0x3F9C];
	_ =	swait.ge [sflag:s4], $0x0  }
0x19: {  	s7 =	sld [smem:$0x3F9D]  }
0x1a: {  	s8 =	sadd.s32 $0xFFFFE003, lr  }
0x1b: {  	s9 =	sadd.s32 $0xFFFFFEF7, lr;
	s5 =	simm.s32 $0xFFFFFFFF;
	p2 =	slt.u32 s8, $0xFFFFF086  }
0x1c: {  	p1 =	slt.u32 s9, $0xF7A;
	s5 =	simm.s32 @!p2 $0x0  }
0x1d: {  	s5 =	simm.s32 @p1 $0x1;
	p0 =	seq.s32 s7, s2  }
0x1e: {  	s7 =	smul.u32 @!p0 $0xF7A, s2;
	p2 =	seq.s32 @!p0 s5, $0x0  }
0x1f: {  	s9 =	smul.u32 $0xF7A, s1;
	s8 =	simm.s32 @!p0 $0x1BF5;
	p2 =	por !p2, p0  }
0x20: {  	[sflag:s8] =	ssyncset.s32 @!p0 $0xFFFFF086;
	s6 =	sadd.s32 @!p0 s3, s7;
	s7 =	simm.s32 @!p0 $0x108  }
0x21: {  	s3 =	sadd.s32 s3, s9;
	s6 =	sadd.s32 @!p0 $0x88, s6;
	s7 =	simm.s32 @p2 $0x1082  }
0x22: {  	[simem:s7], [sflag:s8] =	dma.local @!p0 [hbm:s6], $0xF7A  }
0x23: {  	s9 =	sor.u32 $0xD0000000, s2;
	s6 =	simm.s32 $0x108;
	_ =	swait.ge @!p0 [sflag:s8], $0x0  }
0x24: {  	s3 =	sadd.s32 $0x88, s3;
	s6 =	simm.s32 @!p1 $0x1082;
	[sflag:s4] =	ssyncset.s32 $0xFFFFF086  }
0x25: {  	[simem:s6], [sflag:s4] =	dma.local [hbm:s3], $0xF7A  }
0x26: {  	[smem:$0x3F9D] =	sst s1;
	(tag) =	ssettag s2;
	_ =	strace s9  }
0x27: {  	s1 =	sld [smem:$0x3FAD]  }
0x28: {  	s2 =	sld [smem:$0x3FAE]  }
0x29: {  	s4 =	sld [smem:$0x3FB0]  }
0x2a: {  	p0 =	seq.s32 s5, $0x0;
	s5 =	sld [smem:$0x3FB1]  }
0x2b: {  	s6 =	sld [smem:$0x3FB2]  }
0x2c: {  	s7 =	sld [smem:$0x3FB3]  }
0x2d: {  	s3 =	simm.s32 $0x108;
	s8 =	sld [smem:$0x3FB4]  }
0x2e: {  	s3 =	simm.s32 @!p0 $0x1082;
	s9 =	sld [smem:$0x3FB5]  }
0x2f: {  	lr =	sadd.s32 s0, s3;
	s0 =	sld [smem:$0x3FAC]  }
0x30: {  	s3 =	sld [smem:$0x3FAF]  }
0x31: {  	[smem:$0x3FB8] =	sst s10  }
0x32: {  	s10 =	sld [smem:$0x3FB6];
	_ =	sdelay $0x3  }
0x33: {  	p0 =	seq.s32 s10, $0x1;
	s10 =	sld [smem:$0x3FB8];
	_ =	sdelay $0x3  }
0x34: {  	[smem:$0x3FB8] =	sst s10  }
0x35: {  	s10 =	sld [smem:$0x3FB7];
	_ =	sdelay $0x3  }
0x36: {  	p1 =	seq.s32 s10, $0x1;
	s10 =	sld [smem:$0x3FB8];
	_ =	sdelay $0x3  }
0x37: {  	[smem:$0x3FB8] =	sst s10  }
0x38: {  	s10 =	sld [smem:$0x3FB9]  }
0x39: {  	_ = 	snop;
	(pc) =	sbr.ind lr, $3  }
0x3a: {  	_ = 	snop  }
0x3b: {  	_ = 	snop  }
0x3c: {  	p2 =	seq.s32 s10, $0x1;
	s10 =	sld [smem:$0x3FB8]  }
0x3d: {  	_ =	shalt  }
0x3e: {  	_ =	shalt  }
0x3f: {  	_ =	shalt  }
0x40: {  	_ =	shalt  }
0x41: {  	_ =	shalt  }
0x42: {  	_ =	shalt  }
0x43: {  	_ =	shalt  }
0x44: {  	_ =	shalt  }
0x45: {  	_ =	shalt  }
0x46: {  	_ =	shalt  }
0x47: {  	_ =	shalt  }
0x48: {  	_ =	shalt  }
0x49: {  	_ =	shalt  }
0x4a: {  	_ =	shalt  }
0x4b: {  	_ =	shalt  }
0x4c: {  	_ =	shalt  }
0x4d: {  	_ =	shalt  }
0x4e: {  	_ =	shalt  }
0x4f: {  	_ =	shalt  }
0x50: {  	_ =	shalt  }
0x51: {  	_ =	shalt  }
0x52: {  	_ =	shalt  }
0x53: {  	_ =	shalt  }
0x54: {  	_ =	shalt  }
0x55: {  	_ =	shalt  }
0x56: {  	_ =	shalt  }
0x57: {  	_ =	shalt  }
0x58: {  	_ =	shalt  }
0x59: {  	_ =	shalt  }
0x5a: {  	_ =	shalt  }
0x5b: {  	_ =	shalt  }
0x5c: {  	_ =	shalt  }
0x5d: {  	_ =	shalt  }
0x5e: {  	_ =	shalt  }
0x5f: {  	_ =	shalt  }
0x60: {  	_ =	shalt  }
0x61: {  	_ =	shalt  }
0x62: {  	_ =	shalt  }
0x63: {  	_ =	shalt  }
0x64: {  	_ =	shalt  }
0x65: {  	_ =	shalt  }
0x66: {  	_ =	shalt  }
0x67: {  	_ =	shalt  }
0x68: {  	_ =	shalt  }
0x69: {  	_ =	shalt  }
0x6a: {  	_ =	shalt  }
0x6b: {  	_ =	shalt  }
0x6c: {  	_ =	shalt  }
0x6d: {  	_ =	shalt  }
0x6e: {  	_ =	shalt  }
0x6f: {  	_ =	shalt  }
0x70: {  	_ =	shalt  }
0x71: {  	_ =	shalt  }
0x72: {  	_ =	shalt  }
0x73: {  	_ =	shalt  }
0x74: {  	_ =	shalt  }
0x75: {  	_ =	shalt  }
0x76: {  	_ =	shalt  }
0x77: {  	_ =	shalt  }
0x78: {  	_ =	shalt  }
0x79: {  	_ =	shalt  }
0x7a: {  	_ =	shalt  }
0x7b: {  	_ =	shalt  }
0x7c: {  	_ =	shalt  }
0x7d: {  	_ =	shalt  }
0x7e: {  	_ =	shalt  }
0x7f: {  	_ =	shalt  }
0x80: {  	_ =	shalt  }
0x81: {  	_ =	shalt  }
0x82: {  	_ =	shalt  }
0x83: {  	_ =	shalt  }
0x84: {  	_ =	shalt  }
0x85: {  	_ =	shalt  }
0x86: {  	_ =	shalt  }
0x87: {  	_ =	shalt  }
.Lfunc_end0:
.L_simem_size_0:
called_computation.1_lowered:
.L_overlay_start_0:
0x88: {  	s2 =	sld [smem:$0x3FD9]  }
0x89: {  	s3 =	sld [smem:$0x3FFE];
	_ =	sdelay $0x1  }
0x8a: {  	s1 =	srdreg.scid  }
0x8b: {  	s0 =	sand.u32 $0x1, s1  }
0x8c: {  	s17 =	sshll.u32 s0, $0xA;
	s2 =	sadd.s32 s3, s2  }
0x8d: {  	s2 =	sadd.s32 s2, s17  }
0x8e: {  	[smem:$0x3FC4] =	sst s2  }
0x8f: {  	_ = 	snop  }
0x90: {  	s2 =	sld [smem:$0x3FD0];
	(tm) =	ssettm $0x1  }
0x91: {  	s18 =	sld [smem:$0x3FFB];
	_ =	sdelay $0x3  }
0x92: {  	_ =	strace s18  }
0x93: {  	s3 =	sld [smem:$0x3FFC];
	_ =	sdelay $0x3  }
0x94: {  	_ =	strace s3  }
0x95: {  	s3 =	sld [smem:$0x3FFD];
	_ =	sdelay $0x3  }
0x96: {  	_ =	strace s3  }
0x97: {  	_ =	strace $0x8FFFFFFF  }
0x98: {  	s19 =	sld [smem:$0x3FDB];
	_ =	sdelay $0x1  }
0x99: {  	s4 =	simm.s32 $_scs_section_size  }
0x9a: {  	s5 =	simm.s32 $_size__tile_overlayer_lowered;
	s6 =	simm.s32 $_tile_overlayer_lowered  }
0x9b: {  	s22 =	simm.s32 $0x1BFF;
	s21 =	sshll.u32 s6, $0x1;
	s3 =	sadd.s32 s4, s19  }
0x9c: {  	s7 =	simm.s32 $0x0;
	s20 =	sshll.u32 s5, $0x1;
	s5 =	sadd.s32 s21, s3  }
0x9d: {  	[timem:s7], [sflag:s22] =	dma.local [hbm:s5], s20  }
0x9e: {  	_ =	swait.ge [sflag:s22], s20  }
0x9f: {  	s4 =	ssub.s32 $0x0, s20;
	[sflag:s22] =	ssyncset.done $0x0  }
0xa0: {  	[sflag:s22] =	ssyncadd.s32 s4;
	_ =	sdelay $0x1  }
0xa1: {  	s23 =	simm.s32 $0x1B8B  }
0xa2: {  	_ =	swait.ge [sflag:s23], $0x1  }
0xa3: {  	[sflag:s23] =	ssyncset.done $0x0  }
0xa4: {  	s25 =	simm.s32 $0x1B8E;
	s24 =	sld [smem:$0x3FFE];
	[sflag:s23] =	ssyncadd.s32 $0xFFFFFFFF  }
0xa5: {  	s26 =	simm.s32 $execute0_lowered;
	[smem:$0x3FD2] =	sst s25  }
0xa6: {  	s5 =	sshll.u32 s26, $0x1;
	_ =	strace $0x80000049;
	[dreg:$0x1] =	wrdreg $0xFFFFFFFF  }
0xa7: {  	s28 =	simm.s32 $_size_execute0_lowered;
	s3 =	sadd.s32 s3, s5;
	[dreg:$0x0] =	wrdreg $0x0  }
0xa8: {  	s5 =	sshll.u32 s28, $0x1;
	[dreg:$0x2] =	wrdreg s3  }
0xa9: {  	[dreg:$0x3] =	wrdreg s5  }
0xaa: {  	[dreg:$0x4] =	wrdreg $0xC0  }
0xab: {  	_ =	task [dreg:s7], $0x5FFFF  }
0xac: {  	[dreg:$0x1] =	wrdreg $0xFFFFFFFF  }
0xad: {  	[dreg:$0x0] =	wrdreg $0x60  }
0xae: {  	[dreg:$0x2] =	wrdreg s24  }
0xaf: {  	[dreg:$0x3] =	wrdreg s2  }
0xb0: {  	[dreg:$0x4] =	wrdreg $0x0  }
0xb1: {  	[dreg:$0x5] =	wrdreg $0x9  }
0xb2: {  	_ =	task.clear_ibuf [dreg:s7], $0x6FFFF;
	_ =	strace $0x90000049  }
0xb3: {  	s29 =	simm.s32 $0x9;
	_ =	strace $0x8000004B  }
0xb4: {  	_ =	swait.ge [sflag:s29], $0x1  }
0xb5: {  	[sflag:s29] =	ssyncadd.s32 $0xFFFFFFFF  }
0xb6: {  	_ =	strace $0x9000004B  }
0xb7: {  	_ =	sfence  }
0xb8: {  	s30 =	sld [smem:$0x0];
	_ =	sdelay $0x2  }
0xb9: {  	s31 =	sshll.u32 s1, $0xD;
	s1 =	sshrl.u32 s1, $0x2  }
0xba: {  	s3 =	sand.u32 $0x4000, s31;
	s1 =	sadd.s32 s1, s30  }
0xbb: {  	s0 =	sor.u32 s3, s0;
	s1 =	sshll.u32 s1, $0x11  }
0xbc: {  	s0 =	sor.u32 s1, s0  }
0xbd: {  	s0 =	sadd.s32 $0x8F2B, s0  }
0xbe: {  	[sflag:s0] =	ssyncadd.remote.s32 $0x1  }
0xbf: {  	_ =	sfence.sel $0xFFFF  }
0xc0: {  	[dreg:$0x0] =	wrdreg $0xFFFFFFFF;
	(pc) =	sbr.abs _section_cstart, $3  }
0xc1: {  	[dreg:$0x1] =	wrdreg $0xFFFFFFFF  }
0xc2: {  	_ =	task.clear_ibuf [dreg:s7], $0x2FFFF;
	_ =	strace $0x9FFFFFFF  }
0xc3: {  	(tm) =	ssettm $0x7FFFFFFF  }
tec
execute0_lowered:
.L_overlay_start_1:
0x0: {  	(tag) =	ssettag $0x1  }
0x1: {  	s0 =	srdreg.scid  }
0x2: {  	s1 =	rddreg [dreg:$0x0];
	s18 =	stileid.u32  }
0x3: {  	s21 =	simm.s32 $0x0;
	s29 =	simm.s32 $0x1CA00;
	s3 =	smul.u32 $0x64000, s18  }
0x4: {  	s30 =	simm.s32 $0xA;
	s0 =	sand.u32 $0x1, s0;
	s28 =	smul.u32 $0x28, s18  }
0x5: {  	s31 =	simm.s32 $0x19000;
	[smem:$0x7FF] =	sst s21;
	s2 =	smul.u32 $0x18800, s0  }
0x6: {  	s18 =	simm.s32 $0x6;
	s4 =	smul.u32 $0x640000, s0;
	s0 =	ssub.s32 $0x2, s0  }
0x7: {  	s5 =	sshrl.u32 s0, $0x1;
	s7 =	sadd.s32 $0xA000, s3;
	s8 =	sadd.s32 $0x1E000, s3  }
0x8: {  	s10 =	sadd.s32 $0x28000, s3;
	s20 =	sadd.s32 $0x32000, s3;
	s11 =	sadd.s32 $0x3C000, s3  }
0x9: {  	s2 =	sadd.s32 s2, s1;
	s1 =	sadd.s32 $0x34B400, s1;
	s6 =	sadd.s32 s4, s3  }
0xa: {  	s0 =	ssub.s32 s0, s5;
	s13 =	sadd.s32 s4, s7;
	s9 =	sadd.s32 s4, s8  }
0xb: {  	s17 =	sadd.s32 s4, s10;
	s22 =	sadd.s32 s4, s20;
	s12 =	sshrl.u32 s6, $0x3  }
0xc: {  	s14 =	sshrl.u32 s13, $0x3;
	s6 =	sadd.s32 $0x14000, s3;
	s16 =	sshrl.u32 s9, $0x3  }
0xd: {  	s19 =	sshrl.u32 s17, $0x3;
	s13 =	sadd.s32 $0x46000, s3;
	s5 =	sadd.s32 s1, s12  }
0xe: {  	s15 =	sadd.s32 s4, s6;
	[dreg:$0x5] =	wrdreg s5;
	s5 =	sadd.s32 s1, s14  }
0xf: {  	s17 =	sadd.s32 $0x5A000, s3;
	[dreg:$0x6] =	wrdreg s5;
	s5 =	sshrl.u32 s15, $0x3  }
0x10: {  	s0 =	smax.u32 s0, $0x1;
	s9 =	sshrl.u32 s20, $0x2;
	s5 =	sadd.s32 s1, s5  }
0x11: {  	s12 =	sadd.s32 s4, s11;
	[dreg:$0x7] =	wrdreg s5;
	s5 =	sadd.s32 s1, s16  }
0x12: {  	s24 =	sadd.s32 s4, s13;
	[dreg:$0x8] =	wrdreg s5;
	s5 =	sadd.s32 s1, s19  }
0x13: {  	s6 =	sshrl.u32 s6, $0x2;
	[dreg:$0x9] =	wrdreg s5;
	s5 =	sshrl.u32 s22, $0x3  }
0x14: {  	s23 =	sshrl.u32 s12, $0x3;
	s25 =	sshrl.u32 s24, $0x3;
	s5 =	sadd.s32 s1, s5  }
0x15: {  	s14 =	sadd.s32 $0x50000, s3;
	[dreg:$0xa] =	wrdreg s5;
	s5 =	sadd.s32 s1, s23  }
0x16: {  	s26 =	sadd.s32 s4, s14;
	[dreg:$0xb] =	wrdreg s5;
	s5 =	sadd.s32 s1, s25  }
0x17: {  	s4 =	sadd.s32 s4, s17;
	[dreg:$0xc] =	wrdreg s5;
	s5 =	sshrl.u32 s26, $0x3  }
0x18: {  	s12 =	rddreg [dreg:$0x2];
	s4 =	sshrl.u32 s4, $0x3;
	s5 =	sadd.s32 s1, s5  }
0x19: {  	s1 =	sadd.s32 s1, s4;
	s4 =	sshrl.u32 s3, $0x2;
	[dreg:$0xd] =	wrdreg s5  }
0x1a: {  	s16 =	sadd.s32 $0x1E00, s2;
	[dreg:$0xe] =	wrdreg s1;
	s15 =	sadd.s32 s4, s12  }
0x1b: {  	s5 =	sshrl.u32 s7, $0x2;
	s7 =	sshrl.u32 s8, $0x2;
	s1 =	sadd.s32 s6, s12  }
0x1c: {  	s8 =	sshrl.u32 s10, $0x2;
	s10 =	sshrl.u32 s11, $0x2;
	s4 =	sadd.s32 s9, s12  }
0x1d: {  	s11 =	sshrl.u32 s13, $0x2;
	s13 =	sshrl.u32 s14, $0x2;
	s14 =	sshrl.u32 s17, $0x2  }
0x1e: {  	s9 =	simm.s32 $0x1B200;
	_ =	strace $0x8000004A;
	[dreg:$0xf] =	wrdreg s0  }
0x1f: {  	s0 =	sadd.s32 s5, s12;
	s2 =	sadd.s32 s7, s12;
	s3 =	sadd.s32 s8, s12  }
0x20: {  	s5 =	sadd.s32 s10, s12;
	s6 =	sadd.s32 s11, s12;
	s7 =	sadd.s32 s13, s12  }
0x21: {  	s8 =	sadd.s32 s14, s12;
	s17 =	sshrl.u32 s1, $0x3;
	s22 =	sshrl.u32 s4, $0x3  }
0x22: {  	s11 =	simm.s32 $0x19500;
	s10 =	simm.s32 $0x1;
	s4 =	simm.s32 $0x19900  }
0x23: {  	s13 =	simm.s32 $0x19980;
	s0 =	sshrl.u32 s0, $0x3;
	[dreg:$0x11] =	wrdreg s17  }
0x24: {  	s19 =	sshrl.u32 s2, $0x3;
	s20 =	sshrl.u32 s3, $0x3;
	[dreg:$0x14] =	wrdreg s22  }
0x25: {  	s23 =	sshrl.u32 s5, $0x3;
	s24 =	sshrl.u32 s6, $0x3;
	[dreg:$0x10] =	wrdreg s0  }
0x26: {  	s25 =	sshrl.u32 s7, $0x3;
	s26 =	sshrl.u32 s8, $0x3;
	[dreg:$0x12] =	wrdreg s19  }
0x27: {  	s3 =	simm.s32 $0x19A00;
	s5 =	simm.s32 $0x1A200;
	[dreg:$0x13] =	wrdreg s20  }
0x28: {  	s7 =	simm.s32 $0x1AA00;
	s17 =	simm.s32 $0x2;
	[dreg:$0x15] =	wrdreg s23  }
0x29: {  	s22 =	simm.s32 $0x3;
	s2 =	simm.s32 $0x7;
	[dreg:$0x16] =	wrdreg s24  }
0x2a: {  	s6 =	simm.s32 $0x5;
	s8 =	simm.s32 $0x8;
	[dreg:$0x17] =	wrdreg s25  }
0x2b: {  	[dreg:$0x18] =	wrdreg s26;
	s0 =	simm.s32 $0x80;
	s19 =	simm.s32 $0x1DA00  }
0x2c: {  	v0 =	vimm.f32 $0.0e+00;
	s24 =	simm.s32 $0x1EA00;
	s26 =	simm.s32 $0x4;
	s20 =	simm.s32 $0x9  }
.LBB2_1:
0x2d: {  	s1 =	simm.s32 $0x0  }
.LBB2_2:
0x2e: {  	p0 =	sne.s32 s1, $0x3F80  }
.Ltmp0:
0x2f: {  	_ = 	snop;
	(pc) =	sbr.rel @p0 .LBB2_2-.Ltmp0, $4  }
0x30: {  	_ = 	snop  }
0x31: {  	s14 =	sshra.s32 s1, $0x2  }
0x32: {  	[tilespmem:s14+$0x1CA00] =	vst v0  }
0x33: {  	s1 =	sadd.s32 $0x80, s1;
	[tilespmem:s14+$0x1CA10] =	vst v0  }
0x34: {  	[dreg:$0x4] =	wrdreg s21;
	s1 =	sadd.s32 $0x0, s15  }
0x35: {  	[spmem:s1] =	stream.linear.scatter [tilespmem:s29], [sflag:$0xA], $0x1000, $0x38;
	[tilespmem:$0x1FA00] =	vst v63  }
0x36: {  	s14 =	simm.s32 $0x4000;
	_ =	swait.ge [sflag:s30], $0x1000  }
.LBB2_4:
0x37: {  	s1 =	sshra.s32 s14, $0x2;
	[sflag:s30] =	ssyncset.done $0x0;
	p0 =	sne.s32 s14, $0x60000  }
.Ltmp1:
0x38: {  	s1 =	sadd.s32 s1, s15;
	[sflag:s30] =	ssyncadd.s32 $0xFFFFF000;
	(pc) =	sbr.rel @p0 .LBB2_4-.Ltmp1, $3  }
0x39: {  	[spmem:s1] =	stream.linear.scatter [tilespmem:s29], [sflag:$0xA], $0x1000, $0x38;
	[tilespmem:$0x1FA00] =	vst v63  }
0x3a: {  	s14 =	sadd.s32 $0x4000, s14;
	_ =	sdelay $0x1  }
0x3b: {  	_ =	swait.ge [sflag:s30], $0x1000  }
0x3c: {  	[sflag:s30] =	ssyncset.done $0x0  }
0x3d: {  	[sflag:s30] =	ssyncadd.s32 $0xFFFFF000  }
0x3e: {  	s14 =	simm.s32 $0x0;
	s21 =	simm.s32 $0x0;
	[bflag:$0x0] =	sbarrier.arrive $0xFFFF  }
.LBB2_6:
0x3f: {  	s1 =	sadd.s32 s28, s21  }
0x40: {  	s1 =	smul.u32 $0x500, s1;
	_ =	sdelay $0x1  }
0x41: {  	s23 =	rddreg [dreg:$0x1];
	s1 =	sshrl.u32 s1, $0x3  }
0x42: {  	s1 =	sadd.s32 s23, s1  }
0x43: {  	[tilespmem:s31], [sflag:$0xA] =	stream.linear.gather [hbm4b:s1+s14], $0x500, $0x38;
	[tilespmem:$0x1FA00] =	vst v63  }
0x44: {  	_ =	swait.ge [sflag:s30], $0x500  }
0x45: {  	[sflag:s30] =	ssyncset.done $0x0  }
0x46: {  	s1 =	sadd.s32 $0x19000, s1;
	[sflag:s30] =	ssyncadd.s32 $0xFFFFFB00  }
0x47: {  	[tilespmem:s11], [sflag:$0xA] =	stream.linear.gather [hbm4b:s1+s14], $0x500, $0x38;
	[tilespmem:$0x1FA00] =	vst v63  }
0x48: {  	_ =	swait.ge [sflag:s30], $0x500  }
0x49: {  	[sflag:s30] =	ssyncset.done $0x0  }
0x4a: {  	[sflag:s30] =	ssyncadd.s32 $0xFFFFFB00  }
0x4b: {  	[tilespmem:s3], [sflag:$0x1] =	stream.indirect.gather [hbm4b:s16+s0], $0x10, s31, s0, $0xb8;
	[tilespmem:$0x1FA00] =	vst v63  }
0x4c: {  	s23 =	simm.s32 $0x19080  }
0x4d: {  	[tilespmem:s5], [sflag:$0x2] =	stream.indirect.gather [hbm4b:s16+s0], $0x10, s23, s0, $0xb8;
	[tilespmem:$0x1FA00] =	vst v63  }
0x4e: {  	s25 =	simm.s32 $0x19100  }
0x4f: {  	[tilespmem:s7], [sflag:$0x3] =	stream.indirect.gather [hbm4b:s16+s0], $0x10, s25, s0, $0xb8;
	[tilespmem:$0x1FA00] =	vst v63  }
0x50: {  	s23 =	simm.s32 $0x19180  }
0x51: {  	[tilespmem:s9], [sflag:$0x4] =	stream.indirect.gather [hbm4b:s16+s0], $0x10, s23, s0, $0xb8;
	[tilespmem:$0x1FA00] =	vst v63  }
0x52: {  	_ =	swait.ge [sflag:s10], $0x800  }
0x53: {  	[sflag:s10] =	ssyncset.done $0x0  }
0x54: {  	s25 =	simm.s32 $0x0;
	[sflag:s10] =	ssyncadd.s32 $0xFFFFF800  }
0x55: {  	v1 =	vld [tilespmem:s25+$0x19A00];
	_ =	sdelay $0x4  }
0x56: {  	s23 =	simm.s32 $0x1CA10;
	v2 =	vshll.u32 v1, $0x10  }
0x57: {  	v1 =	vand.u32 $0xFFFF0000, v1;
	[tilespmem:s23+$0xFFFFFFF0] =	vst v2  }
0x58: {  	s1 =	simm.s32 $0x10;
	s25 =	simm.s32 $0x80;
	[tilespmem:s23+$0x0] =	vst v1  }
.LBB2_7:
0x59: {  	p0 =	sne.s32 s25, $0x1FC0;
	v1 =	vld [tilespmem:s1+$0x19A00];
	_ =	sdelay $0x2  }
.Ltmp2:
0x5a: {  	(pc) =	sbr.rel @p0 .LBB2_7-.Ltmp2, $4  }
0x5b: {  	_ = 	snop  }
0x5c: {  	s23 =	sadd.s32 $0x20, s23;
	v2 =	vshll.u32 v1, $0x10;
	v1 =	vand.u32 $0xFFFF0000, v1  }
0x5d: {  	[tilespmem:s23+$0xFFFFFFF0] =	vst v2  }
0x5e: {  	s1 =	sshra.s32 s25, $0x2;
	s25 =	sadd.s32 $0x40, s25;
	[tilespmem:s23+$0x0] =	vst v1  }
0x5f: {  	v1 =	vld [tilespmem:s1+$0x19A00];
	_ =	sdelay $0x4  }
0x60: {  	s25 =	sadd.s32 $0x20, s23;
	v2 =	vshll.u32 v1, $0x10  }
0x61: {  	v1 =	vand.u32 $0xFFFF0000, v1;
	[tilespmem:s25+$0xFFFFFFF0] =	vst v2  }
0x62: {  	[tilespmem:s25+$0x0] =	vst v1  }
0x63: {  	[spmem:s12] =	stream.indirect.scatter.add.f32 [tilespmem:s29], [sflag:$0x7], $0x20, s11, s0, $0xb8;
	[tilespmem:$0x1FA00] =	vst v63  }
0x64: {  	s23 =	simm.s32 $0x19200;
	s25 =	simm.s32 $0x1BA00  }
0x65: {  	[tilespmem:s25], [sflag:$0x5] =	stream.indirect.gather [hbm4b:s16+s0], $0x10, s23, s0, $0xb8;
	[tilespmem:$0x1FA00] =	vst v63  }
0x66: {  	_ =	swait.ge [sflag:s17], $0x800  }
0x67: {  	[sflag:s17] =	ssyncset.done $0x0  }
0x68: {  	s25 =	simm.s32 $0x0;
	[sflag:s17] =	ssyncadd.s32 $0xFFFFF800  }
0x69: {  	v1 =	vld [tilespmem:s25+$0x1A200];
	_ =	sdelay $0x4  }
0x6a: {  	s23 =	simm.s32 $0x1DA10;
	v2 =	vshll.u32 v1, $0x10  }
0x6b: {  	v1 =	vand.u32 $0xFFFF0000, v1;
	[tilespmem:s23+$0xFFFFFFF0] =	vst v2  }
0x6c: {  	s1 =	simm.s32 $0x10;
	s25 =	simm.s32 $0x80;
	[tilespmem:s23+$0x0] =	vst v1  }
.LBB2_9:
0x6d: {  	p0 =	sne.s32 s25, $0x1FC0;
	v1 =	vld [tilespmem:s1+$0x1A200];
	_ =	sdelay $0x2  }
.Ltmp3:
0x6e: {  	(pc) =	sbr.rel @p0 .LBB2_9-.Ltmp3, $4  }
0x6f: {  	_ = 	snop  }
0x70: {  	s23 =	sadd.s32 $0x20, s23;
	v2 =	vshll.u32 v1, $0x10;
	v1 =	vand.u32 $0xFFFF0000, v1  }
0x71: {  	[tilespmem:s23+$0xFFFFFFF0] =	vst v2  }
0x72: {  	s1 =	sshra.s32 s25, $0x2;
	s25 =	sadd.s32 $0x40, s25;
	[tilespmem:s23+$0x0] =	vst v1  }
0x73: {  	v1 =	vld [tilespmem:s1+$0x1A200];
	_ =	sdelay $0x4  }
0x74: {  	s23 =	sadd.s32 $0x20, s23;
	v2 =	vshll.u32 v1, $0x10  }
0x75: {  	v1 =	vand.u32 $0xFFFF0000, v1;
	[tilespmem:s23+$0xFFFFFFF0] =	vst v2  }
0x76: {  	s25 =	simm.s32 $0x19580;
	[tilespmem:s23+$0x0] =	vst v1  }
0x77: {  	[spmem:s12] =	stream.indirect.scatter.add.f32 [tilespmem:s19], [sflag:$0x8], $0x20, s25, s0, $0xb8;
	[tilespmem:$0x1FA00] =	vst v63  }
0x78: {  	s23 =	simm.s32 $0x19280;
	s25 =	simm.s32 $0x1C200  }
0x79: {  	[tilespmem:s25], [sflag:$0x6] =	stream.indirect.gather [hbm4b:s16+s0], $0x10, s23, s0, $0xb8;
	[tilespmem:$0x1FA00] =	vst v63  }
0x7a: {  	_ =	swait.ge [sflag:s22], $0x800  }
0x7b: {  	[sflag:s22] =	ssyncset.done $0x0  }
0x7c: {  	s25 =	simm.s32 $0x0;
	[sflag:s22] =	ssyncadd.s32 $0xFFFFF800  }
0x7d: {  	v1 =	vld [tilespmem:s25+$0x1AA00];
	_ =	sdelay $0x4  }
0x7e: {  	s23 =	simm.s32 $0x1EA10;
	v2 =	vshll.u32 v1, $0x10  }
0x7f: {  	v1 =	vand.u32 $0xFFFF0000, v1;
	[tilespmem:s23+$0xFFFFFFF0] =	vst v2  }
0x80: {  	s1 =	simm.s32 $0x10;
	s25 =	simm.s32 $0x80;
	[tilespmem:s23+$0x0] =	vst v1  }
.LBB2_11:
0x81: {  	p0 =	sne.s32 s25, $0x1FC0;
	v1 =	vld [tilespmem:s1+$0x1AA00];
	_ =	sdelay $0x2  }
.Ltmp4:
0x82: {  	(pc) =	sbr.rel @p0 .LBB2_11-.Ltmp4, $4  }
0x83: {  	_ = 	snop  }
0x84: {  	s23 =	sadd.s32 $0x20, s23;
	v2 =	vshll.u32 v1, $0x10;
	v1 =	vand.u32 $0xFFFF0000, v1  }
0x85: {  	[tilespmem:s23+$0xFFFFFFF0] =	vst v2  }
0x86: {  	s1 =	sshra.s32 s25, $0x2;
	s25 =	sadd.s32 $0x40, s25;
	[tilespmem:s23+$0x0] =	vst v1  }
0x87: {  	v1 =	vld [tilespmem:s1+$0x1AA00];
	_ =	sdelay $0x4  }
0x88: {  	s23 =	sadd.s32 $0x20, s23;
	v2 =	vshll.u32 v1, $0x10  }
0x89: {  	v1 =	vand.u32 $0xFFFF0000, v1;
	[tilespmem:s23+$0xFFFFFFF0] =	vst v2  }
0x8a: {  	s25 =	simm.s32 $0x19600;
	[tilespmem:s23+$0x0] =	vst v1  }
0x8b: {  	[spmem:s12] =	stream.indirect.scatter.add.f32 [tilespmem:s24], [sflag:$0x9], $0x20, s25, s0, $0xb8;
	[tilespmem:$0x1FA00] =	vst v63  }
0x8c: {  	s23 =	simm.s32 $0x19300  }
0x8d: {  	[tilespmem:s3], [sflag:$0x1] =	stream.indirect.gather [hbm4b:s16+s0], $0x10, s23, s0, $0xb8;
	[tilespmem:$0x1FA00] =	vst v63  }
0x8e: {  	_ =	swait.ge [sflag:s26], $0x800  }
0x8f: {  	[sflag:s26] =	ssyncset.done $0x0  }
0x90: {  	[sflag:s26] =	ssyncadd.s32 $0xFFFFF800  }
0x91: {  	_ =	swait.ge [sflag:s2], $0x1000  }
0x92: {  	[sflag:s2] =	ssyncset.done $0x0  }
0x93: {  	s25 =	simm.s32 $0x0;
	[sflag:s2] =	ssyncadd.s32 $0xFFFFF000  }
0x94: {  	v1 =	vld [tilespmem:s25+$0x1B200];
	_ =	sdelay $0x4  }
0x95: {  	s23 =	simm.s32 $0x1CA10;
	v2 =	vshll.u32 v1, $0x10  }
0x96: {  	v1 =	vand.u32 $0xFFFF0000, v1;
	[tilespmem:s23+$0xFFFFFFF0] =	vst v2  }
0x97: {  	s1 =	simm.s32 $0x10;
	s25 =	simm.s32 $0x80;
	[tilespmem:s23+$0x0] =	vst v1  }
.LBB2_13:
0x98: {  	p0 =	sne.s32 s25, $0x1FC0;
	v1 =	vld [tilespmem:s1+$0x1B200];
	_ =	sdelay $0x2  }
.Ltmp5:
0x99: {  	(pc) =	sbr.rel @p0 .LBB2_13-.Ltmp5, $4  }
0x9a: {  	_ = 	snop  }
0x9b: {  	s23 =	sadd.s32 $0x20, s23;
	v2 =	vshll.u32 v1, $0x10;
	v1 =	vand.u32 $0xFFFF0000, v1  }
0x9c: {  	[tilespmem:s23+$0xFFFFFFF0] =	vst v2  }
0x9d: {  	s1 =	sshra.s32 s25, $0x2;
	s25 =	sadd.s32 $0x40, s25;
	[tilespmem:s23+$0x0] =	vst v1  }
0x9e: {  	v1 =	vld [tilespmem:s1+$0x1B200];
	_ =	sdelay $0x4  }
0x9f: {  	s23 =	sadd.s32 $0x20, s23;
	v2 =	vshll.u32 v1, $0x10  }
0xa0: {  	v1 =	vand.u32 $0xFFFF0000, v1;
	[tilespmem:s23+$0xFFFFFFF0] =	vst v2  }
0xa1: {  	s25 =	simm.s32 $0x19680;
	[tilespmem:s23+$0x0] =	vst v1  }
0xa2: {  	[spmem:s12] =	stream.indirect.scatter.add.f32 [tilespmem:s29], [sflag:$0x7], $0x20, s25, s0, $0xb8;
	[tilespmem:$0x1FA00] =	vst v63  }
0xa3: {  	s23 =	simm.s32 $0x19380  }
0xa4: {  	[tilespmem:s5], [sflag:$0x2] =	stream.indirect.gather [hbm4b:s16+s0], $0x10, s23, s0, $0xb8;
	[tilespmem:$0x1FA00] =	vst v63  }
0xa5: {  	_ =	swait.ge [sflag:s6], $0x800  }
0xa6: {  	[sflag:s6] =	ssyncset.done $0x0  }
0xa7: {  	[sflag:s6] =	ssyncadd.s32 $0xFFFFF800  }
0xa8: {  	_ =	swait.ge [sflag:s8], $0x1000  }
0xa9: {  	[sflag:s8] =	ssyncset.done $0x0  }
0xaa: {  	s25 =	simm.s32 $0x0;
	[sflag:s8] =	ssyncadd.s32 $0xFFFFF000  }
0xab: {  	v1 =	vld [tilespmem:s25+$0x1BA00];
	_ =	sdelay $0x4  }
0xac: {  	s23 =	simm.s32 $0x1DA10;
	v2 =	vshll.u32 v1, $0x10  }
0xad: {  	v1 =	vand.u32 $0xFFFF0000, v1;
	[tilespmem:s23+$0xFFFFFFF0] =	vst v2  }
0xae: {  	s1 =	simm.s32 $0x10;
	s25 =	simm.s32 $0x80;
	[tilespmem:s23+$0x0] =	vst v1  }
.LBB2_15:
0xaf: {  	p0 =	sne.s32 s25, $0x1FC0;
	v1 =	vld [tilespmem:s1+$0x1BA00];
	_ =	sdelay $0x2  }
.Ltmp6:
0xb0: {  	(pc) =	sbr.rel @p0 .LBB2_15-.Ltmp6, $4  }
0xb1: {  	_ = 	snop  }
0xb2: {  	s23 =	sadd.s32 $0x20, s23;
	v2 =	vshll.u32 v1, $0x10;
	v1 =	vand.u32 $0xFFFF0000, v1  }
0xb3: {  	[tilespmem:s23+$0xFFFFFFF0] =	vst v2  }
0xb4: {  	s1 =	sshra.s32 s25, $0x2;
	s25 =	sadd.s32 $0x40, s25;
	[tilespmem:s23+$0x0] =	vst v1  }
0xb5: {  	v1 =	vld [tilespmem:s1+$0x1BA00];
	_ =	sdelay $0x4  }
0xb6: {  	s23 =	sadd.s32 $0x20, s23;
	v2 =	vshll.u32 v1, $0x10  }
0xb7: {  	v1 =	vand.u32 $0xFFFF0000, v1;
	[tilespmem:s23+$0xFFFFFFF0] =	vst v2  }
0xb8: {  	s25 =	simm.s32 $0x19700;
	[tilespmem:s23+$0x0] =	vst v1  }
0xb9: {  	[spmem:s12] =	stream.indirect.scatter.add.f32 [tilespmem:s19], [sflag:$0x8], $0x20, s25, s0, $0xb8;
	[tilespmem:$0x1FA00] =	vst v63  }
0xba: {  	s23 =	simm.s32 $0x19400  }
0xbb: {  	[tilespmem:s7], [sflag:$0x3] =	stream.indirect.gather [hbm4b:s16+s0], $0x10, s23, s0, $0xb8;
	[tilespmem:$0x1FA00] =	vst v63  }
0xbc: {  	_ =	swait.ge [sflag:s18], $0x800  }
0xbd: {  	[sflag:s18] =	ssyncset.done $0x0  }
0xbe: {  	[sflag:s18] =	ssyncadd.s32 $0xFFFFF800  }
0xbf: {  	_ =	swait.ge [sflag:s20], $0x1000  }
0xc0: {  	[sflag:s20] =	ssyncset.done $0x0  }
0xc1: {  	s25 =	simm.s32 $0x0;
	[sflag:s20] =	ssyncadd.s32 $0xFFFFF000  }
0xc2: {  	v1 =	vld [tilespmem:s25+$0x1C200];
	_ =	sdelay $0x4  }
0xc3: {  	s23 =	simm.s32 $0x1EA10;
	v2 =	vshll.u32 v1, $0x10  }
0xc4: {  	v1 =	vand.u32 $0xFFFF0000, v1;
	[tilespmem:s23+$0xFFFFFFF0] =	vst v2  }
0xc5: {  	s1 =	simm.s32 $0x10;
	s25 =	simm.s32 $0x80;
	[tilespmem:s23+$0x0] =	vst v1  }
.LBB2_17:
0xc6: {  	p0 =	sne.s32 s25, $0x1FC0;
	v1 =	vld [tilespmem:s1+$0x1C200];
	_ =	sdelay $0x2  }
.Ltmp7:
0xc7: {  	(pc) =	sbr.rel @p0 .LBB2_17-.Ltmp7, $4  }
0xc8: {  	_ = 	snop  }
0xc9: {  	s23 =	sadd.s32 $0x20, s23;
	v2 =	vshll.u32 v1, $0x10;
	v1 =	vand.u32 $0xFFFF0000, v1  }
0xca: {  	[tilespmem:s23+$0xFFFFFFF0] =	vst v2  }
0xcb: {  	s1 =	sshra.s32 s25, $0x2;
	s25 =	sadd.s32 $0x40, s25;
	[tilespmem:s23+$0x0] =	vst v1  }
0xcc: {  	v1 =	vld [tilespmem:s1+$0x1C200];
	_ =	sdelay $0x4  }
0xcd: {  	s23 =	sadd.s32 $0x20, s23;
	v2 =	vshll.u32 v1, $0x10  }
0xce: {  	v1 =	vand.u32 $0xFFFF0000, v1;
	[tilespmem:s23+$0xFFFFFFF0] =	vst v2  }
0xcf: {  	s25 =	simm.s32 $0x19780;
	[tilespmem:s23+$0x0] =	vst v1  }
0xd0: {  	[spmem:s12] =	stream.indirect.scatter.add.f32 [tilespmem:s24], [sflag:$0x9], $0x20, s25, s0, $0xb8;
	[tilespmem:$0x1FA00] =	vst v63  }
0xd1: {  	s23 =	simm.s32 $0x19480  }
0xd2: {  	[tilespmem:s9], [sflag:$0x4] =	stream.indirect.gather [hbm4b:s16+s0], $0x10, s23, s0, $0xb8;
	[tilespmem:$0x1FA00] =	vst v63  }
0xd3: {  	_ =	swait.ge [sflag:s10], $0x800  }
0xd4: {  	[sflag:s10] =	ssyncset.done $0x0  }
0xd5: {  	[sflag:s10] =	ssyncadd.s32 $0xFFFFF800  }
0xd6: {  	_ =	swait.ge [sflag:s2], $0x1000  }
0xd7: {  	[sflag:s2] =	ssyncset.done $0x0  }
0xd8: {  	s25 =	simm.s32 $0x0;
	[sflag:s2] =	ssyncadd.s32 $0xFFFFF000  }
0xd9: {  	v1 =	vld [tilespmem:s25+$0x19A00];
	_ =	sdelay $0x4  }
0xda: {  	s23 =	simm.s32 $0x1CA10;
	v2 =	vshll.u32 v1, $0x10  }
0xdb: {  	v1 =	vand.u32 $0xFFFF0000, v1;
	[tilespmem:s23+$0xFFFFFFF0] =	vst v2  }
0xdc: {  	s1 =	simm.s32 $0x10;
	s25 =	simm.s32 $0x80;
	[tilespmem:s23+$0x0] =	vst v1  }
.LBB2_19:
0xdd: {  	p0 =	sne.s32 s25, $0x1FC0;
	v1 =	vld [tilespmem:s1+$0x19A00];
	_ =	sdelay $0x2  }
.Ltmp8:
0xde: {  	(pc) =	sbr.rel @p0 .LBB2_19-.Ltmp8, $4  }
0xdf: {  	_ = 	snop  }
0xe0: {  	s23 =	sadd.s32 $0x20, s23;
	v2 =	vshll.u32 v1, $0x10;
	v1 =	vand.u32 $0xFFFF0000, v1  }
0xe1: {  	[tilespmem:s23+$0xFFFFFFF0] =	vst v2  }
0xe2: {  	s1 =	sshra.s32 s25, $0x2;
	s25 =	sadd.s32 $0x40, s25;
	[tilespmem:s23+$0x0] =	vst v1  }
0xe3: {  	v1 =	vld [tilespmem:s1+$0x19A00];
	_ =	sdelay $0x4  }
0xe4: {  	s25 =	sadd.s32 $0x20, s23;
	v2 =	vshll.u32 v1, $0x10  }
0xe5: {  	v1 =	vand.u32 $0xFFFF0000, v1;
	[tilespmem:s25+$0xFFFFFFF0] =	vst v2  }
0xe6: {  	s23 =	simm.s32 $0x19800;
	[tilespmem:s25+$0x0] =	vst v1  }
0xe7: {  	[spmem:s12] =	stream.indirect.scatter.add.f32 [tilespmem:s29], [sflag:$0x7], $0x20, s23, s0, $0xb8;
	[tilespmem:$0x1FA00] =	vst v63  }
0xe8: {  	_ =	swait.ge [sflag:s17], $0x800  }
0xe9: {  	[sflag:s17] =	ssyncset.done $0x0  }
0xea: {  	[sflag:s17] =	ssyncadd.s32 $0xFFFFF800  }
0xeb: {  	_ =	swait.ge [sflag:s8], $0x1000  }
0xec: {  	[sflag:s8] =	ssyncset.done $0x0  }
0xed: {  	s25 =	simm.s32 $0x0;
	[sflag:s8] =	ssyncadd.s32 $0xFFFFF000  }
0xee: {  	v1 =	vld [tilespmem:s25+$0x1A200];
	_ =	sdelay $0x4  }
0xef: {  	s23 =	simm.s32 $0x1DA10;
	v2 =	vshll.u32 v1, $0x10  }
0xf0: {  	v1 =	vand.u32 $0xFFFF0000, v1;
	[tilespmem:s23+$0xFFFFFFF0] =	vst v2  }
0xf1: {  	s1 =	simm.s32 $0x10;
	s25 =	simm.s32 $0x80;
	[tilespmem:s23+$0x0] =	vst v1  }
.LBB2_21:
0xf2: {  	p0 =	sne.s32 s25, $0x1FC0;
	v1 =	vld [tilespmem:s1+$0x1A200];
	_ =	sdelay $0x2  }
.Ltmp9:
0xf3: {  	(pc) =	sbr.rel @p0 .LBB2_21-.Ltmp9, $4  }
0xf4: {  	_ = 	snop  }
0xf5: {  	s23 =	sadd.s32 $0x20, s23;
	v2 =	vshll.u32 v1, $0x10;
	v1 =	vand.u32 $0xFFFF0000, v1  }
0xf6: {  	[tilespmem:s23+$0xFFFFFFF0] =	vst v2  }
0xf7: {  	s1 =	sshra.s32 s25, $0x2;
	s25 =	sadd.s32 $0x40, s25;
	[tilespmem:s23+$0x0] =	vst v1  }
0xf8: {  	v1 =	vld [tilespmem:s1+$0x1A200];
	_ =	sdelay $0x4  }
0xf9: {  	s25 =	sadd.s32 $0x20, s23;
	v2 =	vshll.u32 v1, $0x10  }
0xfa: {  	v1 =	vand.u32 $0xFFFF0000, v1;
	[tilespmem:s25+$0xFFFFFFF0] =	vst v2  }
0xfb: {  	s23 =	simm.s32 $0x19880;
	[tilespmem:s25+$0x0] =	vst v1  }
0xfc: {  	[spmem:s12] =	stream.indirect.scatter.add.f32 [tilespmem:s19], [sflag:$0x8], $0x20, s23, s0, $0xb8;
	[tilespmem:$0x1FA00] =	vst v63  }
0xfd: {  	_ =	swait.ge [sflag:s22], $0x800  }
0xfe: {  	[sflag:s22] =	ssyncset.done $0x0  }
0xff: {  	[sflag:s22] =	ssyncadd.s32 $0xFFFFF800  }
0x100: {  	_ =	swait.ge [sflag:s20], $0x1000  }
0x101: {  	[sflag:s20] =	ssyncset.done $0x0  }
0x102: {  	s25 =	simm.s32 $0x0;
	[sflag:s20] =	ssyncadd.s32 $0xFFFFF000  }
0x103: {  	v1 =	vld [tilespmem:s25+$0x1AA00];
	_ =	sdelay $0x4  }
0x104: {  	s23 =	simm.s32 $0x1EA10;
	v2 =	vshll.u32 v1, $0x10  }
0x105: {  	v1 =	vand.u32 $0xFFFF0000, v1;
	[tilespmem:s23+$0xFFFFFFF0] =	vst v2  }
0x106: {  	s1 =	simm.s32 $0x10;
	s25 =	simm.s32 $0x80;
	[tilespmem:s23+$0x0] =	vst v1  }
.LBB2_23:
0x107: {  	p0 =	sne.s32 s25, $0x1FC0;
	v1 =	vld [tilespmem:s1+$0x1AA00];
	_ =	sdelay $0x2  }
.Ltmp10:
0x108: {  	(pc) =	sbr.rel @p0 .LBB2_23-.Ltmp10, $4  }
0x109: {  	_ = 	snop  }
0x10a: {  	s23 =	sadd.s32 $0x20, s23;
	v2 =	vshll.u32 v1, $0x10;
	v1 =	vand.u32 $0xFFFF0000, v1  }
0x10b: {  	[tilespmem:s23+$0xFFFFFFF0] =	vst v2  }
0x10c: {  	s1 =	sshra.s32 s25, $0x2;
	s25 =	sadd.s32 $0x40, s25;
	[tilespmem:s23+$0x0] =	vst v1  }
0x10d: {  	v1 =	vld [tilespmem:s1+$0x1AA00];
	_ =	sdelay $0x4  }
0x10e: {  	s23 =	sadd.s32 $0x20, s23;
	v2 =	vshll.u32 v1, $0x10  }
0x10f: {  	v1 =	vand.u32 $0xFFFF0000, v1;
	[tilespmem:s23+$0xFFFFFFF0] =	vst v2  }
0x110: {  	[tilespmem:s23+$0x0] =	vst v1  }
0x111: {  	[spmem:s12] =	stream.indirect.scatter.add.f32 [tilespmem:s24], [sflag:$0x9], $0x20, s4, s0, $0xb8;
	[tilespmem:$0x1FA00] =	vst v63  }
0x112: {  	_ =	swait.ge [sflag:s26], $0x800  }
0x113: {  	[sflag:s26] =	ssyncset.done $0x0  }
0x114: {  	[sflag:s26] =	ssyncadd.s32 $0xFFFFF800  }
0x115: {  	_ =	swait.ge [sflag:s2], $0x1000  }
0x116: {  	[sflag:s2] =	ssyncset.done $0x0  }
0x117: {  	s25 =	simm.s32 $0x0;
	[sflag:s2] =	ssyncadd.s32 $0xFFFFF000  }
0x118: {  	v1 =	vld [tilespmem:s25+$0x1B200];
	_ =	sdelay $0x4  }
0x119: {  	s23 =	simm.s32 $0x1CA10;
	v2 =	vshll.u32 v1, $0x10  }
0x11a: {  	v1 =	vand.u32 $0xFFFF0000, v1;
	[tilespmem:s23+$0xFFFFFFF0] =	vst v2  }
0x11b: {  	s1 =	simm.s32 $0x10;
	s25 =	simm.s32 $0x80;
	[tilespmem:s23+$0x0] =	vst v1  }
.LBB2_25:
0x11c: {  	p0 =	sne.s32 s25, $0x1FC0;
	v1 =	vld [tilespmem:s1+$0x1B200];
	_ =	sdelay $0x2  }
.Ltmp11:
0x11d: {  	(pc) =	sbr.rel @p0 .LBB2_25-.Ltmp11, $4  }
0x11e: {  	_ = 	snop  }
0x11f: {  	s23 =	sadd.s32 $0x20, s23;
	v2 =	vshll.u32 v1, $0x10;
	v1 =	vand.u32 $0xFFFF0000, v1  }
0x120: {  	[tilespmem:s23+$0xFFFFFFF0] =	vst v2  }
0x121: {  	s1 =	sshra.s32 s25, $0x2;
	s25 =	sadd.s32 $0x40, s25;
	[tilespmem:s23+$0x0] =	vst v1  }
0x122: {  	v1 =	vld [tilespmem:s1+$0x1B200];
	_ =	sdelay $0x4  }
0x123: {  	s25 =	sadd.s32 $0x20, s23;
	v2 =	vshll.u32 v1, $0x10  }
0x124: {  	v1 =	vand.u32 $0xFFFF0000, v1;
	[tilespmem:s25+$0xFFFFFFF0] =	vst v2  }
0x125: {  	[tilespmem:s25+$0x0] =	vst v1  }
0x126: {  	[spmem:s12] =	stream.indirect.scatter.add.f32 [tilespmem:s29], [sflag:$0x7], $0x20, s13, s0, $0xb8;
	[tilespmem:$0x1FA00] =	vst v63  }
0x127: {  	_ =	swait.ge [sflag:s8], $0x1000  }
0x128: {  	[sflag:s8] =	ssyncset.done $0x0  }
0x129: {  	s21 =	sadd.s32 $0x1, s21;
	[sflag:s8] =	ssyncadd.s32 $0xFFFFF000  }
0x12a: {  	p0 =	sne.s32 s21, $0x28;
	_ =	swait.ge [sflag:s20], $0x1000  }
.Ltmp12:
0x12b: {  	[sflag:s20] =	ssyncset.done $0x0;
	(pc) =	sbr.rel @p0 .LBB2_6-.Ltmp12, $4  }
0x12c: {  	[sflag:s20] =	ssyncadd.s32 $0xFFFFF000  }
0x12d: {  	_ =	swait.ge [sflag:s2], $0x1000  }
0x12e: {  	[sflag:s2] =	ssyncset.done $0x0  }
0x12f: {  	[sflag:s2] =	ssyncadd.s32 $0xFFFFF000  }
0x130: {  	s1 =	stileid.u32  }
0x131: {  	[bflag:$0x0] =	sbarrier.arrive $0xFFFF;
	s14 =	sshrl.u32 s15, $0x3;
	s1 =	sshll.u32 s1, $0x6  }
0x132: {  	s23 =	simm.s32 $0x10;
	s21 =	rddreg [dreg:$0x5];
	s1 =	sor.u32 $0x1C0A, s1  }
0x133: {  	[hbm:s21@s23], [sflag:s1] =	dma.strided [spmem:s14@s26], $0x500, s10, $0x4   }
0x134: {  	_ =	swait.ge [sflag:s30], $0x500  }
0x135: {  	[sflag:s30] =	ssyncset.done $0x0;
	s21 =	rddreg [dreg:$0x6]  }
0x136: {  	s25 =	rddreg [dreg:$0x10];
	[sflag:s30] =	ssyncadd.s32 $0xFFFFFB00  }
0x137: {  	[hbm:s21@s23], [sflag:s1] =	dma.strided [spmem:s25@s26], $0x500, s10, $0x4   }
0x138: {  	_ =	swait.ge [sflag:s30], $0x500  }
0x139: {  	[sflag:s30] =	ssyncset.done $0x0;
	s21 =	rddreg [dreg:$0x7]  }
0x13a: {  	s25 =	rddreg [dreg:$0x11];
	[sflag:s30] =	ssyncadd.s32 $0xFFFFFB00  }
0x13b: {  	[hbm:s21@s23], [sflag:s1] =	dma.strided [spmem:s25@s26], $0x500, s10, $0x4   }
0x13c: {  	_ =	swait.ge [sflag:s30], $0x500  }
0x13d: {  	[sflag:s30] =	ssyncset.done $0x0;
	s21 =	rddreg [dreg:$0x8]  }
0x13e: {  	s25 =	rddreg [dreg:$0x12];
	[sflag:s30] =	ssyncadd.s32 $0xFFFFFB00  }
0x13f: {  	[hbm:s21@s23], [sflag:s1] =	dma.strided [spmem:s25@s26], $0x500, s10, $0x4   }
0x140: {  	_ =	swait.ge [sflag:s30], $0x500  }
0x141: {  	[sflag:s30] =	ssyncset.done $0x0;
	s21 =	rddreg [dreg:$0x9]  }
0x142: {  	s25 =	rddreg [dreg:$0x13];
	[sflag:s30] =	ssyncadd.s32 $0xFFFFFB00  }
0x143: {  	[hbm:s21@s23], [sflag:s1] =	dma.strided [spmem:s25@s26], $0x500, s10, $0x4   }
0x144: {  	_ =	swait.ge [sflag:s30], $0x500  }
0x145: {  	[sflag:s30] =	ssyncset.done $0x0;
	s21 =	rddreg [dreg:$0xa]  }
0x146: {  	s25 =	rddreg [dreg:$0x14];
	[sflag:s30] =	ssyncadd.s32 $0xFFFFFB00  }
0x147: {  	[hbm:s21@s23], [sflag:s1] =	dma.strided [spmem:s25@s26], $0x500, s10, $0x4   }
0x148: {  	_ =	swait.ge [sflag:s30], $0x500  }
0x149: {  	[sflag:s30] =	ssyncset.done $0x0;
	s21 =	rddreg [dreg:$0xb]  }
0x14a: {  	s25 =	rddreg [dreg:$0x15];
	[sflag:s30] =	ssyncadd.s32 $0xFFFFFB00  }
0x14b: {  	[hbm:s21@s23], [sflag:s1] =	dma.strided [spmem:s25@s26], $0x500, s10, $0x4   }
0x14c: {  	_ =	swait.ge [sflag:s30], $0x500  }
0x14d: {  	[sflag:s30] =	ssyncset.done $0x0;
	s21 =	rddreg [dreg:$0xc]  }
0x14e: {  	s25 =	rddreg [dreg:$0x16];
	[sflag:s30] =	ssyncadd.s32 $0xFFFFFB00  }
0x14f: {  	[hbm:s21@s23], [sflag:s1] =	dma.strided [spmem:s25@s26], $0x500, s10, $0x4   }
0x150: {  	_ =	swait.ge [sflag:s30], $0x500  }
0x151: {  	[sflag:s30] =	ssyncset.done $0x0;
	s21 =	rddreg [dreg:$0xd]  }
0x152: {  	s25 =	rddreg [dreg:$0x17];
	[sflag:s30] =	ssyncadd.s32 $0xFFFFFB00  }
0x153: {  	[hbm:s21@s23], [sflag:s1] =	dma.strided [spmem:s25@s26], $0x500, s10, $0x4   }
0x154: {  	_ =	swait.ge [sflag:s30], $0x500  }
0x155: {  	[sflag:s30] =	ssyncset.done $0x0;
	s21 =	rddreg [dreg:$0xe]  }
0x156: {  	s25 =	rddreg [dreg:$0x18];
	[sflag:s30] =	ssyncadd.s32 $0xFFFFFB00  }
0x157: {  	[hbm:s21@s23], [sflag:s1] =	dma.strided [spmem:s25@s26], $0x500, s10, $0x4   }
0x158: {  	_ =	swait.ge [sflag:s30], $0x500  }
0x159: {  	s23 =	rddreg [dreg:$0x4]  }
0x15a: {  	s25 =	rddreg [dreg:$0xf];
	s21 =	sadd.s32 $0x1, s23  }
0x15b: {  	p0 =	sne.s32 s21, s25  }
.Ltmp13:
0x15c: {  	_ = 	snop;
	(pc) =	sbr.rel @p0 .LBB2_1-.Ltmp13, $3  }
0x15d: {  	_ =	sdelay $0x1  }
0x15e: {  	[sflag:s30] =	ssyncset.done $0x0  }
0x15f: {  	[sflag:s30] =	ssyncadd.s32 $0xFFFFFB00  }
0x160: {  	_ =	sfence.sel $0x180000  }
0x161: {  	[bflag:$0x0] =	sbarrier.arrive $0xFFFF  }
0x162: {  	_ =	strace $0x9000004A  }
0x163: {  	s0 =	stileid.u32;
	[bflag:$0x2] =	sbarrier.arrive $0xFFFF  }
0x164: {  	p0 =	sne.s32 s0, $0x0;
	s0 =	rddreg [dreg:$0x3]  }
0x165: {  	s0 =	sadd.s32 @!p0 $0x100000, s0  }
0x166: {  	[sflag:s0] =	ssyncadd.tile.s32 @!p0 $0x1;
	_ =	shalt  }
.Lfunc_end2:
_tile_overlayer_lowered:
.L_overlay_start_2:
0x167: {  	(tag) =	ssettag $0x2  }
0x168: {  	s0 =	rddreg [dreg:$0x0];
	s2 =	stileid.u32  }
0x169: {  	s1 =	rddreg [dreg:$0x1];
	p0 =	sne.s32 s2, $0x0  }
0x16a: {  	s3 =	rddreg [dreg:$0x2];
	[bflag:$0x3] =	sbarrier.arrive $0xFFFF;
	s2 =	simm.s32 @!p0 $0x1C0A  }
0x16b: {  	[timem:s3], [sflag:s2] =	dma.local @!p0 [hbm:s0], s1  }
0x16c: {  	s0 =	simm.s32 @!p0 $0xA  }
0x16d: {  	_ =	swait.ge @!p0 [sflag:s0], s1  }
0x16e: {  	s1 =	ssub.s32 @!p0 $0x0, s1;
	[sflag:s0] =	ssyncset.done @!p0 $0x0  }
0x16f: {  	[sflag:s0] =	ssyncadd.s32 @!p0 s1  }
0x170: {  	[bflag:$0x3] =	sbarrier.arrive $0xFFFF  }
0x171: {  	_ =	shalt  }

// kernel: kernel.7.cloned.1.call-start
scs
__scs_entry_jumppad:
0x0: {  	(pc) =	sbr.rel $0x88, $3  }
0x1: {  	(tag) =	ssettag $0x0;
	lr =	simm.s32 $0x1  }
0x2: {  	[smem:$0x3F9D] =	sst lr;
	_ =	strace $0xD0000000  }
0x3: {  	_ = 	snop  }
0x4: {  	_ = 	snop  }
0x5: {  	_ = 	snop  }
0x6: {  	_ = 	snop  }
0x7: {  	_ = 	snop  }
__scs_overlays_trampoline_lowered:
0x8: {  	[smem:$0x3FAC] =	sst s0  }
0x9: {  	[smem:$0x3FAD] =	sst s1  }
0xa: {  	[smem:$0x3FAE] =	sst s2  }
0xb: {  	[smem:$0x3FAF] =	sst s3  }
0xc: {  	[smem:$0x3FB0] =	sst s4  }
0xd: {  	[smem:$0x3FB1] =	sst s5  }
0xe: {  	[smem:$0x3FB2] =	sst s6  }
0xf: {  	[smem:$0x3FB3] =	sst s7  }
0x10: {  	[smem:$0x3FB4] =	sst s8  }
0x11: {  	[smem:$0x3FB5] =	sst s9;
	s0 =	simm.s32 @!p0 $0x0  }
0x12: {  	s1 =	sld [smem:$0x3F9B];
	s0 =	simm.s32 @p0 $0x1  }
0x13: {  	[smem:$0x3FB6] =	sst s0;
	s0 =	simm.s32 @!p1 $0x0  }
0x14: {  	s2 =	sld [smem:$0x3F9A];
	s0 =	simm.s32 @p1 $0x1  }
0x15: {  	[smem:$0x3FB7] =	sst s0;
	s0 =	simm.s32 @!p2 $0x0  }
0x16: {  	s3 =	sld [smem:$0x3FDB];
	s0 =	simm.s32 @p2 $0x1  }
0x17: {  	s4 =	simm.s32 $0x1BF5;
	[smem:$0x3FB9] =	sst s0  }
0x18: {  	s0 =	sld [smem:$0x3F9C];
	_ =	swait.ge [sflag:s4], $0x0  }
0x19: {  	s7 =	sld [smem:$0x3F9D]  }
0x1a: {  	s8 =	sadd.s32 $0xFFFFE003, lr  }
0x1b: {  	s9 =	sadd.s32 $0xFFFFFEF7, lr;
	s5 =	simm.s32 $0xFFFFFFFF;
	p2 =	slt.u32 s8, $0xFFFFF086  }
0x1c: {  	p1 =	slt.u32 s9, $0xF7A;
	s5 =	simm.s32 @!p2 $0x0  }
0x1d: {  	s5 =	simm.s32 @p1 $0x1;
	p0 =	seq.s32 s7, s2  }
0x1e: {  	s7 =	smul.u32 @!p0 $0xF7A, s2;
	p2 =	seq.s32 @!p0 s5, $0x0  }
0x1f: {  	s9 =	smul.u32 $0xF7A, s1;
	s8 =	simm.s32 @!p0 $0x1BF5;
	p2 =	por !p2, p0  }
0x20: {  	[sflag:s8] =	ssyncset.s32 @!p0 $0xFFFFF086;
	s6 =	sadd.s32 @!p0 s3, s7;
	s7 =	simm.s32 @!p0 $0x108  }
0x21: {  	s3 =	sadd.s32 s3, s9;
	s6 =	sadd.s32 @!p0 $0x88, s6;
	s7 =	simm.s32 @p2 $0x1082  }
0x22: {  	[simem:s7], [sflag:s8] =	dma.local @!p0 [hbm:s6], $0xF7A  }
0x23: {  	s9 =	sor.u32 $0xD0000000, s2;
	s6 =	simm.s32 $0x108;
	_ =	swait.ge @!p0 [sflag:s8], $0x0  }
0x24: {  	s3 =	sadd.s32 $0x88, s3;
	s6 =	simm.s32 @!p1 $0x1082;
	[sflag:s4] =	ssyncset.s32 $0xFFFFF086  }
0x25: {  	[simem:s6], [sflag:s4] =	dma.local [hbm:s3], $0xF7A  }
0x26: {  	[smem:$0x3F9D] =	sst s1;
	(tag) =	ssettag s2;
	_ =	strace s9  }
0x27: {  	s1 =	sld [smem:$0x3FAD]  }
0x28: {  	s2 =	sld [smem:$0x3FAE]  }
0x29: {  	s4 =	sld [smem:$0x3FB0]  }
0x2a: {  	p0 =	seq.s32 s5, $0x0;
	s5 =	sld [smem:$0x3FB1]  }
0x2b: {  	s6 =	sld [smem:$0x3FB2]  }
0x2c: {  	s7 =	sld [smem:$0x3FB3]  }
0x2d: {  	s3 =	simm.s32 $0x108;
	s8 =	sld [smem:$0x3FB4]  }
0x2e: {  	s3 =	simm.s32 @!p0 $0x1082;
	s9 =	sld [smem:$0x3FB5]  }
0x2f: {  	lr =	sadd.s32 s0, s3;
	s0 =	sld [smem:$0x3FAC]  }
0x30: {  	s3 =	sld [smem:$0x3FAF]  }
0x31: {  	[smem:$0x3FB8] =	sst s10  }
0x32: {  	s10 =	sld [smem:$0x3FB6];
	_ =	sdelay $0x3  }
0x33: {  	p0 =	seq.s32 s10, $0x1;
	s10 =	sld [smem:$0x3FB8];
	_ =	sdelay $0x3  }
0x34: {  	[smem:$0x3FB8] =	sst s10  }
0x35: {  	s10 =	sld [smem:$0x3FB7];
	_ =	sdelay $0x3  }
0x36: {  	p1 =	seq.s32 s10, $0x1;
	s10 =	sld [smem:$0x3FB8];
	_ =	sdelay $0x3  }
0x37: {  	[smem:$0x3FB8] =	sst s10  }
0x38: {  	s10 =	sld [smem:$0x3FB9]  }
0x39: {  	_ = 	snop;
	(pc) =	sbr.ind lr, $3  }
0x3a: {  	_ = 	snop  }
0x3b: {  	_ = 	snop  }
0x3c: {  	p2 =	seq.s32 s10, $0x1;
	s10 =	sld [smem:$0x3FB8]  }
0x3d: {  	_ =	shalt  }
0x3e: {  	_ =	shalt  }
0x3f: {  	_ =	shalt  }
0x40: {  	_ =	shalt  }
0x41: {  	_ =	shalt  }
0x42: {  	_ =	shalt  }
0x43: {  	_ =	shalt  }
0x44: {  	_ =	shalt  }
0x45: {  	_ =	shalt  }
0x46: {  	_ =	shalt  }
0x47: {  	_ =	shalt  }
0x48: {  	_ =	shalt  }
0x49: {  	_ =	shalt  }
0x4a: {  	_ =	shalt  }
0x4b: {  	_ =	shalt  }
0x4c: {  	_ =	shalt  }
0x4d: {  	_ =	shalt  }
0x4e: {  	_ =	shalt  }
0x4f: {  	_ =	shalt  }
0x50: {  	_ =	shalt  }
0x51: {  	_ =	shalt  }
0x52: {  	_ =	shalt  }
0x53: {  	_ =	shalt  }
0x54: {  	_ =	shalt  }
0x55: {  	_ =	shalt  }
0x56: {  	_ =	shalt  }
0x57: {  	_ =	shalt  }
0x58: {  	_ =	shalt  }
0x59: {  	_ =	shalt  }
0x5a: {  	_ =	shalt  }
0x5b: {  	_ =	shalt  }
0x5c: {  	_ =	shalt  }
0x5d: {  	_ =	shalt  }
0x5e: {  	_ =	shalt  }
0x5f: {  	_ =	shalt  }
0x60: {  	_ =	shalt  }
0x61: {  	_ =	shalt  }
0x62: {  	_ =	shalt  }
0x63: {  	_ =	shalt  }
0x64: {  	_ =	shalt  }
0x65: {  	_ =	shalt  }
0x66: {  	_ =	shalt  }
0x67: {  	_ =	shalt  }
0x68: {  	_ =	shalt  }
0x69: {  	_ =	shalt  }
0x6a: {  	_ =	shalt  }
0x6b: {  	_ =	shalt  }
0x6c: {  	_ =	shalt  }
0x6d: {  	_ =	shalt  }
0x6e: {  	_ =	shalt  }
0x6f: {  	_ =	shalt  }
0x70: {  	_ =	shalt  }
0x71: {  	_ =	shalt  }
0x72: {  	_ =	shalt  }
0x73: {  	_ =	shalt  }
0x74: {  	_ =	shalt  }
0x75: {  	_ =	shalt  }
0x76: {  	_ =	shalt  }
0x77: {  	_ =	shalt  }
0x78: {  	_ =	shalt  }
0x79: {  	_ =	shalt  }
0x7a: {  	_ =	shalt  }
0x7b: {  	_ =	shalt  }
0x7c: {  	_ =	shalt  }
0x7d: {  	_ =	shalt  }
0x7e: {  	_ =	shalt  }
0x7f: {  	_ =	shalt  }
0x80: {  	_ =	shalt  }
0x81: {  	_ =	shalt  }
0x82: {  	_ =	shalt  }
0x83: {  	_ =	shalt  }
0x84: {  	_ =	shalt  }
0x85: {  	_ =	shalt  }
0x86: {  	_ =	shalt  }
0x87: {  	_ =	shalt  }
.Lfunc_end0:
.L_simem_size_0:
called_computation_lowered:
.L_overlay_start_0:
0x88: {  	s2 =	sld [smem:$0x3FD9]  }
0x89: {  	s3 =	sld [smem:$0x3FFE];
	_ =	sdelay $0x1  }
0x8a: {  	s1 =	srdreg.scid  }
0x8b: {  	s0 =	sand.u32 $0x1, s1  }
0x8c: {  	s17 =	sshll.u32 s0, $0xA;
	s2 =	sadd.s32 s3, s2  }
0x8d: {  	s2 =	sadd.s32 s2, s17  }
0x8e: {  	[smem:$0x3FC4] =	sst s2  }
0x8f: {  	_ = 	snop  }
0x90: {  	s2 =	sld [smem:$0x3FD0];
	(tm) =	ssettm $0x1  }
0x91: {  	s18 =	sld [smem:$0x3FFB];
	_ =	sdelay $0x3  }
0x92: {  	_ =	strace s18  }
0x93: {  	s3 =	sld [smem:$0x3FFC];
	_ =	sdelay $0x3  }
0x94: {  	_ =	strace s3  }
0x95: {  	s3 =	sld [smem:$0x3FFD];
	_ =	sdelay $0x3  }
0x96: {  	_ =	strace s3  }
0x97: {  	_ =	strace $0x8FFFFFFF  }
0x98: {  	s19 =	sld [smem:$0x3FDB];
	_ =	sdelay $0x1  }
0x99: {  	s4 =	simm.s32 $_scs_section_size  }
0x9a: {  	s5 =	simm.s32 $_size__tile_overlayer_lowered;
	s6 =	simm.s32 $_tile_overlayer_lowered  }
0x9b: {  	s22 =	simm.s32 $0x1BFF;
	s21 =	sshll.u32 s6, $0x1;
	s3 =	sadd.s32 s4, s19  }
0x9c: {  	s7 =	simm.s32 $0x0;
	s20 =	sshll.u32 s5, $0x1;
	s5 =	sadd.s32 s21, s3  }
0x9d: {  	[timem:s7], [sflag:s22] =	dma.local [hbm:s5], s20  }
0x9e: {  	_ =	swait.ge [sflag:s22], s20  }
0x9f: {  	s4 =	ssub.s32 $0x0, s20;
	[sflag:s22] =	ssyncset.done $0x0  }
0xa0: {  	[sflag:s22] =	ssyncadd.s32 s4;
	_ =	sdelay $0x1  }
0xa1: {  	s23 =	simm.s32 $0x1B8B  }
0xa2: {  	_ =	swait.ge [sflag:s23], $0x1  }
0xa3: {  	[sflag:s23] =	ssyncset.done $0x0  }
0xa4: {  	s25 =	simm.s32 $0x1B8E;
	s24 =	sld [smem:$0x3FFE];
	[sflag:s23] =	ssyncadd.s32 $0xFFFFFFFF  }
0xa5: {  	s26 =	simm.s32 $execute0_lowered;
	[smem:$0x3FD2] =	sst s25  }
0xa6: {  	s5 =	sshll.u32 s26, $0x1;
	_ =	strace $0x80000046;
	[dreg:$0x1] =	wrdreg $0xFFFFFFFF  }
0xa7: {  	s28 =	simm.s32 $_size_execute0_lowered;
	s3 =	sadd.s32 s3, s5;
	[dreg:$0x0] =	wrdreg $0x0  }
0xa8: {  	s5 =	sshll.u32 s28, $0x1;
	[dreg:$0x2] =	wrdreg s3  }
0xa9: {  	[dreg:$0x3] =	wrdreg s5  }
0xaa: {  	[dreg:$0x4] =	wrdreg $0xC0  }
0xab: {  	_ =	task [dreg:s7], $0x5FFFF  }
0xac: {  	[dreg:$0x1] =	wrdreg $0xFFFFFFFF  }
0xad: {  	[dreg:$0x0] =	wrdreg $0x60  }
0xae: {  	[dreg:$0x2] =	wrdreg s2  }
0xaf: {  	[dreg:$0x3] =	wrdreg s24  }
0xb0: {  	[dreg:$0x4] =	wrdreg $0x0  }
0xb1: {  	[dreg:$0x5] =	wrdreg $0x9  }
0xb2: {  	_ =	task.clear_ibuf [dreg:s7], $0x6FFFF;
	_ =	strace $0x90000046  }
0xb3: {  	s29 =	simm.s32 $0x9;
	_ =	strace $0x80000048  }
0xb4: {  	_ =	swait.ge [sflag:s29], $0x1  }
0xb5: {  	[sflag:s29] =	ssyncadd.s32 $0xFFFFFFFF  }
0xb6: {  	_ =	strace $0x90000048  }
0xb7: {  	_ =	sfence  }
0xb8: {  	s30 =	sld [smem:$0x0];
	_ =	sdelay $0x2  }
0xb9: {  	s31 =	sshll.u32 s1, $0xD;
	s1 =	sshrl.u32 s1, $0x2  }
0xba: {  	s3 =	sand.u32 $0x4000, s31;
	s1 =	sadd.s32 s1, s30  }
0xbb: {  	s0 =	sor.u32 s3, s0;
	s1 =	sshll.u32 s1, $0x11  }
0xbc: {  	s0 =	sor.u32 s1, s0  }
0xbd: {  	s0 =	sadd.s32 $0x8F2B, s0  }
0xbe: {  	[sflag:s0] =	ssyncadd.remote.s32 $0x1  }
0xbf: {  	_ =	sfence.sel $0xFFFF  }
0xc0: {  	[dreg:$0x0] =	wrdreg $0xFFFFFFFF;
	(pc) =	sbr.abs _section_cstart, $3  }
0xc1: {  	[dreg:$0x1] =	wrdreg $0xFFFFFFFF  }
0xc2: {  	_ =	task.clear_ibuf [dreg:s7], $0x2FFFF;
	_ =	strace $0x9FFFFFFF  }
0xc3: {  	(tm) =	ssettm $0x7FFFFFFF  }
tec
execute0_lowered:
.L_overlay_start_1:
0x0: {  	(tag) =	ssettag $0x1  }
0x1: {  	s0 =	srdreg.scid;
	s4 =	rddreg [dreg:$0x0]  }
0x2: {  	s8 =	stileid.u32;
	s5 =	rddreg [dreg:$0x1]  }
0x3: {  	s1 =	simm.s32 $0x0;
	s28 =	simm.s32 $0xD500;
	s29 =	simm.s32 $0x2  }
0x4: {  	s30 =	simm.s32 $0xC800;
	s2 =	sand.u32 $0x1, s0;
	s0 =	smul.u32 $0xC800, s8  }
0x5: {  	s31 =	simm.s32 $0x80;
	s3 =	smul.u32 $0xC8000, s2;
	s2 =	ssub.s32 $0x2, s2  }
0x6: {  	[smem:$0x7FF] =	sst s1;
	s5 =	sadd.s32 $0x1E00, s5;
	s6 =	sshrl.u32 s2, $0x1  }
0x7: {  	s9 =	sadd.s32 $0x2800, s0;
	s10 =	sadd.s32 $0x3C00, s0;
	s11 =	sadd.s32 $0x5000, s0  }
0x8: {  	s12 =	sadd.s32 $0x6400, s0;
	s15 =	sadd.s32 $0x7800, s0;
	s16 =	sadd.s32 $0x8C00, s0  }
0x9: {  	s24 =	sadd.s32 $0xA000, s0;
	s25 =	sadd.s32 $0xB400, s0;
	s7 =	sadd.s32 s3, s0  }
0xa: {  	s2 =	ssub.s32 s2, s6;
	s14 =	sadd.s32 s3, s9;
	s17 =	sadd.s32 s3, s10  }
0xb: {  	s21 =	sadd.s32 s3, s11;
	s22 =	sadd.s32 s3, s12;
	s23 =	sadd.s32 s3, s15  }
0xc: {  	s18 =	sadd.s32 s3, s24;
	s6 =	sshrl.u32 s7, $0x3;
	s7 =	smul.u32 $0x32000, s8  }
0xd: {  	s8 =	sadd.s32 $0x1400, s0;
	s14 =	sshrl.u32 s14, $0x3;
	s20 =	sshrl.u32 s17, $0x3  }
0xe: {  	s17 =	sadd.s32 s3, s16;
	s2 =	smax.u32 s2, $0x1;
	s13 =	sadd.s32 s3, s8  }
0xf: {  	s19 =	sadd.s32 s5, s14;
	s14 =	sshrl.u32 s22, $0x3;
	s3 =	sadd.s32 s3, s25  }
0x10: {  	s13 =	sshrl.u32 s13, $0x3;
	[dreg:$0x5] =	wrdreg s19;
	s26 =	sadd.s32 s5, s14  }
0x11: {  	s3 =	sshrl.u32 s3, $0x3;
	s13 =	sadd.s32 s5, s13;
	[dreg:$0x8] =	wrdreg s26  }
0x12: {  	s14 =	sshrl.u32 s23, $0x3;
	s3 =	sadd.s32 s5, s3;
	[dreg:$0x4] =	wrdreg s13  }
0x13: {  	s13 =	sadd.s32 s5, s20;
	[dreg:$0xc] =	wrdreg s3;
	s20 =	sadd.s32 s5, s6  }
0x14: {  	s3 =	simm.s32 $0xC980;
	[dreg:$0x6] =	wrdreg s13;
	s13 =	sshrl.u32 s21, $0x3  }
0x15: {  	[dreg:$0xd] =	wrdreg s20;
	s21 =	sshrl.u32 s7, $0x2;
	s13 =	sadd.s32 s5, s13  }
0x16: {  	[dreg:$0x7] =	wrdreg s13;
	s13 =	sadd.s32 s5, s14;
	s14 =	sshrl.u32 s18, $0x3  }
0x17: {  	[dreg:$0x9] =	wrdreg s13;
	s13 =	sshrl.u32 s17, $0x3;
	s19 =	sadd.s32 s5, s14  }
0x18: {  	s7 =	simm.s32 $0xCB80;
	s13 =	sadd.s32 s5, s13;
	[dreg:$0xb] =	wrdreg s19  }
0x19: {  	s14 =	sadd.s32 s6, s4;
	s4 =	simm.s32 $0xCA00;
	[dreg:$0xa] =	wrdreg s13  }
0x1a: {  	s6 =	simm.s32 $0xCB00;
	s5 =	simm.s32 $0xCA80;
	s13 =	rddreg [dreg:$0x2]  }
0x1b: {  	_ =	strace $0x80000047;
	[dreg:$0xe] =	wrdreg s2;
	s22 =	sadd.s32 s21, s13  }
0x1c: {  	s26 =	sadd.s32 s8, s13;
	s23 =	sadd.s32 s9, s13;
	s19 =	sadd.s32 s10, s13  }
0x1d: {  	s20 =	sadd.s32 s11, s13;
	s21 =	sadd.s32 s12, s13;
	s24 =	sadd.s32 s24, s13  }
0x1e: {  	s0 =	sadd.s32 s0, s13;
	s25 =	sadd.s32 s25, s13;
	s10 =	simm.s32 $0xCD00  }
0x1f: {  	s2 =	simm.s32 $0xC900;
	s8 =	simm.s32 $0xCC00;
	s9 =	simm.s32 $0xCC80  }
0x20: {  	s11 =	simm.s32 $0x1;
	s12 =	simm.s32 $0x0;
	[dreg:$0xf] =	wrdreg s22  }
0x21: {  	[dreg:$0x10] =	wrdreg s23;
	s22 =	sadd.s32 s15, s13;
	s0 =	sshrl.u32 s0, $0x3  }
0x22: {  	v0 =	vimm.f32 $1.000000000e+00;
	v1 =	vimm.f32 $0.0e+00;
	s23 =	sadd.s32 s16, s13;
	[dreg:$0x11] =	wrdreg s0;
	s0 =	simm.s32 $0xC880  }
.LBB2_1:
0x23: {  	s15 =	simm.s32 $0x0  }
.LBB2_2:
0x24: {  	p0 =	sne.s32 s15, $0x1FC0  }
.Ltmp0:
0x25: {  	_ = 	snop;
	(pc) =	sbr.rel @p0 .LBB2_2-.Ltmp0, $3  }
0x26: {  	_ =	sdelay $0x1  }
0x27: {  	s16 =	sshra.s32 s15, $0x2  }
0x28: {  	s15 =	sadd.s32 $0x40, s15;
	[tilespmem:s16+$0xCD00] =	vst v0  }
0x29: {  	s15 =	simm.s32 $0x40;
	s16 =	simm.s32 $0x0  }
.LBB2_4:
0x2a: {  	p0 =	sne.s32 s15, $0x4FC0;
	[tilespmem:s16+$0xD500] =	vst v1;
	s16 =	smov.u32 s15;
	s15 =	sadd.s32 $0x40, s15  }
.Ltmp1:
0x2b: {  	(pc) =	sbr.rel @p0 .LBB2_4-.Ltmp1, $2  }
0x2c: {  	_ =	sdelay $0x2  }
0x2d: {  	s16 =	sshra.s32 s16, $0x2  }
0x2e: {  	[tilespmem:s16+$0xD500] =	vst v1;
	s15 =	rddreg [dreg:$0xf]  }
0x2f: {  	[spmem:s15] =	stream.linear.scatter [tilespmem:s28], [sflag:$0x2], $0x1400, $0x38;
	[tilespmem:$0xE900] =	vst v63  }
0x30: {  	_ =	swait.ge [sflag:s29], $0x1400  }
0x31: {  	[sflag:s29] =	ssyncset.done $0x0  }
0x32: {  	[sflag:s29] =	ssyncadd.s32 $0xFFFFEC00  }
0x33: {  	[spmem:s26] =	stream.linear.scatter [tilespmem:s28], [sflag:$0x2], $0x1400, $0x38;
	[tilespmem:$0xE900] =	vst v63  }
0x34: {  	_ =	swait.ge [sflag:s29], $0x1400  }
0x35: {  	[sflag:s29] =	ssyncset.done $0x0  }
0x36: {  	s17 =	rddreg [dreg:$0x10];
	[sflag:s29] =	ssyncadd.s32 $0xFFFFEC00  }
0x37: {  	[spmem:s17] =	stream.linear.scatter [tilespmem:s28], [sflag:$0x2], $0x1400, $0x38;
	[tilespmem:$0xE900] =	vst v63  }
0x38: {  	_ =	swait.ge [sflag:s29], $0x1400  }
0x39: {  	[sflag:s29] =	ssyncset.done $0x0  }
0x3a: {  	[sflag:s29] =	ssyncadd.s32 $0xFFFFEC00  }
0x3b: {  	[spmem:s19] =	stream.linear.scatter [tilespmem:s28], [sflag:$0x2], $0x1400, $0x38;
	[tilespmem:$0xE900] =	vst v63  }
0x3c: {  	_ =	swait.ge [sflag:s29], $0x1400  }
0x3d: {  	[sflag:s29] =	ssyncset.done $0x0  }
0x3e: {  	[sflag:s29] =	ssyncadd.s32 $0xFFFFEC00  }
0x3f: {  	[spmem:s20] =	stream.linear.scatter [tilespmem:s28], [sflag:$0x2], $0x1400, $0x38;
	[tilespmem:$0xE900] =	vst v63  }
0x40: {  	_ =	swait.ge [sflag:s29], $0x1400  }
0x41: {  	[sflag:s29] =	ssyncset.done $0x0  }
0x42: {  	[sflag:s29] =	ssyncadd.s32 $0xFFFFEC00  }
0x43: {  	[spmem:s21] =	stream.linear.scatter [tilespmem:s28], [sflag:$0x2], $0x1400, $0x38;
	[tilespmem:$0xE900] =	vst v63  }
0x44: {  	_ =	swait.ge [sflag:s29], $0x1400  }
0x45: {  	[sflag:s29] =	ssyncset.done $0x0  }
0x46: {  	[sflag:s29] =	ssyncadd.s32 $0xFFFFEC00  }
0x47: {  	[spmem:s22] =	stream.linear.scatter [tilespmem:s28], [sflag:$0x2], $0x1400, $0x38;
	[tilespmem:$0xE900] =	vst v63  }
0x48: {  	_ =	swait.ge [sflag:s29], $0x1400  }
0x49: {  	[sflag:s29] =	ssyncset.done $0x0  }
0x4a: {  	[sflag:s29] =	ssyncadd.s32 $0xFFFFEC00  }
0x4b: {  	[spmem:s23] =	stream.linear.scatter [tilespmem:s28], [sflag:$0x2], $0x1400, $0x38;
	[tilespmem:$0xE900] =	vst v63  }
0x4c: {  	_ =	swait.ge [sflag:s29], $0x1400  }
0x4d: {  	[sflag:s29] =	ssyncset.done $0x0  }
0x4e: {  	[sflag:s29] =	ssyncadd.s32 $0xFFFFEC00  }
0x4f: {  	[spmem:s24] =	stream.linear.scatter [tilespmem:s28], [sflag:$0x2], $0x1400, $0x38;
	[tilespmem:$0xE900] =	vst v63  }
0x50: {  	_ =	swait.ge [sflag:s29], $0x1400  }
0x51: {  	[sflag:s29] =	ssyncset.done $0x0  }
0x52: {  	[sflag:s29] =	ssyncadd.s32 $0xFFFFEC00  }
0x53: {  	[spmem:s25] =	stream.linear.scatter [tilespmem:s28], [sflag:$0x2], $0x1400, $0x38;
	[tilespmem:$0xE900] =	vst v63  }
0x54: {  	_ =	swait.ge [sflag:s29], $0x1400  }
0x55: {  	[sflag:s29] =	ssyncset.done $0x0  }
0x56: {  	[sflag:s29] =	ssyncadd.s32 $0xFFFFEC00  }
0x57: {  	s18 =	smov.u32 s26;
	s26 =	sadd.s32 $0x0, s14;
	[bflag:$0x0] =	sbarrier.arrive $0xFFFF  }
0x58: {  	[tilespmem:s30], [sflag:$0x2] =	stream.linear.gather [hbm4b:s26+s1], $0x500, $0x38;
	[tilespmem:$0xE900] =	vst v63  }
0x59: {  	_ =	swait.ge [sflag:s29], $0x500  }
0x5a: {  	[sflag:s29] =	ssyncset.done $0x0  }
0x5b: {  	[sflag:s29] =	ssyncadd.s32 $0xFFFFFB00  }
0x5c: {  	[spmem:s13] =	stream.indirect.scatter.add.f32 [tilespmem:s10], [sflag:$0x1], $0x10, s30, s31, $0xb8;
	[tilespmem:$0xE900] =	vst v63  }
0x5d: {  	_ = 	snop  }
0x5e: {  	[spmem:s13] =	stream.indirect.scatter.add.f32 [tilespmem:s10], [sflag:$0x1], $0x10, s0, s31, $0xb8;
	[tilespmem:$0xE900] =	vst v63  }
0x5f: {  	_ = 	snop  }
0x60: {  	[spmem:s13] =	stream.indirect.scatter.add.f32 [tilespmem:s10], [sflag:$0x1], $0x10, s2, s31, $0xb8;
	[tilespmem:$0xE900] =	vst v63  }
0x61: {  	_ = 	snop  }
0x62: {  	[spmem:s13] =	stream.indirect.scatter.add.f32 [tilespmem:s10], [sflag:$0x1], $0x10, s3, s31, $0xb8;
	[tilespmem:$0xE900] =	vst v63  }
0x63: {  	_ = 	snop  }
0x64: {  	[spmem:s13] =	stream.indirect.scatter.add.f32 [tilespmem:s10], [sflag:$0x1], $0x10, s4, s31, $0xb8;
	[tilespmem:$0xE900] =	vst v63  }
0x65: {  	_ = 	snop  }
0x66: {  	[spmem:s13] =	stream.indirect.scatter.add.f32 [tilespmem:s10], [sflag:$0x1], $0x10, s5, s31, $0xb8;
	[tilespmem:$0xE900] =	vst v63  }
0x67: {  	_ = 	snop  }
0x68: {  	[spmem:s13] =	stream.indirect.scatter.add.f32 [tilespmem:s10], [sflag:$0x1], $0x10, s6, s31, $0xb8;
	[tilespmem:$0xE900] =	vst v63  }
0x69: {  	_ = 	snop  }
0x6a: {  	[spmem:s13] =	stream.indirect.scatter.add.f32 [tilespmem:s10], [sflag:$0x1], $0x10, s7, s31, $0xb8;
	[tilespmem:$0xE900] =	vst v63  }
0x6b: {  	_ = 	snop  }
0x6c: {  	[spmem:s13] =	stream.indirect.scatter.add.f32 [tilespmem:s10], [sflag:$0x1], $0x10, s8, s31, $0xb8;
	[tilespmem:$0xE900] =	vst v63  }
0x6d: {  	_ = 	snop  }
0x6e: {  	[spmem:s13] =	stream.indirect.scatter.add.f32 [tilespmem:s10], [sflag:$0x1], $0x10, s9, s31, $0xb8;
	[tilespmem:$0xE900] =	vst v63  }
0x6f: {  	_ =	swait.ge [sflag:s11], $0x800  }
0x70: {  	[sflag:s11] =	ssyncset.done $0x0  }
0x71: {  	[sflag:s11] =	ssyncadd.s32 $0xFFFFF800  }
0x72: {  	_ =	swait.ge [sflag:s11], $0x800  }
0x73: {  	[sflag:s11] =	ssyncset.done $0x0  }
0x74: {  	[sflag:s11] =	ssyncadd.s32 $0xFFFFF800  }
0x75: {  	_ =	swait.ge [sflag:s11], $0x800  }
0x76: {  	[sflag:s11] =	ssyncset.done $0x0  }
0x77: {  	[sflag:s11] =	ssyncadd.s32 $0xFFFFF800  }
0x78: {  	_ =	swait.ge [sflag:s11], $0x800  }
0x79: {  	[sflag:s11] =	ssyncset.done $0x0  }
0x7a: {  	[sflag:s11] =	ssyncadd.s32 $0xFFFFF800  }
0x7b: {  	_ =	swait.ge [sflag:s11], $0x800  }
0x7c: {  	[sflag:s11] =	ssyncset.done $0x0  }
0x7d: {  	[sflag:s11] =	ssyncadd.s32 $0xFFFFF800  }
0x7e: {  	_ =	swait.ge [sflag:s11], $0x800  }
0x7f: {  	[sflag:s11] =	ssyncset.done $0x0  }
0x80: {  	[sflag:s11] =	ssyncadd.s32 $0xFFFFF800  }
0x81: {  	_ =	swait.ge [sflag:s11], $0x800  }
0x82: {  	[sflag:s11] =	ssyncset.done $0x0  }
0x83: {  	[sflag:s11] =	ssyncadd.s32 $0xFFFFF800  }
0x84: {  	_ =	swait.ge [sflag:s11], $0x800  }
0x85: {  	[sflag:s11] =	ssyncset.done $0x0  }
0x86: {  	[sflag:s11] =	ssyncadd.s32 $0xFFFFF800  }
0x87: {  	_ =	swait.ge [sflag:s11], $0x800  }
0x88: {  	[sflag:s11] =	ssyncset.done $0x0  }
0x89: {  	[sflag:s11] =	ssyncadd.s32 $0xFFFFF800  }
0x8a: {  	_ =	swait.ge [sflag:s11], $0x800  }
0x8b: {  	s16 =	simm.s32 $0x140;
	s15 =	simm.s32 $0xA0;
	[sflag:s11] =	ssyncset.done $0x0  }
.LBB2_6:
0x8c: {  	s17 =	sadd.s32 s15, s14  }
0x8d: {  	[sflag:s11] =	ssyncadd.s32 $0xFFFFF800;
	s15 =	smov.u32 s16;
	s26 =	sadd.s32 $0xA0, s16  }
0x8e: {  	[tilespmem:s30], [sflag:$0x2] =	stream.linear.gather [hbm4b:s17+s1], $0x500, $0x38;
	[tilespmem:$0xE900] =	vst v63  }
0x8f: {  	p0 =	sne.s32 s16, $0x1860;
	_ =	swait.ge [sflag:s29], $0x500  }
0x90: {  	[sflag:s29] =	ssyncset.done $0x0  }
0x91: {  	[sflag:s29] =	ssyncadd.s32 $0xFFFFFB00  }
0x92: {  	[spmem:s13] =	stream.indirect.scatter.add.f32 [tilespmem:s10], [sflag:$0x1], $0x10, s30, s31, $0xb8;
	[tilespmem:$0xE900] =	vst v63  }
0x93: {  	_ = 	snop  }
0x94: {  	[spmem:s13] =	stream.indirect.scatter.add.f32 [tilespmem:s10], [sflag:$0x1], $0x10, s0, s31, $0xb8;
	[tilespmem:$0xE900] =	vst v63  }
0x95: {  	_ = 	snop  }
0x96: {  	[spmem:s13] =	stream.indirect.scatter.add.f32 [tilespmem:s10], [sflag:$0x1], $0x10, s2, s31, $0xb8;
	[tilespmem:$0xE900] =	vst v63  }
0x97: {  	_ = 	snop  }
0x98: {  	[spmem:s13] =	stream.indirect.scatter.add.f32 [tilespmem:s10], [sflag:$0x1], $0x10, s3, s31, $0xb8;
	[tilespmem:$0xE900] =	vst v63  }
0x99: {  	_ = 	snop  }
0x9a: {  	[spmem:s13] =	stream.indirect.scatter.add.f32 [tilespmem:s10], [sflag:$0x1], $0x10, s4, s31, $0xb8;
	[tilespmem:$0xE900] =	vst v63  }
0x9b: {  	_ = 	snop  }
0x9c: {  	[spmem:s13] =	stream.indirect.scatter.add.f32 [tilespmem:s10], [sflag:$0x1], $0x10, s5, s31, $0xb8;
	[tilespmem:$0xE900] =	vst v63  }
0x9d: {  	_ = 	snop  }
0x9e: {  	[spmem:s13] =	stream.indirect.scatter.add.f32 [tilespmem:s10], [sflag:$0x1], $0x10, s6, s31, $0xb8;
	[tilespmem:$0xE900] =	vst v63  }
0x9f: {  	_ = 	snop  }
0xa0: {  	[spmem:s13] =	stream.indirect.scatter.add.f32 [tilespmem:s10], [sflag:$0x1], $0x10, s7, s31, $0xb8;
	[tilespmem:$0xE900] =	vst v63  }
0xa1: {  	_ = 	snop  }
0xa2: {  	[spmem:s13] =	stream.indirect.scatter.add.f32 [tilespmem:s10], [sflag:$0x1], $0x10, s8, s31, $0xb8;
	[tilespmem:$0xE900] =	vst v63  }
0xa3: {  	_ = 	snop  }
0xa4: {  	[spmem:s13] =	stream.indirect.scatter.add.f32 [tilespmem:s10], [sflag:$0x1], $0x10, s9, s31, $0xb8;
	[tilespmem:$0xE900] =	vst v63  }
0xa5: {  	_ =	swait.ge [sflag:s11], $0x800  }
0xa6: {  	[sflag:s11] =	ssyncset.done $0x0  }
0xa7: {  	[sflag:s11] =	ssyncadd.s32 $0xFFFFF800  }
0xa8: {  	_ =	swait.ge [sflag:s11], $0x800  }
0xa9: {  	[sflag:s11] =	ssyncset.done $0x0  }
0xaa: {  	[sflag:s11] =	ssyncadd.s32 $0xFFFFF800  }
0xab: {  	_ =	swait.ge [sflag:s11], $0x800  }
0xac: {  	[sflag:s11] =	ssyncset.done $0x0  }
0xad: {  	[sflag:s11] =	ssyncadd.s32 $0xFFFFF800  }
0xae: {  	_ =	swait.ge [sflag:s11], $0x800  }
0xaf: {  	[sflag:s11] =	ssyncset.done $0x0  }
0xb0: {  	[sflag:s11] =	ssyncadd.s32 $0xFFFFF800  }
0xb1: {  	_ =	swait.ge [sflag:s11], $0x800  }
0xb2: {  	[sflag:s11] =	ssyncset.done $0x0  }
0xb3: {  	[sflag:s11] =	ssyncadd.s32 $0xFFFFF800  }
0xb4: {  	_ =	swait.ge [sflag:s11], $0x800  }
0xb5: {  	[sflag:s11] =	ssyncset.done $0x0  }
0xb6: {  	[sflag:s11] =	ssyncadd.s32 $0xFFFFF800  }
0xb7: {  	_ =	swait.ge [sflag:s11], $0x800  }
0xb8: {  	[sflag:s11] =	ssyncset.done $0x0  }
0xb9: {  	[sflag:s11] =	ssyncadd.s32 $0xFFFFF800  }
0xba: {  	_ =	swait.ge [sflag:s11], $0x800  }
0xbb: {  	[sflag:s11] =	ssyncset.done $0x0  }
0xbc: {  	[sflag:s11] =	ssyncadd.s32 $0xFFFFF800  }
.Ltmp2:
0xbd: {  	_ =	swait.ge [sflag:s11], $0x800;
	(pc) =	sbr.rel @p0 .LBB2_6-.Ltmp2, $4  }
0xbe: {  	[sflag:s11] =	ssyncset.done $0x0  }
0xbf: {  	[sflag:s11] =	ssyncadd.s32 $0xFFFFF800  }
0xc0: {  	_ =	swait.ge [sflag:s11], $0x800  }
0xc1: {  	s16 =	smov.u32 s26;
	[sflag:s11] =	ssyncset.done $0x0  }
0xc2: {  	s15 =	sadd.s32 s15, s14;
	[sflag:s11] =	ssyncadd.s32 $0xFFFFF800  }
0xc3: {  	[tilespmem:s30], [sflag:$0x2] =	stream.linear.gather [hbm4b:s15+s1], $0x500, $0x38;
	[tilespmem:$0xE900] =	vst v63  }
0xc4: {  	_ =	swait.ge [sflag:s29], $0x500  }
0xc5: {  	[sflag:s29] =	ssyncset.done $0x0  }
0xc6: {  	[sflag:s29] =	ssyncadd.s32 $0xFFFFFB00  }
0xc7: {  	[spmem:s13] =	stream.indirect.scatter.add.f32 [tilespmem:s10], [sflag:$0x1], $0x10, s30, s31, $0xb8;
	[tilespmem:$0xE900] =	vst v63  }
0xc8: {  	_ = 	snop  }
0xc9: {  	[spmem:s13] =	stream.indirect.scatter.add.f32 [tilespmem:s10], [sflag:$0x1], $0x10, s0, s31, $0xb8;
	[tilespmem:$0xE900] =	vst v63  }
0xca: {  	_ = 	snop  }
0xcb: {  	[spmem:s13] =	stream.indirect.scatter.add.f32 [tilespmem:s10], [sflag:$0x1], $0x10, s2, s31, $0xb8;
	[tilespmem:$0xE900] =	vst v63  }
0xcc: {  	_ = 	snop  }
0xcd: {  	[spmem:s13] =	stream.indirect.scatter.add.f32 [tilespmem:s10], [sflag:$0x1], $0x10, s3, s31, $0xb8;
	[tilespmem:$0xE900] =	vst v63  }
0xce: {  	_ = 	snop  }
0xcf: {  	[spmem:s13] =	stream.indirect.scatter.add.f32 [tilespmem:s10], [sflag:$0x1], $0x10, s4, s31, $0xb8;
	[tilespmem:$0xE900] =	vst v63  }
0xd0: {  	_ = 	snop  }
0xd1: {  	[spmem:s13] =	stream.indirect.scatter.add.f32 [tilespmem:s10], [sflag:$0x1], $0x10, s5, s31, $0xb8;
	[tilespmem:$0xE900] =	vst v63  }
0xd2: {  	_ = 	snop  }
0xd3: {  	[spmem:s13] =	stream.indirect.scatter.add.f32 [tilespmem:s10], [sflag:$0x1], $0x10, s6, s31, $0xb8;
	[tilespmem:$0xE900] =	vst v63  }
0xd4: {  	_ = 	snop  }
0xd5: {  	[spmem:s13] =	stream.indirect.scatter.add.f32 [tilespmem:s10], [sflag:$0x1], $0x10, s7, s31, $0xb8;
	[tilespmem:$0xE900] =	vst v63  }
0xd6: {  	_ = 	snop  }
0xd7: {  	[spmem:s13] =	stream.indirect.scatter.add.f32 [tilespmem:s10], [sflag:$0x1], $0x10, s8, s31, $0xb8;
	[tilespmem:$0xE900] =	vst v63  }
0xd8: {  	_ = 	snop  }
0xd9: {  	[spmem:s13] =	stream.indirect.scatter.add.f32 [tilespmem:s10], [sflag:$0x1], $0x10, s9, s31, $0xb8;
	[tilespmem:$0xE900] =	vst v63  }
0xda: {  	_ =	swait.ge [sflag:s11], $0x800  }
0xdb: {  	[sflag:s11] =	ssyncset.done $0x0  }
0xdc: {  	[sflag:s11] =	ssyncadd.s32 $0xFFFFF800  }
0xdd: {  	_ =	swait.ge [sflag:s11], $0x800  }
0xde: {  	[sflag:s11] =	ssyncset.done $0x0  }
0xdf: {  	[sflag:s11] =	ssyncadd.s32 $0xFFFFF800  }
0xe0: {  	_ =	swait.ge [sflag:s11], $0x800  }
0xe1: {  	[sflag:s11] =	ssyncset.done $0x0  }
0xe2: {  	[sflag:s11] =	ssyncadd.s32 $0xFFFFF800  }
0xe3: {  	_ =	swait.ge [sflag:s11], $0x800  }
0xe4: {  	[sflag:s11] =	ssyncset.done $0x0  }
0xe5: {  	[sflag:s11] =	ssyncadd.s32 $0xFFFFF800  }
0xe6: {  	_ =	swait.ge [sflag:s11], $0x800  }
0xe7: {  	[sflag:s11] =	ssyncset.done $0x0  }
0xe8: {  	[sflag:s11] =	ssyncadd.s32 $0xFFFFF800  }
0xe9: {  	_ =	swait.ge [sflag:s11], $0x800  }
0xea: {  	[sflag:s11] =	ssyncset.done $0x0  }
0xeb: {  	[sflag:s11] =	ssyncadd.s32 $0xFFFFF800  }
0xec: {  	_ =	swait.ge [sflag:s11], $0x800  }
0xed: {  	[sflag:s11] =	ssyncset.done $0x0  }
0xee: {  	[sflag:s11] =	ssyncadd.s32 $0xFFFFF800  }
0xef: {  	_ =	swait.ge [sflag:s11], $0x800  }
0xf0: {  	[sflag:s11] =	ssyncset.done $0x0  }
0xf1: {  	[sflag:s11] =	ssyncadd.s32 $0xFFFFF800  }
0xf2: {  	_ =	swait.ge [sflag:s11], $0x800  }
0xf3: {  	[sflag:s11] =	ssyncset.done $0x0  }
0xf4: {  	[sflag:s11] =	ssyncadd.s32 $0xFFFFF800  }
0xf5: {  	_ =	swait.ge [sflag:s11], $0x800  }
0xf6: {  	[sflag:s11] =	ssyncset.done $0x0  }
0xf7: {  	[sflag:s11] =	ssyncadd.s32 $0xFFFFF800  }
0xf8: {  	s16 =	stileid.u32;
	[bflag:$0x0] =	sbarrier.arrive $0xFFFF  }
0xf9: {  	s15 =	sshll.u32 s16, $0x6;
	s16 =	rddreg [dreg:$0xd]  }
0xfa: {  	s15 =	sor.u32 $0x1C02, s15;
	s17 =	rddreg [dreg:$0x11]  }
0xfb: {  	[hbm:s16], [sflag:s15] =	dma.local [spmem:s17], $0x280  }
0xfc: {  	_ =	swait.ge [sflag:s29], $0x280  }
0xfd: {  	s26 =	smov.u32 s18;
	[sflag:s29] =	ssyncset.done $0x0  }
0xfe: {  	s17 =	sshrl.u32 s18, $0x3;
	s18 =	rddreg [dreg:$0x4];
	[sflag:s29] =	ssyncadd.s32 $0xFFFFFD80  }
0xff: {  	[hbm:s18], [sflag:s15] =	dma.local [spmem:s17], $0x280  }
0x100: {  	_ =	swait.ge [sflag:s29], $0x280  }
0x101: {  	[sflag:s29] =	ssyncset.done $0x0;
	s17 =	rddreg [dreg:$0x10]  }
0x102: {  	s18 =	rddreg [dreg:$0x5];
	[sflag:s29] =	ssyncadd.s32 $0xFFFFFD80;
	s16 =	sshrl.u32 s17, $0x3  }
0x103: {  	[hbm:s18], [sflag:s15] =	dma.local [spmem:s16], $0x280  }
0x104: {  	_ =	swait.ge [sflag:s29], $0x280  }
0x105: {  	[sflag:s29] =	ssyncset.done $0x0  }
0x106: {  	s17 =	sshrl.u32 s19, $0x3;
	s18 =	rddreg [dreg:$0x6];
	[sflag:s29] =	ssyncadd.s32 $0xFFFFFD80  }
0x107: {  	[hbm:s18], [sflag:s15] =	dma.local [spmem:s17], $0x280  }
0x108: {  	_ =	swait.ge [sflag:s29], $0x280  }
0x109: {  	[sflag:s29] =	ssyncset.done $0x0  }
0x10a: {  	s17 =	sshrl.u32 s20, $0x3;
	s18 =	rddreg [dreg:$0x7];
	[sflag:s29] =	ssyncadd.s32 $0xFFFFFD80  }
0x10b: {  	[hbm:s18], [sflag:s15] =	dma.local [spmem:s17], $0x280  }
0x10c: {  	_ =	swait.ge [sflag:s29], $0x280  }
0x10d: {  	[sflag:s29] =	ssyncset.done $0x0  }
0x10e: {  	s17 =	sshrl.u32 s21, $0x3;
	s18 =	rddreg [dreg:$0x8];
	[sflag:s29] =	ssyncadd.s32 $0xFFFFFD80  }
0x10f: {  	[hbm:s18], [sflag:s15] =	dma.local [spmem:s17], $0x280  }
0x110: {  	_ =	swait.ge [sflag:s29], $0x280  }
0x111: {  	[sflag:s29] =	ssyncset.done $0x0  }
0x112: {  	s17 =	sshrl.u32 s22, $0x3;
	s18 =	rddreg [dreg:$0x9];
	[sflag:s29] =	ssyncadd.s32 $0xFFFFFD80  }
0x113: {  	[hbm:s18], [sflag:s15] =	dma.local [spmem:s17], $0x280  }
0x114: {  	_ =	swait.ge [sflag:s29], $0x280  }
0x115: {  	[sflag:s29] =	ssyncset.done $0x0  }
0x116: {  	s17 =	sshrl.u32 s23, $0x3;
	s18 =	rddreg [dreg:$0xa];
	[sflag:s29] =	ssyncadd.s32 $0xFFFFFD80  }
0x117: {  	[hbm:s18], [sflag:s15] =	dma.local [spmem:s17], $0x280  }
0x118: {  	_ =	swait.ge [sflag:s29], $0x280  }
0x119: {  	[sflag:s29] =	ssyncset.done $0x0  }
0x11a: {  	s17 =	sshrl.u32 s24, $0x3;
	s18 =	rddreg [dreg:$0xb];
	[sflag:s29] =	ssyncadd.s32 $0xFFFFFD80  }
0x11b: {  	[hbm:s18], [sflag:s15] =	dma.local [spmem:s17], $0x280  }
0x11c: {  	_ =	swait.ge [sflag:s29], $0x280  }
0x11d: {  	[sflag:s29] =	ssyncset.done $0x0  }
0x11e: {  	s17 =	sshrl.u32 s25, $0x3;
	s18 =	rddreg [dreg:$0xc];
	[sflag:s29] =	ssyncadd.s32 $0xFFFFFD80  }
0x11f: {  	[hbm:s18], [sflag:s15] =	dma.local [spmem:s17], $0x280  }
0x120: {  	_ =	swait.ge [sflag:s29], $0x280  }
0x121: {  	s12 =	sadd.s32 $0x1, s12;
	s18 =	rddreg [dreg:$0xe]  }
0x122: {  	p0 =	sne.s32 s12, s18  }
.Ltmp3:
0x123: {  	_ = 	snop;
	(pc) =	sbr.rel @p0 .LBB2_1-.Ltmp3, $3  }
0x124: {  	_ =	sdelay $0x1  }
0x125: {  	[sflag:s29] =	ssyncset.done $0x0  }
0x126: {  	[sflag:s29] =	ssyncadd.s32 $0xFFFFFD80  }
0x127: {  	_ =	sfence.sel $0x180000  }
0x128: {  	[bflag:$0x0] =	sbarrier.arrive $0xFFFF  }
0x129: {  	_ =	strace $0x90000047  }
0x12a: {  	s0 =	stileid.u32;
	[bflag:$0x2] =	sbarrier.arrive $0xFFFF  }
0x12b: {  	p0 =	sne.s32 s0, $0x0;
	s0 =	rddreg [dreg:$0x3]  }
0x12c: {  	s0 =	sadd.s32 @!p0 $0x100000, s0  }
0x12d: {  	[sflag:s0] =	ssyncadd.tile.s32 @!p0 $0x1;
	_ =	shalt  }
.Lfunc_end2:
_tile_overlayer_lowered:
.L_overlay_start_2:
0x12e: {  	(tag) =	ssettag $0x2  }
0x12f: {  	s0 =	rddreg [dreg:$0x0];
	s2 =	stileid.u32  }
0x130: {  	s1 =	rddreg [dreg:$0x1];
	p0 =	sne.s32 s2, $0x0  }
0x131: {  	s3 =	rddreg [dreg:$0x2];
	[bflag:$0x3] =	sbarrier.arrive $0xFFFF;
	s2 =	simm.s32 @!p0 $0x1C02  }
0x132: {  	[timem:s3], [sflag:s2] =	dma.local @!p0 [hbm:s0], s1  }
0x133: {  	s0 =	simm.s32 @!p0 $0x2  }
0x134: {  	_ =	swait.ge @!p0 [sflag:s0], s1  }
0x135: {  	s1 =	ssub.s32 @!p0 $0x0, s1;
	[sflag:s0] =	ssyncset.done @!p0 $0x0  }
0x136: {  	[sflag:s0] =	ssyncadd.s32 @!p0 s1  }
0x137: {  	[bflag:$0x3] =	sbarrier.arrive $0xFFFF  }
0x138: {  	_ =	shalt  }

</sc_bundles>
